<compile_context>
chip_gen: v7x
topology: tpu7x:2x2x1
jax: 0.10.2.dev20260603
libtpu: 0.0.44.dev20260713+nightly
codegen_flags: <defaults>
</compile_context>

<pallas_src>
import functools

import jax
import jax.numpy as jnp
from jax import lax
from jax.experimental import pallas as pl
from jax.experimental.pallas import tpu as pltpu
from jax.experimental.pallas import tpu_sc as plsc

N = 10000
E = 160000
D_IN = 256
D_HID = 16
N_CLS = 3

NC = 2
NS = 16
NW = NC * NS
CHUNK = 128
N_PAD = 10240
EPW = E // NW
NCHUNK = 40
RPT = N_PAD // NS
DUMP = N_PAD - 1
TAIL = EPW - (NCHUNK - 1) * CHUNK


_GATHER_DNUMS = lax.GatherDimensionNumbers(
    offset_dims=(), collapsed_slice_dims=(0,), start_index_map=(0,))


def _bcast_lane(v, l):
    idx = jnp.full((16, 1), l, jnp.int32)
    return lax.gather(v, idx, _GATHER_DNUMS, (1,),
                      mode=lax.GatherScatterMode.PROMISE_IN_BOUNDS)


def _rsqrt16(x):
    i = plsc.bitcast(x, jnp.int32)
    i = jnp.int32(0x5F3759DF) - lax.shift_right_logical(i, 1)
    y = plsc.bitcast(i, jnp.float32)
    for _ in range(3):
        y = y * (1.5 - 0.5 * x * y * y)
    return y


def _load_slab(edge_hbm, row, wid, buf):
    pltpu.sync_copy(edge_hbm.at[row, pl.ds(wid * EPW, EPW)],
                    buf.at[pl.ds(0, EPW)])
    lanes = lax.iota(jnp.int32, 16)
    first = (NCHUNK - 1) * CHUNK + (TAIL // 16) * 16
    real = buf[pl.ds(first, 16)]
    buf[pl.ds(first, 16)] = jnp.where(lanes < (EPW - first),
                                      real, jnp.int32(DUMP))
    for k in range(first + 16, NCHUNK * CHUNK, 16):
        buf[pl.ds(k, 16)] = jnp.full((16,), DUMP, jnp.int32)


def _build_2d(buf, idx2d):
    @pl.loop(0, NCHUNK)
    def _(j):
        for t in range(CHUNK // 16):
            idx2d[j, pl.ds(t * 16, 16)] = buf[pl.ds(j * CHUNK + t * 16, 16)]


NBUF = 4


def _edge_loop(src_spmem, sall, dst2d, rows, gs, ss, acc):
    def gref(j):
        return src_spmem.at[sall.at[pl.ds(j * CHUNK, CHUNK)]]

    for b in range(NBUF):
        pltpu.async_copy(gref(b), rows[b], gs[b])

    @pl.loop(0, NCHUNK, step=NBUF)
    def _(j):
        for b in range(NBUF):
            pltpu.make_async_copy(gref(j + b), rows[b], gs[b]).wait()
            pltpu.async_copy(rows[b], acc.at[dst2d.at[j + b]], ss[b], add=True)
        for b in range(NBUF):
            pltpu.make_async_copy(rows[b], acc.at[dst2d.at[j + b]],
                                  ss[b]).wait()

            @pl.when(j + NBUF + b < NCHUNK)
            def _():
                pltpu.async_copy(gref(j + NBUF + b), rows[b], gs[b])


@functools.cache
def _sc_kernels():
    mesh = plsc.VectorSubcoreMesh(core_axis_name="c", subcore_axis_name="s")
    partials = jax.ShapeDtypeStruct((NC, N_PAD, D_HID), jnp.float32)
    full = jax.ShapeDtypeStruct((N_PAD, D_HID), jnp.float32)
    cparams = pltpu.CompilerParams(use_tc_tiling_on_sc=False,
                                   needs_layout_passes=False)

    @functools.partial(
        pl.kernel,
        out_type=full,
        mesh=mesh,
        scratch_types=[
            pltpu.VMEM((E // NS,), jnp.int32),
            pltpu.VMEM((N_PAD,), jnp.float32),
            pltpu.VMEM((NS, RPT), jnp.float32),
            pltpu.VMEM((RPT, D_HID), jnp.float32),
            pltpu.VMEM_SHARED((NS, N_PAD), jnp.float32),
        ],
        compiler_params=cparams,
    )
    def sc_dinv(edge_hbm, dinv_hbm, dalla, degacc, dred, dvb, degsh):
        cid = lax.axis_index("c")
        sid = lax.axis_index("s")
        r0 = sid * RPT
        dpt = E // NS
        ones16 = jnp.ones((D_HID,), jnp.float32)
        zero16 = jnp.zeros((D_HID,), jnp.float32)
        pltpu.sync_copy(edge_hbm.at[1, pl.ds(sid * dpt, dpt)], dalla)

        @pl.loop(0, N_PAD // 16)
        def _(i):
            degacc[pl.ds(i * 16, 16)] = zero16

        @pl.loop(0, dpt // 16)
        def _(k):
            idx = dalla[pl.ds(k * 16, 16)]
            plsc.addupdate_scatter(degacc, [idx], ones16)

        pltpu.sync_copy(degacc, degsh.at[sid])
        plsc.subcore_barrier()
        pltpu.sync_copy(degsh.at[pl.ds(0, NS), pl.ds(r0, RPT)], dred)

        @pl.loop(0, RPT // 16)
        def _(v):
            dsum = dred[0, pl.ds(v * 16, 16)]
            for r in range(1, NS):
                dsum = dsum + dred[r, pl.ds(v * 16, 16)]
            dv = _rsqrt16(dsum + 1.0)
            for l in range(16):
                dvb[v * 16 + l, :] = _bcast_lane(dv, l)

        @pl.when((sid < NS // 2) == (cid == 0))
        def _():
            pltpu.sync_copy(dvb, dinv_hbm.at[pl.ds(r0, RPT)])

    @functools.partial(
        pl.kernel,
        out_type=partials,
        mesh=mesh,
        scratch_types=[
            pltpu.VMEM((NCHUNK * CHUNK,), jnp.int32),
            pltpu.VMEM((NCHUNK * CHUNK,), jnp.int32),
            pltpu.VMEM((NCHUNK, CHUNK), jnp.int32),
            *([pltpu.VMEM((CHUNK, D_HID), jnp.float32)] * NBUF),
            pltpu.VMEM((RPT, D_HID), jnp.float32),
            pltpu.VMEM((RPT, D_HID), jnp.float32),
            pltpu.VMEM((RPT, D_HID), jnp.float32),
            pltpu.VMEM_SHARED((N_PAD, D_HID), jnp.float32),
            pltpu.VMEM_SHARED((N_PAD, D_HID), jnp.float32),
            *([pltpu.SemaphoreType.DMA] * (2 * NBUF)),
        ],
        compiler_params=cparams,
    )
    def sc_spmm1(h1_hbm, dinv_hbm, edge_hbm, zeros_hbm, s1p_hbm,
                 sall, dall, dst2d, *rest):
        rows = rest[0:NBUF]
        h1b, g1b, dvb, g1s, accs = rest[NBUF:NBUF + 5]
        gs = rest[NBUF + 5:NBUF + 5 + NBUF]
        ss = rest[NBUF + 5 + NBUF:NBUF + 5 + 2 * NBUF]
        cid = lax.axis_index("c")
        sid = lax.axis_index("s")
        wid = cid * NS + sid
        r0 = sid * RPT
        pltpu.sync_copy(h1_hbm.at[pl.ds(r0, RPT)], h1b)
        pltpu.sync_copy(dinv_hbm.at[pl.ds(r0, RPT)], dvb)
        _load_slab(edge_hbm, 0, wid, sall)
        _load_slab(edge_hbm, 1, wid, dall)
        _build_2d(dall, dst2d)

        @pl.loop(0, RPT)
        def _(i):
            g1b[i, :] = dvb[i, :] * h1b[i, :]

        pltpu.sync_copy(g1b, g1s.at[pl.ds(r0, RPT)])

        @pl.when(cid == 0)
        def _():
            pltpu.sync_copy(g1b, accs.at[pl.ds(r0, RPT)])

        @pl.when(cid != 0)
        def _():
            pltpu.sync_copy(zeros_hbm.at[pl.ds(r0, RPT)],
                            accs.at[pl.ds(r0, RPT)])

        plsc.subcore_barrier()
        _edge_loop(g1s, sall, dst2d, rows, gs, ss, accs)
        plsc.subcore_barrier()
        pltpu.sync_copy(accs.at[pl.ds(r0, RPT)],
                        s1p_hbm.at[cid, pl.ds(r0, RPT)])

    @functools.partial(
        pl.kernel,
        out_type=partials,
        mesh=mesh,
        scratch_types=[
            pltpu.VMEM((NCHUNK * CHUNK,), jnp.int32),
            pltpu.VMEM((NCHUNK * CHUNK,), jnp.int32),
            pltpu.VMEM((NCHUNK, CHUNK), jnp.int32),
            *([pltpu.VMEM((CHUNK, D_HID), jnp.float32)] * NBUF),
            pltpu.VMEM((RPT, D_HID), jnp.float32),
            pltpu.VMEM((RPT, D_HID), jnp.float32),
            pltpu.VMEM((RPT, D_HID), jnp.float32),
            pltpu.VMEM((D_HID,), jnp.float32),
            pltpu.VMEM_SHARED((N_PAD, D_HID), jnp.float32),
            pltpu.VMEM_SHARED((N_PAD, D_HID), jnp.float32),
            *([pltpu.SemaphoreType.DMA] * (2 * NBUF)),
        ],
        compiler_params=cparams,
    )
    def sc_spmm2(s1p_hbm, dinv_hbm, b1_hbm, edge_hbm, zeros_hbm, s2p_hbm,
                 sall, dall, dst2d, *rest):
        rows = rest[0:NBUF]
        p0b, p1b, dvb, b1v, us, accs = rest[NBUF:NBUF + 6]
        gs = rest[NBUF + 6:NBUF + 6 + NBUF]
        ss = rest[NBUF + 6 + NBUF:NBUF + 6 + 2 * NBUF]
        cid = lax.axis_index("c")
        sid = lax.axis_index("s")
        wid = cid * NS + sid
        r0 = sid * RPT
        pltpu.sync_copy(s1p_hbm.at[0, pl.ds(r0, RPT)], p0b)
        pltpu.sync_copy(s1p_hbm.at[1, pl.ds(r0, RPT)], p1b)
        pltpu.sync_copy(dinv_hbm.at[pl.ds(r0, RPT)], dvb)
        pltpu.sync_copy(b1_hbm, b1v)
        _load_slab(edge_hbm, 0, wid, sall)
        _load_slab(edge_hbm, 1, wid, dall)
        _build_2d(dall, dst2d)
        b1r = b1v[...]

        @pl.loop(0, RPT)
        def _(i):
            dv = dvb[i, :]
            z = jnp.maximum(dv * (p0b[i, :] + p1b[i, :]) + b1r, 0.0)
            p0b[i, :] = dv * z

        pltpu.sync_copy(p0b, us.at[pl.ds(r0, RPT)])

        @pl.when(cid == 0)
        def _():
            pltpu.sync_copy(p0b, accs.at[pl.ds(r0, RPT)])

        @pl.when(cid != 0)
        def _():
            pltpu.sync_copy(zeros_hbm.at[pl.ds(r0, RPT)],
                            accs.at[pl.ds(r0, RPT)])

        plsc.subcore_barrier()
        _edge_loop(us, sall, dst2d, rows, gs, ss, accs)
        plsc.subcore_barrier()

        pltpu.sync_copy(accs.at[pl.ds(r0, RPT)], p1b)

        @pl.loop(0, RPT)
        def _(i):
            p1b[i, :] = p1b[i, :] * dvb[i, :]

        pltpu.sync_copy(p1b, s2p_hbm.at[cid, pl.ds(r0, RPT)])

    return sc_dinv, sc_spmm1, sc_spmm2


def _tc_mm_body(x_ref, w_ref, o_ref):
    h = jnp.dot(x_ref[...].astype(jnp.bfloat16),
                w_ref[...].astype(jnp.bfloat16),
                preferred_element_type=jnp.float32)
    o_ref[...] = jnp.pad(h, ((0, N_PAD - N), (0, 0)))


def _tc_final_body(s2p_ref, w2_ref, b2_ref, o_ref):
    y = s2p_ref[0] + s2p_ref[1]
    w2p = jnp.pad(w2_ref[...], ((0, 0), (0, D_HID - N_CLS)))
    b2p = jnp.pad(b2_ref[...], (0, D_HID - N_CLS), constant_values=-1e30)
    logits = jnp.dot(y, w2p, preferred_element_type=jnp.float32) + b2p
    m = jnp.max(logits, axis=1, keepdims=True)
    e = jnp.exp(logits - m)
    lse = m + jnp.log(jnp.sum(e, axis=1, keepdims=True))
    o_ref[...] = (logits - lse)[:N, :N_CLS]


def _f32(shape):
    return jax.ShapeDtypeStruct(shape, jnp.float32)


def kernel(x, edge_index, W1, b1, W2, b2):
    sc_dinv, sc_spmm1, sc_spmm2 = _sc_kernels()
    zeros = jnp.zeros((N_PAD, D_HID), jnp.float32)

    h1 = pl.pallas_call(_tc_mm_body, out_shape=_f32((N_PAD, D_HID)))(x, W1)
    dinvb = sc_dinv(edge_index)
    s1p = sc_spmm1(h1, dinvb, edge_index, zeros)
    s2p = sc_spmm2(s1p, dinvb, b1, edge_index, zeros)
    out = pl.pallas_call(_tc_final_body, out_shape=_f32((N, N_CLS)))(
        s2p, W2, b2)
    return out

# --- scband reference (transcript-rebuilt; emitter-appended) ---
"""Pipeline reference for scband-gnn-56358560858655 (READ-ONLY COPY).

The authoritative reference and input builder live on the scoring server;
editing this copy changes nothing except your own understanding.
"""

import jax, jax.numpy as jnp
import numpy as np

N = 10000
E = 160000
D_IN = 256
D_HID = 16
N_CLS = 3


def gcn_layer(x, W, b, src, dst, n):
    # GCNConv: h = X @ W, then symmetric-normalized propagation with self-loops
    h = x @ W
    loops = jnp.arange(n, dtype=src.dtype)
    src2 = jnp.concatenate([src, loops])
    dst2 = jnp.concatenate([dst, loops])
    deg = jnp.zeros((n,), dtype=h.dtype).at[dst2].add(1.0)
    dinv = jax.lax.rsqrt(deg)
    norm = dinv[src2] * dinv[dst2]
    msg = h[src2] * norm[:, None]
    out = jnp.zeros((n, h.shape[1]), dtype=h.dtype).at[dst2].add(msg)
    return out + b


def setup_inputs(seed: int = 0) -> dict:
    key = jax.random.key(seed)
    k1, k2, k3, k4 = jax.random.split(key, 4)
    x = jax.random.normal(k1, (N, D_IN), dtype=jnp.float32)
    edge_index = jax.random.randint(k2, (2, E), 0, N, dtype=jnp.int32)
    W1 = jax.random.normal(k3, (D_IN, D_HID), dtype=jnp.float32) * (1.0 / np.sqrt(D_IN))
    b1 = jnp.zeros((D_HID,), dtype=jnp.float32)
    W2 = jax.random.normal(k4, (D_HID, N_CLS), dtype=jnp.float32) * (1.0 / np.sqrt(D_HID))
    b2 = jnp.zeros((N_CLS,), dtype=jnp.float32)
    return {"x": x, "edge_index": edge_index, "W1": W1, "b1": b1, "W2": W2, "b2": b2}


def reference(x, edge_index, W1, b1, W2, b2):
    src = edge_index[0]
    dst = edge_index[1]
    h = gcn_layer(x, W1, b1, src, dst, N)
    h = jax.nn.relu(h)
    h = gcn_layer(h, W2, b2, src, dst, N)
    return jax.nn.log_softmax(h, axis=1)

if __name__ == "__main__":
    import jax
    _d = setup_inputs()
    print(jax.jit(kernel)(*tuple(_d.values())))

</pallas_src>

<mosaic_0001>
#map = affine_map<(d0, d1) -> (0, 0, 0)>
#map1 = affine_map<(d0, d1) -> (0, 0)>
#map2 = affine_map<(d0, d1) -> (0)>
module attributes {stable_mosaic.version = 14 : i64} {
  func.func @sc_spmm2(%arg0: i32, %arg1: i32, %arg2: memref<2x10240x16xf32, #tpu.memory_space<hbm>>, %arg3: memref<10240x16xf32, #tpu.memory_space<hbm>>, %arg4: memref<16xf32, #tpu.memory_space<hbm>>, %arg5: memref<2x160000xi32, #tpu.memory_space<hbm>>, %arg6: memref<10240x16xf32, #tpu.memory_space<hbm>>, %arg7: memref<2x10240x16xf32, #tpu.memory_space<hbm>>, %arg8: memref<5120xi32, #tpu.memory_space<vmem>>, %arg9: memref<5120xi32, #tpu.memory_space<vmem>>, %arg10: memref<40x128xi32, #tpu.memory_space<vmem>>, %arg11: memref<128x16xf32, #tpu.memory_space<vmem>>, %arg12: memref<128x16xf32, #tpu.memory_space<vmem>>, %arg13: memref<128x16xf32, #tpu.memory_space<vmem>>, %arg14: memref<128x16xf32, #tpu.memory_space<vmem>>, %arg15: memref<640x16xf32, #tpu.memory_space<vmem>>, %arg16: memref<640x16xf32, #tpu.memory_space<vmem>>, %arg17: memref<640x16xf32, #tpu.memory_space<vmem>>, %arg18: memref<16xf32, #tpu.memory_space<vmem>>, %arg19: memref<10240x16xf32, #tpu.memory_space<vmem_shared>>, %arg20: memref<10240x16xf32, #tpu.memory_space<vmem_shared>>, %arg21: memref<!tpu.dma_semaphore, #tpu.memory_space<semaphore_mem>>, %arg22: memref<!tpu.dma_semaphore, #tpu.memory_space<semaphore_mem>>, %arg23: memref<!tpu.dma_semaphore, #tpu.memory_space<semaphore_mem>>, %arg24: memref<!tpu.dma_semaphore, #tpu.memory_space<semaphore_mem>>, %arg25: memref<!tpu.dma_semaphore, #tpu.memory_space<semaphore_mem>>, %arg26: memref<!tpu.dma_semaphore, #tpu.memory_space<semaphore_mem>>, %arg27: memref<!tpu.dma_semaphore, #tpu.memory_space<semaphore_mem>>, %arg28: memref<!tpu.dma_semaphore, #tpu.memory_space<semaphore_mem>>) attributes {dimension_semantics = [#tpu.dimension_semantics<core_parallel>, #tpu.dimension_semantics<subcore_parallel>], iteration_bounds = array<i64: 2, 16>, scalar_prefetch = 0 : i64, scratch_operands = 21 : i64, tpu.core_type = #tpu.core_type<sc_vector_subcore>, window_params = [{transform_indices = #map}, {transform_indices = #map1}, {transform_indices = #map2}, {transform_indices = #map1}, {transform_indices = #map1}, {transform_indices = #map}]} {
    %mul3A = arith.constant 16 : i32
    %mul3A_0 = arith.muli %arg0, %mul3A : i32
    %add3A = arith.addi %mul3A_0, %arg1 : i32
    %mul3A_1 = arith.constant 640 : i32
    %mul3A_2 = arith.muli %arg1, %mul3A_1 : i32
    %run_scoped3A = arith.constant 0 : i32
    "tpu.region"() ({
      %run_scoped3A_128 = tpu.sem_alloc : memref<!tpu.dma_semaphore, #tpu.memory_space<semaphore_mem>>
      %dma_start3A_129 = arith.constant 0 : i32
      %dma_start3A_130 = tpu.memref_slice %arg2[%run_scoped3A, %mul3A_2, %dma_start3A_129] : memref<2x10240x16xf32, #tpu.memory_space<hbm>> -> memref<1x640x16xf32, #tpu.memory_space<hbm>>
      %dma_start3A_131 = tpu.memref_squeeze %dma_start3A_130 : memref<1x640x16xf32, #tpu.memory_space<hbm>> -> memref<640x16xf32, #tpu.memory_space<hbm>>
      %dma_start3A_132 = arith.constant 0 : i32
      %dma_start3A_133 = tpu.memref_slice %arg2[%run_scoped3A, %mul3A_2, %dma_start3A_132] : memref<2x10240x16xf32, #tpu.memory_space<hbm>> -> memref<1x640x16xf32, #tpu.memory_space<hbm>>
      %dma_start3A_134 = tpu.memref_squeeze %dma_start3A_133 : memref<1x640x16xf32, #tpu.memory_space<hbm>> -> memref<640x16xf32, #tpu.memory_space<hbm>>
      tpu.enqueue_dma source(%dma_start3A_134 : memref<640x16xf32, #tpu.memory_space<hbm>>) target(%arg15 : memref<640x16xf32, #tpu.memory_space<vmem>>) target_semaphore(%run_scoped3A_128 : memref<!tpu.dma_semaphore, #tpu.memory_space<semaphore_mem>>)
      %dma_wait3A = arith.constant 0 : i32
      %dma_wait3A_135 = tpu.memref_slice %arg2[%run_scoped3A, %mul3A_2, %dma_wait3A] : memref<2x10240x16xf32, #tpu.memory_space<hbm>> -> memref<1x640x16xf32, #tpu.memory_space<hbm>>
      %dma_wait3A_136 = tpu.memref_squeeze %dma_wait3A_135 : memref<1x640x16xf32, #tpu.memory_space<hbm>> -> memref<640x16xf32, #tpu.memory_space<hbm>>
      %dma_wait3A_137 = arith.constant 0 : i32
      %dma_wait3A_138 = tpu.memref_slice %arg2[%run_scoped3A, %mul3A_2, %dma_wait3A_137] : memref<2x10240x16xf32, #tpu.memory_space<hbm>> -> memref<1x640x16xf32, #tpu.memory_space<hbm>>
      %dma_wait3A_139 = tpu.memref_squeeze %dma_wait3A_138 : memref<1x640x16xf32, #tpu.memory_space<hbm>> -> memref<640x16xf32, #tpu.memory_space<hbm>>
      tpu.wait_dma2 semaphore(%run_scoped3A_128 : memref<!tpu.dma_semaphore, #tpu.memory_space<semaphore_mem>>) src(%dma_wait3A_139 : memref<640x16xf32, #tpu.memory_space<hbm>>) dst(%arg15 : memref<640x16xf32, #tpu.memory_space<vmem>>)
      tpu.yield
    }) : () -> ()
    %run_scoped3A_3 = arith.constant 1 : i32
    "tpu.region"() ({
      %run_scoped3A_128 = tpu.sem_alloc : memref<!tpu.dma_semaphore, #tpu.memory_space<semaphore_mem>>
      %dma_start3A_129 = arith.constant 0 : i32
      %dma_start3A_130 = tpu.memref_slice %arg2[%run_scoped3A_3, %mul3A_2, %dma_start3A_129] : memref<2x10240x16xf32, #tpu.memory_space<hbm>> -> memref<1x640x16xf32, #tpu.memory_space<hbm>>
      %dma_start3A_131 = tpu.memref_squeeze %dma_start3A_130 : memref<1x640x16xf32, #tpu.memory_space<hbm>> -> memref<640x16xf32, #tpu.memory_space<hbm>>
      %dma_start3A_132 = arith.constant 0 : i32
      %dma_start3A_133 = tpu.memref_slice %arg2[%run_scoped3A_3, %mul3A_2, %dma_start3A_132] : memref<2x10240x16xf32, #tpu.memory_space<hbm>> -> memref<1x640x16xf32, #tpu.memory_space<hbm>>
      %dma_start3A_134 = tpu.memref_squeeze %dma_start3A_133 : memref<1x640x16xf32, #tpu.memory_space<hbm>> -> memref<640x16xf32, #tpu.memory_space<hbm>>
      tpu.enqueue_dma source(%dma_start3A_134 : memref<640x16xf32, #tpu.memory_space<hbm>>) target(%arg16 : memref<640x16xf32, #tpu.memory_space<vmem>>) target_semaphore(%run_scoped3A_128 : memref<!tpu.dma_semaphore, #tpu.memory_space<semaphore_mem>>)
      %dma_wait3A = arith.constant 0 : i32
      %dma_wait3A_135 = tpu.memref_slice %arg2[%run_scoped3A_3, %mul3A_2, %dma_wait3A] : memref<2x10240x16xf32, #tpu.memory_space<hbm>> -> memref<1x640x16xf32, #tpu.memory_space<hbm>>
      %dma_wait3A_136 = tpu.memref_squeeze %dma_wait3A_135 : memref<1x640x16xf32, #tpu.memory_space<hbm>> -> memref<640x16xf32, #tpu.memory_space<hbm>>
      %dma_wait3A_137 = arith.constant 0 : i32
      %dma_wait3A_138 = tpu.memref_slice %arg2[%run_scoped3A_3, %mul3A_2, %dma_wait3A_137] : memref<2x10240x16xf32, #tpu.memory_space<hbm>> -> memref<1x640x16xf32, #tpu.memory_space<hbm>>
      %dma_wait3A_139 = tpu.memref_squeeze %dma_wait3A_138 : memref<1x640x16xf32, #tpu.memory_space<hbm>> -> memref<640x16xf32, #tpu.memory_space<hbm>>
      tpu.wait_dma2 semaphore(%run_scoped3A_128 : memref<!tpu.dma_semaphore, #tpu.memory_space<semaphore_mem>>) src(%dma_wait3A_139 : memref<640x16xf32, #tpu.memory_space<hbm>>) dst(%arg16 : memref<640x16xf32, #tpu.memory_space<vmem>>)
      tpu.yield
    }) : () -> ()
    "tpu.region"() ({
      %run_scoped3A_128 = tpu.sem_alloc : memref<!tpu.dma_semaphore, #tpu.memory_space<semaphore_mem>>
      %dma_start3A_129 = arith.constant 0 : i32
      %dma_start3A_130 = tpu.memref_slice %arg3[%mul3A_2, %dma_start3A_129] : memref<10240x16xf32, #tpu.memory_space<hbm>> -> memref<640x16xf32, #tpu.memory_space<hbm>>
      %dma_start3A_131 = arith.constant 0 : i32
      %dma_start3A_132 = tpu.memref_slice %arg3[%mul3A_2, %dma_start3A_131] : memref<10240x16xf32, #tpu.memory_space<hbm>> -> memref<640x16xf32, #tpu.memory_space<hbm>>
      tpu.enqueue_dma source(%dma_start3A_132 : memref<640x16xf32, #tpu.memory_space<hbm>>) target(%arg17 : memref<640x16xf32, #tpu.memory_space<vmem>>) target_semaphore(%run_scoped3A_128 : memref<!tpu.dma_semaphore, #tpu.memory_space<semaphore_mem>>)
      %dma_wait3A = arith.constant 0 : i32
      %dma_wait3A_133 = tpu.memref_slice %arg3[%mul3A_2, %dma_wait3A] : memref<10240x16xf32, #tpu.memory_space<hbm>> -> memref<640x16xf32, #tpu.memory_space<hbm>>
      %dma_wait3A_134 = arith.constant 0 : i32
      %dma_wait3A_135 = tpu.memref_slice %arg3[%mul3A_2, %dma_wait3A_134] : memref<10240x16xf32, #tpu.memory_space<hbm>> -> memref<640x16xf32, #tpu.memory_space<hbm>>
      tpu.wait_dma2 semaphore(%run_scoped3A_128 : memref<!tpu.dma_semaphore, #tpu.memory_space<semaphore_mem>>) src(%dma_wait3A_135 : memref<640x16xf32, #tpu.memory_space<hbm>>) dst(%arg17 : memref<640x16xf32, #tpu.memory_space<vmem>>)
      tpu.yield
    }) : () -> ()
    "tpu.region"() ({
      %run_scoped3A_128 = tpu.sem_alloc : memref<!tpu.dma_semaphore, #tpu.memory_space<semaphore_mem>>
      tpu.enqueue_dma source(%arg4 : memref<16xf32, #tpu.memory_space<hbm>>) target(%arg18 : memref<16xf32, #tpu.memory_space<vmem>>) target_semaphore(%run_scoped3A_128 : memref<!tpu.dma_semaphore, #tpu.memory_space<semaphore_mem>>)
      tpu.wait_dma2 semaphore(%run_scoped3A_128 : memref<!tpu.dma_semaphore, #tpu.memory_space<semaphore_mem>>) src(%arg4 : memref<16xf32, #tpu.memory_space<hbm>>) dst(%arg18 : memref<16xf32, #tpu.memory_space<vmem>>)
      tpu.yield
    }) : () -> ()
    %mul3A_4 = arith.constant 5000 : i32
    %mul3A_5 = arith.muli %add3A, %mul3A_4 : i32
    %run_scoped3A_6 = arith.constant 0 : i32
    "tpu.region"() ({
      %run_scoped3A_128 = tpu.sem_alloc : memref<!tpu.dma_semaphore, #tpu.memory_space<semaphore_mem>>
      %dma_start3A_129 = arith.constant 0 : i32
      %dma_start3A_130 = tpu.memref_slice %arg8[%dma_start3A_129] : memref<5120xi32, #tpu.memory_space<vmem>> -> memref<5000xi32, #tpu.memory_space<vmem>>
      %dma_start3A_131 = tpu.memref_slice %arg5[%run_scoped3A_6, %mul3A_5] : memref<2x160000xi32, #tpu.memory_space<hbm>> -> memref<1x5000xi32, #tpu.memory_space<hbm>>
      %dma_start3A_132 = tpu.memref_squeeze %dma_start3A_131 : memref<1x5000xi32, #tpu.memory_space<hbm>> -> memref<5000xi32, #tpu.memory_space<hbm>>
      %dma_start3A_133 = arith.constant 0 : i32
      %dma_start3A_134 = tpu.memref_slice %arg8[%dma_start3A_133] : memref<5120xi32, #tpu.memory_space<vmem>> -> memref<5000xi32, #tpu.memory_space<vmem>>
      %dma_start3A_135 = tpu.memref_slice %arg5[%run_scoped3A_6, %mul3A_5] : memref<2x160000xi32, #tpu.memory_space<hbm>> -> memref<1x5000xi32, #tpu.memory_space<hbm>>
      %dma_start3A_136 = tpu.memref_squeeze %dma_start3A_135 : memref<1x5000xi32, #tpu.memory_space<hbm>> -> memref<5000xi32, #tpu.memory_space<hbm>>
      tpu.enqueue_dma source(%dma_start3A_136 : memref<5000xi32, #tpu.memory_space<hbm>>) target(%dma_start3A_134 : memref<5000xi32, #tpu.memory_space<vmem>>) target_semaphore(%run_scoped3A_128 : memref<!tpu.dma_semaphore, #tpu.memory_space<semaphore_mem>>)
      %dma_wait3A = arith.constant 0 : i32
      %dma_wait3A_137 = tpu.memref_slice %arg8[%dma_wait3A] : memref<5120xi32, #tpu.memory_space<vmem>> -> memref<5000xi32, #tpu.memory_space<vmem>>
      %dma_wait3A_138 = tpu.memref_slice %arg5[%run_scoped3A_6, %mul3A_5] : memref<2x160000xi32, #tpu.memory_space<hbm>> -> memref<1x5000xi32, #tpu.memory_space<hbm>>
      %dma_wait3A_139 = tpu.memref_squeeze %dma_wait3A_138 : memref<1x5000xi32, #tpu.memory_space<hbm>> -> memref<5000xi32, #tpu.memory_space<hbm>>
      %dma_wait3A_140 = arith.constant 0 : i32
      %dma_wait3A_141 = tpu.memref_slice %arg8[%dma_wait3A_140] : memref<5120xi32, #tpu.memory_space<vmem>> -> memref<5000xi32, #tpu.memory_space<vmem>>
      %dma_wait3A_142 = tpu.memref_slice %arg5[%run_scoped3A_6, %mul3A_5] : memref<2x160000xi32, #tpu.memory_space<hbm>> -> memref<1x5000xi32, #tpu.memory_space<hbm>>
      %dma_wait3A_143 = tpu.memref_squeeze %dma_wait3A_142 : memref<1x5000xi32, #tpu.memory_space<hbm>> -> memref<5000xi32, #tpu.memory_space<hbm>>
      tpu.wait_dma2 semaphore(%run_scoped3A_128 : memref<!tpu.dma_semaphore, #tpu.memory_space<semaphore_mem>>) src(%dma_wait3A_143 : memref<5000xi32, #tpu.memory_space<hbm>>) dst(%dma_wait3A_141 : memref<5000xi32, #tpu.memory_space<vmem>>)
      tpu.yield
    }) : () -> ()
    %iota3A = tpu.iota {dimensions = array<i32: 0>} : vector<16xi32>
    %get3A = arith.constant 4992 : index
    %get3A_7 = tpu.vector_load %arg8[%get3A] {strides = array<i32>} : memref<5120xi32, #tpu.memory_space<vmem>>, vector<16xi32>,
    %lt3A = arith.constant 8 : i32
    %lt3A_8 = vector.broadcast %lt3A : i32 to vector<16xi32>
    %lt3A_9 = arith.cmpi slt, %iota3A, %lt3A_8 : vector<16xi32>
    %jit3A = arith.constant 10239 : i32
    %broadcast_in_dim3A = vector.broadcast %jit3A : i32 to vector<16xi32>
    %select_n3A = arith.select %lt3A_9, %get3A_7, %broadcast_in_dim3A : vector<16xi1>, vector<16xi32>
    %swap3A = arith.constant 4992 : index
    %swap3A_10 = tpu.vector_load %arg8[%swap3A] {strides = array<i32>} : memref<5120xi32, #tpu.memory_space<vmem>>, vector<16xi32>,
    tpu.vector_store %arg8[%swap3A], %select_n3A {strides = array<i32>} : memref<5120xi32, #tpu.memory_space<vmem>>, vector<16xi32>,
    %broadcast_in_dim3A_11 = arith.constant 10239 : i32
    %broadcast_in_dim3A_12 = vector.broadcast %broadcast_in_dim3A_11 : i32 to vector<16xi32>
    %swap3A_13 = arith.constant 5008 : index
    %swap3A_14 = tpu.vector_load %arg8[%swap3A_13] {strides = array<i32>} : memref<5120xi32, #tpu.memory_space<vmem>>, vector<16xi32>,
    tpu.vector_store %arg8[%swap3A_13], %broadcast_in_dim3A_12 {strides = array<i32>} : memref<5120xi32, #tpu.memory_space<vmem>>, vector<16xi32>,
    %broadcast_in_dim3A_15 = arith.constant 10239 : i32
    %broadcast_in_dim3A_16 = vector.broadcast %broadcast_in_dim3A_15 : i32 to vector<16xi32>
    %swap3A_17 = arith.constant 5024 : index
    %swap3A_18 = tpu.vector_load %arg8[%swap3A_17] {strides = array<i32>} : memref<5120xi32, #tpu.memory_space<vmem>>, vector<16xi32>,
    tpu.vector_store %arg8[%swap3A_17], %broadcast_in_dim3A_16 {strides = array<i32>} : memref<5120xi32, #tpu.memory_space<vmem>>, vector<16xi32>,
    %broadcast_in_dim3A_19 = arith.constant 10239 : i32
    %broadcast_in_dim3A_20 = vector.broadcast %broadcast_in_dim3A_19 : i32 to vector<16xi32>
    %swap3A_21 = arith.constant 5040 : index
    %swap3A_22 = tpu.vector_load %arg8[%swap3A_21] {strides = array<i32>} : memref<5120xi32, #tpu.memory_space<vmem>>, vector<16xi32>,
    tpu.vector_store %arg8[%swap3A_21], %broadcast_in_dim3A_20 {strides = array<i32>} : memref<5120xi32, #tpu.memory_space<vmem>>, vector<16xi32>,
    %broadcast_in_dim3A_23 = arith.constant 10239 : i32
    %broadcast_in_dim3A_24 = vector.broadcast %broadcast_in_dim3A_23 : i32 to vector<16xi32>
    %swap3A_25 = arith.constant 5056 : index
    %swap3A_26 = tpu.vector_load %arg8[%swap3A_25] {strides = array<i32>} : memref<5120xi32, #tpu.memory_space<vmem>>, vector<16xi32>,
    tpu.vector_store %arg8[%swap3A_25], %broadcast_in_dim3A_24 {strides = array<i32>} : memref<5120xi32, #tpu.memory_space<vmem>>, vector<16xi32>,
    %broadcast_in_dim3A_27 = arith.constant 10239 : i32
    %broadcast_in_dim3A_28 = vector.broadcast %broadcast_in_dim3A_27 : i32 to vector<16xi32>
    %swap3A_29 = arith.constant 5072 : index
    %swap3A_30 = tpu.vector_load %arg8[%swap3A_29] {strides = array<i32>} : memref<5120xi32, #tpu.memory_space<vmem>>, vector<16xi32>,
    tpu.vector_store %arg8[%swap3A_29], %broadcast_in_dim3A_28 {strides = array<i32>} : memref<5120xi32, #tpu.memory_space<vmem>>, vector<16xi32>,
    %broadcast_in_dim3A_31 = arith.constant 10239 : i32
    %broadcast_in_dim3A_32 = vector.broadcast %broadcast_in_dim3A_31 : i32 to vector<16xi32>
    %swap3A_33 = arith.constant 5088 : index
    %swap3A_34 = tpu.vector_load %arg8[%swap3A_33] {strides = array<i32>} : memref<5120xi32, #tpu.memory_space<vmem>>, vector<16xi32>,
    tpu.vector_store %arg8[%swap3A_33], %broadcast_in_dim3A_32 {strides = array<i32>} : memref<5120xi32, #tpu.memory_space<vmem>>, vector<16xi32>,
    %broadcast_in_dim3A_35 = arith.constant 10239 : i32
    %broadcast_in_dim3A_36 = vector.broadcast %broadcast_in_dim3A_35 : i32 to vector<16xi32>
    %swap3A_37 = arith.constant 5104 : index
    %swap3A_38 = tpu.vector_load %arg8[%swap3A_37] {strides = array<i32>} : memref<5120xi32, #tpu.memory_space<vmem>>, vector<16xi32>,
    tpu.vector_store %arg8[%swap3A_37], %broadcast_in_dim3A_36 {strides = array<i32>} : memref<5120xi32, #tpu.memory_space<vmem>>, vector<16xi32>,
    %mul3A_39 = arith.constant 5000 : i32
    %mul3A_40 = arith.muli %add3A, %mul3A_39 : i32
    %run_scoped3A_41 = arith.constant 1 : i32
    "tpu.region"() ({
      %run_scoped3A_128 = tpu.sem_alloc : memref<!tpu.dma_semaphore, #tpu.memory_space<semaphore_mem>>
      %dma_start3A_129 = arith.constant 0 : i32
      %dma_start3A_130 = tpu.memref_slice %arg9[%dma_start3A_129] : memref<5120xi32, #tpu.memory_space<vmem>> -> memref<5000xi32, #tpu.memory_space<vmem>>
      %dma_start3A_131 = tpu.memref_slice %arg5[%run_scoped3A_41, %mul3A_40] : memref<2x160000xi32, #tpu.memory_space<hbm>> -> memref<1x5000xi32, #tpu.memory_space<hbm>>
      %dma_start3A_132 = tpu.memref_squeeze %dma_start3A_131 : memref<1x5000xi32, #tpu.memory_space<hbm>> -> memref<5000xi32, #tpu.memory_space<hbm>>
      %dma_start3A_133 = arith.constant 0 : i32
      %dma_start3A_134 = tpu.memref_slice %arg9[%dma_start3A_133] : memref<5120xi32, #tpu.memory_space<vmem>> -> memref<5000xi32, #tpu.memory_space<vmem>>
      %dma_start3A_135 = tpu.memref_slice %arg5[%run_scoped3A_41, %mul3A_40] : memref<2x160000xi32, #tpu.memory_space<hbm>> -> memref<1x5000xi32, #tpu.memory_space<hbm>>
      %dma_start3A_136 = tpu.memref_squeeze %dma_start3A_135 : memref<1x5000xi32, #tpu.memory_space<hbm>> -> memref<5000xi32, #tpu.memory_space<hbm>>
      tpu.enqueue_dma source(%dma_start3A_136 : memref<5000xi32, #tpu.memory_space<hbm>>) target(%dma_start3A_134 : memref<5000xi32, #tpu.memory_space<vmem>>) target_semaphore(%run_scoped3A_128 : memref<!tpu.dma_semaphore, #tpu.memory_space<semaphore_mem>>)
      %dma_wait3A = arith.constant 0 : i32
      %dma_wait3A_137 = tpu.memref_slice %arg9[%dma_wait3A] : memref<5120xi32, #tpu.memory_space<vmem>> -> memref<5000xi32, #tpu.memory_space<vmem>>
      %dma_wait3A_138 = tpu.memref_slice %arg5[%run_scoped3A_41, %mul3A_40] : memref<2x160000xi32, #tpu.memory_space<hbm>> -> memref<1x5000xi32, #tpu.memory_space<hbm>>
      %dma_wait3A_139 = tpu.memref_squeeze %dma_wait3A_138 : memref<1x5000xi32, #tpu.memory_space<hbm>> -> memref<5000xi32, #tpu.memory_space<hbm>>
      %dma_wait3A_140 = arith.constant 0 : i32
      %dma_wait3A_141 = tpu.memref_slice %arg9[%dma_wait3A_140] : memref<5120xi32, #tpu.memory_space<vmem>> -> memref<5000xi32, #tpu.memory_space<vmem>>
      %dma_wait3A_142 = tpu.memref_slice %arg5[%run_scoped3A_41, %mul3A_40] : memref<2x160000xi32, #tpu.memory_space<hbm>> -> memref<1x5000xi32, #tpu.memory_space<hbm>>
      %dma_wait3A_143 = tpu.memref_squeeze %dma_wait3A_142 : memref<1x5000xi32, #tpu.memory_space<hbm>> -> memref<5000xi32, #tpu.memory_space<hbm>>
      tpu.wait_dma2 semaphore(%run_scoped3A_128 : memref<!tpu.dma_semaphore, #tpu.memory_space<semaphore_mem>>) src(%dma_wait3A_143 : memref<5000xi32, #tpu.memory_space<hbm>>) dst(%dma_wait3A_141 : memref<5000xi32, #tpu.memory_space<vmem>>)
      tpu.yield
    }) : () -> ()
    %iota3A_42 = tpu.iota {dimensions = array<i32: 0>} : vector<16xi32>
    %get3A_43 = arith.constant 4992 : index
    %get3A_44 = tpu.vector_load %arg9[%get3A_43] {strides = array<i32>} : memref<5120xi32, #tpu.memory_space<vmem>>, vector<16xi32>,
    %lt3A_45 = arith.constant 8 : i32
    %lt3A_46 = vector.broadcast %lt3A_45 : i32 to vector<16xi32>
    %lt3A_47 = arith.cmpi slt, %iota3A_42, %lt3A_46 : vector<16xi32>
    %jit3A_48 = arith.constant 10239 : i32
    %broadcast_in_dim3A_49 = vector.broadcast %jit3A_48 : i32 to vector<16xi32>
    %select_n3A_50 = arith.select %lt3A_47, %get3A_44, %broadcast_in_dim3A_49 : vector<16xi1>, vector<16xi32>
    %swap3A_51 = arith.constant 4992 : index
    %swap3A_52 = tpu.vector_load %arg9[%swap3A_51] {strides = array<i32>} : memref<5120xi32, #tpu.memory_space<vmem>>, vector<16xi32>,
    tpu.vector_store %arg9[%swap3A_51], %select_n3A_50 {strides = array<i32>} : memref<5120xi32, #tpu.memory_space<vmem>>, vector<16xi32>,
    %broadcast_in_dim3A_53 = arith.constant 10239 : i32
    %broadcast_in_dim3A_54 = vector.broadcast %broadcast_in_dim3A_53 : i32 to vector<16xi32>
    %swap3A_55 = arith.constant 5008 : index
    %swap3A_56 = tpu.vector_load %arg9[%swap3A_55] {strides = array<i32>} : memref<5120xi32, #tpu.memory_space<vmem>>, vector<16xi32>,
    tpu.vector_store %arg9[%swap3A_55], %broadcast_in_dim3A_54 {strides = array<i32>} : memref<5120xi32, #tpu.memory_space<vmem>>, vector<16xi32>,
    %broadcast_in_dim3A_57 = arith.constant 10239 : i32
    %broadcast_in_dim3A_58 = vector.broadcast %broadcast_in_dim3A_57 : i32 to vector<16xi32>
    %swap3A_59 = arith.constant 5024 : index
    %swap3A_60 = tpu.vector_load %arg9[%swap3A_59] {strides = array<i32>} : memref<5120xi32, #tpu.memory_space<vmem>>, vector<16xi32>,
    tpu.vector_store %arg9[%swap3A_59], %broadcast_in_dim3A_58 {strides = array<i32>} : memref<5120xi32, #tpu.memory_space<vmem>>, vector<16xi32>,
    %broadcast_in_dim3A_61 = arith.constant 10239 : i32
    %broadcast_in_dim3A_62 = vector.broadcast %broadcast_in_dim3A_61 : i32 to vector<16xi32>
    %swap3A_63 = arith.constant 5040 : index
    %swap3A_64 = tpu.vector_load %arg9[%swap3A_63] {strides = array<i32>} : memref<5120xi32, #tpu.memory_space<vmem>>, vector<16xi32>,
    tpu.vector_store %arg9[%swap3A_63], %broadcast_in_dim3A_62 {strides = array<i32>} : memref<5120xi32, #tpu.memory_space<vmem>>, vector<16xi32>,
    %broadcast_in_dim3A_65 = arith.constant 10239 : i32
    %broadcast_in_dim3A_66 = vector.broadcast %broadcast_in_dim3A_65 : i32 to vector<16xi32>
    %swap3A_67 = arith.constant 5056 : index
    %swap3A_68 = tpu.vector_load %arg9[%swap3A_67] {strides = array<i32>} : memref<5120xi32, #tpu.memory_space<vmem>>, vector<16xi32>,
    tpu.vector_store %arg9[%swap3A_67], %broadcast_in_dim3A_66 {strides = array<i32>} : memref<5120xi32, #tpu.memory_space<vmem>>, vector<16xi32>,
    %broadcast_in_dim3A_69 = arith.constant 10239 : i32
    %broadcast_in_dim3A_70 = vector.broadcast %broadcast_in_dim3A_69 : i32 to vector<16xi32>
    %swap3A_71 = arith.constant 5072 : index
    %swap3A_72 = tpu.vector_load %arg9[%swap3A_71] {strides = array<i32>} : memref<5120xi32, #tpu.memory_space<vmem>>, vector<16xi32>,
    tpu.vector_store %arg9[%swap3A_71], %broadcast_in_dim3A_70 {strides = array<i32>} : memref<5120xi32, #tpu.memory_space<vmem>>, vector<16xi32>,
    %broadcast_in_dim3A_73 = arith.constant 10239 : i32
    %broadcast_in_dim3A_74 = vector.broadcast %broadcast_in_dim3A_73 : i32 to vector<16xi32>
    %swap3A_75 = arith.constant 5088 : index
    %swap3A_76 = tpu.vector_load %arg9[%swap3A_75] {strides = array<i32>} : memref<5120xi32, #tpu.memory_space<vmem>>, vector<16xi32>,
    tpu.vector_store %arg9[%swap3A_75], %broadcast_in_dim3A_74 {strides = array<i32>} : memref<5120xi32, #tpu.memory_space<vmem>>, vector<16xi32>,
    %broadcast_in_dim3A_77 = arith.constant 10239 : i32
    %broadcast_in_dim3A_78 = vector.broadcast %broadcast_in_dim3A_77 : i32 to vector<16xi32>
    %swap3A_79 = arith.constant 5104 : index
    %swap3A_80 = tpu.vector_load %arg9[%swap3A_79] {strides = array<i32>} : memref<5120xi32, #tpu.memory_space<vmem>>, vector<16xi32>,
    tpu.vector_store %arg9[%swap3A_79], %broadcast_in_dim3A_78 {strides = array<i32>} : memref<5120xi32, #tpu.memory_space<vmem>>, vector<16xi32>,
    %scan3A = arith.constant 0 : i32
    %scan3A_81 = arith.constant 40 : i32
    %scan3A_82 = arith.addi %scan3A, %scan3A_81 : i32
    %scan3A_83 = arith.constant 1 : i32
    scf.for %scan3A_128 = %scan3A to %scan3A_82 step %scan3A_83  : i32 {
      %mul3A_129 = arith.constant 1 : i32
      %mul3A_130 = arith.muli %scan3A_128, %mul3A_129 : i32
      %add3A_131 = arith.constant 0 : i32
      %add3A_132 = arith.addi %add3A_131, %mul3A_130 : i32
      %mul3A_133 = arith.constant 128 : i32
      %mul3A_134 = arith.muli %add3A_132, %mul3A_133 : i32
      %add3A_135 = arith.constant 0 : i32
      %add3A_136 = arith.addi %mul3A_134, %add3A_135 : i32
      %get3A_137 = arith.index_cast %add3A_136 : i32 to index
      %get3A_138 = tpu.vector_load %arg9[%get3A_137] {strides = array<i32>} : memref<5120xi32, #tpu.memory_space<vmem>>, vector<16xi32>,
      %swap3A_139 = arith.index_cast %add3A_132 : i32 to index
      %swap3A_140 = arith.constant 0 : index
      %swap3A_141 = tpu.vector_load %arg10[%swap3A_139, %swap3A_140] {strides = array<i32>} : memref<40x128xi32, #tpu.memory_space<vmem>>, vector<16xi32>,
      tpu.vector_store %arg10[%swap3A_139, %swap3A_140], %get3A_138 {strides = array<i32>} : memref<40x128xi32, #tpu.memory_space<vmem>>, vector<16xi32>,
      %mul3A_142 = arith.constant 128 : i32
      %mul3A_143 = arith.muli %add3A_132, %mul3A_142 : i32
      %add3A_144 = arith.constant 16 : i32
      %add3A_145 = arith.addi %mul3A_143, %add3A_144 : i32
      %get3A_146 = arith.index_cast %add3A_145 : i32 to index
      %get3A_147 = tpu.vector_load %arg9[%get3A_146] {strides = array<i32>} : memref<5120xi32, #tpu.memory_space<vmem>>, vector<16xi32>,
      %swap3A_148 = arith.index_cast %add3A_132 : i32 to index
      %swap3A_149 = arith.constant 16 : index
      %swap3A_150 = tpu.vector_load %arg10[%swap3A_148, %swap3A_149] {strides = array<i32>} : memref<40x128xi32, #tpu.memory_space<vmem>>, vector<16xi32>,
      tpu.vector_store %arg10[%swap3A_148, %swap3A_149], %get3A_147 {strides = array<i32>} : memref<40x128xi32, #tpu.memory_space<vmem>>, vector<16xi32>,
      %mul3A_151 = arith.constant 128 : i32
      %mul3A_152 = arith.muli %add3A_132, %mul3A_151 : i32
      %add3A_153 = arith.constant 32 : i32
      %add3A_154 = arith.addi %mul3A_152, %add3A_153 : i32
      %get3A_155 = arith.index_cast %add3A_154 : i32 to index
      %get3A_156 = tpu.vector_load %arg9[%get3A_155] {strides = array<i32>} : memref<5120xi32, #tpu.memory_space<vmem>>, vector<16xi32>,
      %swap3A_157 = arith.index_cast %add3A_132 : i32 to index
      %swap3A_158 = arith.constant 32 : index
      %swap3A_159 = tpu.vector_load %arg10[%swap3A_157, %swap3A_158] {strides = array<i32>} : memref<40x128xi32, #tpu.memory_space<vmem>>, vector<16xi32>,
      tpu.vector_store %arg10[%swap3A_157, %swap3A_158], %get3A_156 {strides = array<i32>} : memref<40x128xi32, #tpu.memory_space<vmem>>, vector<16xi32>,
      %mul3A_160 = arith.constant 128 : i32
      %mul3A_161 = arith.muli %add3A_132, %mul3A_160 : i32
      %add3A_162 = arith.constant 48 : i32
      %add3A_163 = arith.addi %mul3A_161, %add3A_162 : i32
      %get3A_164 = arith.index_cast %add3A_163 : i32 to index
      %get3A_165 = tpu.vector_load %arg9[%get3A_164] {strides = array<i32>} : memref<5120xi32, #tpu.memory_space<vmem>>, vector<16xi32>,
      %swap3A_166 = arith.index_cast %add3A_132 : i32 to index
      %swap3A_167 = arith.constant 48 : index
      %swap3A_168 = tpu.vector_load %arg10[%swap3A_166, %swap3A_167] {strides = array<i32>} : memref<40x128xi32, #tpu.memory_space<vmem>>, vector<16xi32>,
      tpu.vector_store %arg10[%swap3A_166, %swap3A_167], %get3A_165 {strides = array<i32>} : memref<40x128xi32, #tpu.memory_space<vmem>>, vector<16xi32>,
      %mul3A_169 = arith.constant 128 : i32
      %mul3A_170 = arith.muli %add3A_132, %mul3A_169 : i32
      %add3A_171 = arith.constant 64 : i32
      %add3A_172 = arith.addi %mul3A_170, %add3A_171 : i32
      %get3A_173 = arith.index_cast %add3A_172 : i32 to index
      %get3A_174 = tpu.vector_load %arg9[%get3A_173] {strides = array<i32>} : memref<5120xi32, #tpu.memory_space<vmem>>, vector<16xi32>,
      %swap3A_175 = arith.index_cast %add3A_132 : i32 to index
      %swap3A_176 = arith.constant 64 : index
      %swap3A_177 = tpu.vector_load %arg10[%swap3A_175, %swap3A_176] {strides = array<i32>} : memref<40x128xi32, #tpu.memory_space<vmem>>, vector<16xi32>,
      tpu.vector_store %arg10[%swap3A_175, %swap3A_176], %get3A_174 {strides = array<i32>} : memref<40x128xi32, #tpu.memory_space<vmem>>, vector<16xi32>,
      %mul3A_178 = arith.constant 128 : i32
      %mul3A_179 = arith.muli %add3A_132, %mul3A_178 : i32
      %add3A_180 = arith.constant 80 : i32
      %add3A_181 = arith.addi %mul3A_179, %add3A_180 : i32
      %get3A_182 = arith.index_cast %add3A_181 : i32 to index
      %get3A_183 = tpu.vector_load %arg9[%get3A_182] {strides = array<i32>} : memref<5120xi32, #tpu.memory_space<vmem>>, vector<16xi32>,
      %swap3A_184 = arith.index_cast %add3A_132 : i32 to index
      %swap3A_185 = arith.constant 80 : index
      %swap3A_186 = tpu.vector_load %arg10[%swap3A_184, %swap3A_185] {strides = array<i32>} : memref<40x128xi32, #tpu.memory_space<vmem>>, vector<16xi32>,
      tpu.vector_store %arg10[%swap3A_184, %swap3A_185], %get3A_183 {strides = array<i32>} : memref<40x128xi32, #tpu.memory_space<vmem>>, vector<16xi32>,
      %mul3A_187 = arith.constant 128 : i32
      %mul3A_188 = arith.muli %add3A_132, %mul3A_187 : i32
      %add3A_189 = arith.constant 96 : i32
      %add3A_190 = arith.addi %mul3A_188, %add3A_189 : i32
      %get3A_191 = arith.index_cast %add3A_190 : i32 to index
      %get3A_192 = tpu.vector_load %arg9[%get3A_191] {strides = array<i32>} : memref<5120xi32, #tpu.memory_space<vmem>>, vector<16xi32>,
      %swap3A_193 = arith.index_cast %add3A_132 : i32 to index
      %swap3A_194 = arith.constant 96 : index
      %swap3A_195 = tpu.vector_load %arg10[%swap3A_193, %swap3A_194] {strides = array<i32>} : memref<40x128xi32, #tpu.memory_space<vmem>>, vector<16xi32>,
      tpu.vector_store %arg10[%swap3A_193, %swap3A_194], %get3A_192 {strides = array<i32>} : memref<40x128xi32, #tpu.memory_space<vmem>>, vector<16xi32>,
      %mul3A_196 = arith.constant 128 : i32
      %mul3A_197 = arith.muli %add3A_132, %mul3A_196 : i32
      %add3A_198 = arith.constant 112 : i32
      %add3A_199 = arith.addi %mul3A_197, %add3A_198 : i32
      %get3A_200 = arith.index_cast %add3A_199 : i32 to index
      %get3A_201 = tpu.vector_load %arg9[%get3A_200] {strides = array<i32>} : memref<5120xi32, #tpu.memory_space<vmem>>, vector<16xi32>,
      %swap3A_202 = arith.index_cast %add3A_132 : i32 to index
      %swap3A_203 = arith.constant 112 : index
      %swap3A_204 = tpu.vector_load %arg10[%swap3A_202, %swap3A_203] {strides = array<i32>} : memref<40x128xi32, #tpu.memory_space<vmem>>, vector<16xi32>,
      tpu.vector_store %arg10[%swap3A_202, %swap3A_203], %get3A_201 {strides = array<i32>} : memref<40x128xi32, #tpu.memory_space<vmem>>, vector<16xi32>,
    }
    %scan3A_84 = arith.constant 40 : i32
    %get3A_85 = arith.constant 0 : index
    %get3A_86 = tpu.vector_load %arg18[%get3A_85] {strides = array<i32>} : memref<16xf32, #tpu.memory_space<vmem>>, vector<16xf32>,
    %scan3A_87 = arith.constant 0 : i32
    %scan3A_88 = arith.constant 640 : i32
    %scan3A_89 = arith.addi %scan3A_87, %scan3A_88 : i32
    %scan3A_90 = arith.constant 1 : i32
    scf.for %scan3A_128 = %scan3A_87 to %scan3A_89 step %scan3A_90  : i32 {
      %mul3A_129 = arith.constant 1 : i32
      %mul3A_130 = arith.muli %scan3A_128, %mul3A_129 : i32
      %add3A_131 = arith.constant 0 : i32
      %add3A_132 = arith.addi %add3A_131, %mul3A_130 : i32
      %get3A_133 = arith.index_cast %add3A_132 : i32 to index
      %get3A_134 = arith.constant 0 : index
      %get3A_135 = tpu.vector_load %arg17[%get3A_133, %get3A_134] {strides = array<i32>} : memref<640x16xf32, #tpu.memory_space<vmem>>, vector<16xf32>,
      %get3A_136 = arith.index_cast %add3A_132 : i32 to index
      %get3A_137 = arith.constant 0 : index
      %get3A_138 = tpu.vector_load %arg15[%get3A_136, %get3A_137] {strides = array<i32>} : memref<640x16xf32, #tpu.memory_space<vmem>>, vector<16xf32>,
      %get3A_139 = arith.index_cast %add3A_132 : i32 to index
      %get3A_140 = arith.constant 0 : index
      %get3A_141 = tpu.vector_load %arg16[%get3A_139, %get3A_140] {strides = array<i32>} : memref<640x16xf32, #tpu.memory_space<vmem>>, vector<16xf32>,
      %add3A_142 = arith.addf %get3A_138, %get3A_141 : vector<16xf32>
      %mul3A_143 = arith.mulf %get3A_135, %add3A_142 : vector<16xf32>
      %add3A_144 = arith.addf %mul3A_143, %get3A_86 : vector<16xf32>
      %max3A = arith.constant 0.000000e+00 : f32
      %max3A_145 = vector.broadcast %max3A : f32 to vector<16xf32>
      %max3A_146 = arith.maximumf %add3A_144, %max3A_145 : vector<16xf32>
      %mul3A_147 = arith.mulf %get3A_135, %max3A_146 : vector<16xf32>
      %swap3A_148 = arith.index_cast %add3A_132 : i32 to index
      %swap3A_149 = arith.constant 0 : index
      %swap3A_150 = tpu.vector_load %arg15[%swap3A_148, %swap3A_149] {strides = array<i32>} : memref<640x16xf32, #tpu.memory_space<vmem>>, vector<16xf32>,
      tpu.vector_store %arg15[%swap3A_148, %swap3A_149], %mul3A_147 {strides = array<i32>} : memref<640x16xf32, #tpu.memory_space<vmem>>, vector<16xf32>,
    }
    %scan3A_91 = arith.constant 640 : i32
    "tpu.region"() ({
      %run_scoped3A_128 = tpu.sem_alloc : memref<!tpu.dma_semaphore, #tpu.memory_space<semaphore_mem>>
      %dma_start3A_129 = arith.constant 0 : i32
      %dma_start3A_130 = tpu.memref_slice %arg19[%mul3A_2, %dma_start3A_129] : memref<10240x16xf32, #tpu.memory_space<vmem_shared>> -> memref<640x16xf32, #tpu.memory_space<vmem_shared>>
      %dma_start3A_131 = arith.constant 0 : i32
      %dma_start3A_132 = tpu.memref_slice %arg19[%mul3A_2, %dma_start3A_131] : memref<10240x16xf32, #tpu.memory_space<vmem_shared>> -> memref<640x16xf32, #tpu.memory_space<vmem_shared>>
      tpu.enqueue_dma source(%arg15 : memref<640x16xf32, #tpu.memory_space<vmem>>) target(%dma_start3A_132 : memref<640x16xf32, #tpu.memory_space<vmem_shared>>) target_semaphore(%run_scoped3A_128 : memref<!tpu.dma_semaphore, #tpu.memory_space<semaphore_mem>>)
      %dma_wait3A = arith.constant 0 : i32
      %dma_wait3A_133 = tpu.memref_slice %arg19[%mul3A_2, %dma_wait3A] : memref<10240x16xf32, #tpu.memory_space<vmem_shared>> -> memref<640x16xf32, #tpu.memory_space<vmem_shared>>
      %dma_wait3A_134 = arith.constant 0 : i32
      %dma_wait3A_135 = tpu.memref_slice %arg19[%mul3A_2, %dma_wait3A_134] : memref<10240x16xf32, #tpu.memory_space<vmem_shared>> -> memref<640x16xf32, #tpu.memory_space<vmem_shared>>
      tpu.wait_dma2 semaphore(%run_scoped3A_128 : memref<!tpu.dma_semaphore, #tpu.memory_space<semaphore_mem>>) src(%arg15 : memref<640x16xf32, #tpu.memory_space<vmem>>) dst(%dma_wait3A_135 : memref<640x16xf32, #tpu.memory_space<vmem_shared>>)
      tpu.yield
    }) : () -> ()
    %eq3A = arith.constant 0 : i32
    %eq3A_92 = arith.cmpi eq, %arg0, %eq3A : i32
    %convert_element_type3A = arith.extui %eq3A_92 : i1 to i32
    %cond3A = arith.constant 0 : i32
    %cond3A_93 = arith.cmpi ne, %convert_element_type3A, %cond3A : i32
    scf.if %cond3A_93 {
      "tpu.region"() ({
        %run_scoped3A_128 = tpu.sem_alloc : memref<!tpu.dma_semaphore, #tpu.memory_space<semaphore_mem>>
        %dma_start3A_129 = arith.constant 0 : i32
        %dma_start3A_130 = tpu.memref_slice %arg20[%mul3A_2, %dma_start3A_129] : memref<10240x16xf32, #tpu.memory_space<vmem_shared>> -> memref<640x16xf32, #tpu.memory_space<vmem_shared>>
        %dma_start3A_131 = arith.constant 0 : i32
        %dma_start3A_132 = tpu.memref_slice %arg20[%mul3A_2, %dma_start3A_131] : memref<10240x16xf32, #tpu.memory_space<vmem_shared>> -> memref<640x16xf32, #tpu.memory_space<vmem_shared>>
        tpu.enqueue_dma source(%arg15 : memref<640x16xf32, #tpu.memory_space<vmem>>) target(%dma_start3A_132 : memref<640x16xf32, #tpu.memory_space<vmem_shared>>) target_semaphore(%run_scoped3A_128 : memref<!tpu.dma_semaphore, #tpu.memory_space<semaphore_mem>>)
        %dma_wait3A = arith.constant 0 : i32
        %dma_wait3A_133 = tpu.memref_slice %arg20[%mul3A_2, %dma_wait3A] : memref<10240x16xf32, #tpu.memory_space<vmem_shared>> -> memref<640x16xf32, #tpu.memory_space<vmem_shared>>
        %dma_wait3A_134 = arith.constant 0 : i32
        %dma_wait3A_135 = tpu.memref_slice %arg20[%mul3A_2, %dma_wait3A_134] : memref<10240x16xf32, #tpu.memory_space<vmem_shared>> -> memref<640x16xf32, #tpu.memory_space<vmem_shared>>
        tpu.wait_dma2 semaphore(%run_scoped3A_128 : memref<!tpu.dma_semaphore, #tpu.memory_space<semaphore_mem>>) src(%arg15 : memref<640x16xf32, #tpu.memory_space<vmem>>) dst(%dma_wait3A_135 : memref<640x16xf32, #tpu.memory_space<vmem_shared>>)
        tpu.yield
      }) : () -> ()
    } else {
    }
    %ne3A = arith.constant 0 : i32
    %ne3A_94 = arith.cmpi ne, %arg0, %ne3A : i32
    %convert_element_type3A_95 = arith.extui %ne3A_94 : i1 to i32
    %cond3A_96 = arith.constant 0 : i32
    %cond3A_97 = arith.cmpi ne, %convert_element_type3A_95, %cond3A_96 : i32
    scf.if %cond3A_97 {
      "tpu.region"() ({
        %run_scoped3A_128 = tpu.sem_alloc : memref<!tpu.dma_semaphore, #tpu.memory_space<semaphore_mem>>
        %dma_start3A_129 = arith.constant 0 : i32
        %dma_start3A_130 = tpu.memref_slice %arg20[%mul3A_2, %dma_start3A_129] : memref<10240x16xf32, #tpu.memory_space<vmem_shared>> -> memref<640x16xf32, #tpu.memory_space<vmem_shared>>
        %dma_start3A_131 = arith.constant 0 : i32
        %dma_start3A_132 = tpu.memref_slice %arg6[%mul3A_2, %dma_start3A_131] : memref<10240x16xf32, #tpu.memory_space<hbm>> -> memref<640x16xf32, #tpu.memory_space<hbm>>
        tpu.enqueue_dma source(%dma_start3A_132 : memref<640x16xf32, #tpu.memory_space<hbm>>) target(%dma_start3A_130 : memref<640x16xf32, #tpu.memory_space<vmem_shared>>) target_semaphore(%run_scoped3A_128 : memref<!tpu.dma_semaphore, #tpu.memory_space<semaphore_mem>>)
        %dma_wait3A = arith.constant 0 : i32
        %dma_wait3A_133 = tpu.memref_slice %arg20[%mul3A_2, %dma_wait3A] : memref<10240x16xf32, #tpu.memory_space<vmem_shared>> -> memref<640x16xf32, #tpu.memory_space<vmem_shared>>
        %dma_wait3A_134 = arith.constant 0 : i32
        %dma_wait3A_135 = tpu.memref_slice %arg6[%mul3A_2, %dma_wait3A_134] : memref<10240x16xf32, #tpu.memory_space<hbm>> -> memref<640x16xf32, #tpu.memory_space<hbm>>
        tpu.wait_dma2 semaphore(%run_scoped3A_128 : memref<!tpu.dma_semaphore, #tpu.memory_space<semaphore_mem>>) src(%dma_wait3A_135 : memref<640x16xf32, #tpu.memory_space<hbm>>) dst(%dma_wait3A_133 : memref<640x16xf32, #tpu.memory_space<vmem_shared>>)
        tpu.yield
      }) : () -> ()
    } else {
    }
    %barrier3A = arith.constant 0 : index
    tpu.barrier barrier_id(%barrier3A)
    %dma_start3A = arith.constant 0 : i32
    %dma_start3A_98 = tpu.memref_slice %arg8[%dma_start3A] : memref<5120xi32, #tpu.memory_space<vmem>> -> memref<128xi32, #tpu.memory_space<vmem>>
    %dma_start3A_99 = arith.constant 0 : i32
    %dma_start3A_100 = arith.constant 0 : i32
    %dma_start3A_101 = tpu.memref_slice %arg19[%dma_start3A_99, %dma_start3A_100] : memref<10240x16xf32, #tpu.memory_space<vmem_shared>> -> memref<10240x16xf32, #tpu.memory_space<vmem_shared>>
    tpu.enqueue_indirect_dma source(%dma_start3A_101 : memref<10240x16xf32, #tpu.memory_space<vmem_shared>>) target(%arg11 : memref<128x16xf32, #tpu.memory_space<vmem>>) offsets(%dma_start3A_98 : memref<128xi32, #tpu.memory_space<vmem>>) semaphore(%arg21 : memref<!tpu.dma_semaphore, #tpu.memory_space<semaphore_mem>>)
    %dma_start3A_102 = arith.constant 128 : i32
    %dma_start3A_103 = tpu.memref_slice %arg8[%dma_start3A_102] : memref<5120xi32, #tpu.memory_space<vmem>> -> memref<128xi32, #tpu.memory_space<vmem>>
    %dma_start3A_104 = arith.constant 0 : i32
    %dma_start3A_105 = arith.constant 0 : i32
    %dma_start3A_106 = tpu.memref_slice %arg19[%dma_start3A_104, %dma_start3A_105] : memref<10240x16xf32, #tpu.memory_space<vmem_shared>> -> memref<10240x16xf32, #tpu.memory_space<vmem_shared>>
    tpu.enqueue_indirect_dma source(%dma_start3A_106 : memref<10240x16xf32, #tpu.memory_space<vmem_shared>>) target(%arg12 : memref<128x16xf32, #tpu.memory_space<vmem>>) offsets(%dma_start3A_103 : memref<128xi32, #tpu.memory_space<vmem>>) semaphore(%arg22 : memref<!tpu.dma_semaphore, #tpu.memory_space<semaphore_mem>>)
    %dma_start3A_107 = arith.constant 256 : i32
    %dma_start3A_108 = tpu.memref_slice %arg8[%dma_start3A_107] : memref<5120xi32, #tpu.memory_space<vmem>> -> memref<128xi32, #tpu.memory_space<vmem>>
    %dma_start3A_109 = arith.constant 0 : i32
    %dma_start3A_110 = arith.constant 0 : i32
    %dma_start3A_111 = tpu.memref_slice %arg19[%dma_start3A_109, %dma_start3A_110] : memref<10240x16xf32, #tpu.memory_space<vmem_shared>> -> memref<10240x16xf32, #tpu.memory_space<vmem_shared>>
    tpu.enqueue_indirect_dma source(%dma_start3A_111 : memref<10240x16xf32, #tpu.memory_space<vmem_shared>>) target(%arg13 : memref<128x16xf32, #tpu.memory_space<vmem>>) offsets(%dma_start3A_108 : memref<128xi32, #tpu.memory_space<vmem>>) semaphore(%arg23 : memref<!tpu.dma_semaphore, #tpu.memory_space<semaphore_mem>>)
    %dma_start3A_112 = arith.constant 384 : i32
    %dma_start3A_113 = tpu.memref_slice %arg8[%dma_start3A_112] : memref<5120xi32, #tpu.memory_space<vmem>> -> memref<128xi32, #tpu.memory_space<vmem>>
    %dma_start3A_114 = arith.constant 0 : i32
    %dma_start3A_115 = arith.constant 0 : i32
    %dma_start3A_116 = tpu.memref_slice %arg19[%dma_start3A_114, %dma_start3A_115] : memref<10240x16xf32, #tpu.memory_space<vmem_shared>> -> memref<10240x16xf32, #tpu.memory_space<vmem_shared>>
    tpu.enqueue_indirect_dma source(%dma_start3A_116 : memref<10240x16xf32, #tpu.memory_space<vmem_shared>>) target(%arg14 : memref<128x16xf32, #tpu.memory_space<vmem>>) offsets(%dma_start3A_113 : memref<128xi32, #tpu.memory_space<vmem>>) semaphore(%arg24 : memref<!tpu.dma_semaphore, #tpu.memory_space<semaphore_mem>>)
    %scan3A_117 = arith.constant 0 : i32
    %scan3A_118 = arith.constant 10 : i32
    %scan3A_119 = arith.addi %scan3A_117, %scan3A_118 : i32
    %scan3A_120 = arith.constant 1 : i32
    scf.for %scan3A_128 = %scan3A_117 to %scan3A_119 step %scan3A_120  : i32 {
      %mul3A_129 = arith.constant 4 : i32
      %mul3A_130 = arith.muli %scan3A_128, %mul3A_129 : i32
      %add3A_131 = arith.constant 0 : i32
      %add3A_132 = arith.addi %add3A_131, %mul3A_130 : i32
      %add3A_133 = arith.constant 0 : i32
      %add3A_134 = arith.addi %add3A_132, %add3A_133 : i32
      %mul3A_135 = arith.constant 128 : i32
      %mul3A_136 = arith.muli %add3A_134, %mul3A_135 : i32
      %dma_wait3A = tpu.memref_slice %arg8[%mul3A_136] : memref<5120xi32, #tpu.memory_space<vmem>> -> memref<128xi32, #tpu.memory_space<vmem>>
      %dma_wait3A_137 = arith.constant 0 : i32
      %dma_wait3A_138 = arith.constant 0 : i32
      %dma_wait3A_139 = tpu.memref_slice %arg19[%dma_wait3A_137, %dma_wait3A_138] : memref<10240x16xf32, #tpu.memory_space<vmem_shared>> -> memref<10240x16xf32, #tpu.memory_space<vmem_shared>>
      tpu.wait_indirect_dma semaphore(%arg21 : memref<!tpu.dma_semaphore, #tpu.memory_space<semaphore_mem>>) src(%dma_wait3A_139 : memref<10240x16xf32, #tpu.memory_space<vmem_shared>>) dst(%arg11 : memref<128x16xf32, #tpu.memory_space<vmem>>)
      %add3A_140 = arith.constant 0 : i32
      %add3A_141 = arith.addi %add3A_132, %add3A_140 : i32
      %dma_start3A_142 = arith.constant 0 : i32
      %dma_start3A_143 = tpu.memref_slice %arg10[%add3A_141, %dma_start3A_142] : memref<40x128xi32, #tpu.memory_space<vmem>> -> memref<1x128xi32, #tpu.memory_space<vmem>>
      %dma_start3A_144 = tpu.memref_squeeze %dma_start3A_143 : memref<1x128xi32, #tpu.memory_space<vmem>> -> memref<128xi32, #tpu.memory_space<vmem>>
      %dma_start3A_145 = arith.constant 0 : i32
      %dma_start3A_146 = arith.constant 0 : i32
      %dma_start3A_147 = tpu.memref_slice %arg20[%dma_start3A_145, %dma_start3A_146] : memref<10240x16xf32, #tpu.memory_space<vmem_shared>> -> memref<10240x16xf32, #tpu.memory_space<vmem_shared>>
      tpu.enqueue_indirect_dma source(%arg11 : memref<128x16xf32, #tpu.memory_space<vmem>>) target(%dma_start3A_147 : memref<10240x16xf32, #tpu.memory_space<vmem_shared>>) offsets(%dma_start3A_144 : memref<128xi32, #tpu.memory_space<vmem>>) semaphore(%arg25 : memref<!tpu.dma_semaphore, #tpu.memory_space<semaphore_mem>>) {add = true}
      %add3A_148 = arith.constant 1 : i32
      %add3A_149 = arith.addi %add3A_132, %add3A_148 : i32
      %mul3A_150 = arith.constant 128 : i32
      %mul3A_151 = arith.muli %add3A_149, %mul3A_150 : i32
      %dma_wait3A_152 = tpu.memref_slice %arg8[%mul3A_151] : memref<5120xi32, #tpu.memory_space<vmem>> -> memref<128xi32, #tpu.memory_space<vmem>>
      %dma_wait3A_153 = arith.constant 0 : i32
      %dma_wait3A_154 = arith.constant 0 : i32
      %dma_wait3A_155 = tpu.memref_slice %arg19[%dma_wait3A_153, %dma_wait3A_154] : memref<10240x16xf32, #tpu.memory_space<vmem_shared>> -> memref<10240x16xf32, #tpu.memory_space<vmem_shared>>
      tpu.wait_indirect_dma semaphore(%arg22 : memref<!tpu.dma_semaphore, #tpu.memory_space<semaphore_mem>>) src(%dma_wait3A_155 : memref<10240x16xf32, #tpu.memory_space<vmem_shared>>) dst(%arg12 : memref<128x16xf32, #tpu.memory_space<vmem>>)
      %add3A_156 = arith.constant 1 : i32
      %add3A_157 = arith.addi %add3A_132, %add3A_156 : i32
      %dma_start3A_158 = arith.constant 0 : i32
      %dma_start3A_159 = tpu.memref_slice %arg10[%add3A_157, %dma_start3A_158] : memref<40x128xi32, #tpu.memory_space<vmem>> -> memref<1x128xi32, #tpu.memory_space<vmem>>
      %dma_start3A_160 = tpu.memref_squeeze %dma_start3A_159 : memref<1x128xi32, #tpu.memory_space<vmem>> -> memref<128xi32, #tpu.memory_space<vmem>>
      %dma_start3A_161 = arith.constant 0 : i32
      %dma_start3A_162 = arith.constant 0 : i32
      %dma_start3A_163 = tpu.memref_slice %arg20[%dma_start3A_161, %dma_start3A_162] : memref<10240x16xf32, #tpu.memory_space<vmem_shared>> -> memref<10240x16xf32, #tpu.memory_space<vmem_shared>>
      tpu.enqueue_indirect_dma source(%arg12 : memref<128x16xf32, #tpu.memory_space<vmem>>) target(%dma_start3A_163 : memref<10240x16xf32, #tpu.memory_space<vmem_shared>>) offsets(%dma_start3A_160 : memref<128xi32, #tpu.memory_space<vmem>>) semaphore(%arg26 : memref<!tpu.dma_semaphore, #tpu.memory_space<semaphore_mem>>) {add = true}
      %add3A_164 = arith.constant 2 : i32
      %add3A_165 = arith.addi %add3A_132, %add3A_164 : i32
      %mul3A_166 = arith.constant 128 : i32
      %mul3A_167 = arith.muli %add3A_165, %mul3A_166 : i32
      %dma_wait3A_168 = tpu.memref_slice %arg8[%mul3A_167] : memref<5120xi32, #tpu.memory_space<vmem>> -> memref<128xi32, #tpu.memory_space<vmem>>
      %dma_wait3A_169 = arith.constant 0 : i32
      %dma_wait3A_170 = arith.constant 0 : i32
      %dma_wait3A_171 = tpu.memref_slice %arg19[%dma_wait3A_169, %dma_wait3A_170] : memref<10240x16xf32, #tpu.memory_space<vmem_shared>> -> memref<10240x16xf32, #tpu.memory_space<vmem_shared>>
      tpu.wait_indirect_dma semaphore(%arg23 : memref<!tpu.dma_semaphore, #tpu.memory_space<semaphore_mem>>) src(%dma_wait3A_171 : memref<10240x16xf32, #tpu.memory_space<vmem_shared>>) dst(%arg13 : memref<128x16xf32, #tpu.memory_space<vmem>>)
      %add3A_172 = arith.constant 2 : i32
      %add3A_173 = arith.addi %add3A_132, %add3A_172 : i32
      %dma_start3A_174 = arith.constant 0 : i32
      %dma_start3A_175 = tpu.memref_slice %arg10[%add3A_173, %dma_start3A_174] : memref<40x128xi32, #tpu.memory_space<vmem>> -> memref<1x128xi32, #tpu.memory_space<vmem>>
      %dma_start3A_176 = tpu.memref_squeeze %dma_start3A_175 : memref<1x128xi32, #tpu.memory_space<vmem>> -> memref<128xi32, #tpu.memory_space<vmem>>
      %dma_start3A_177 = arith.constant 0 : i32
      %dma_start3A_178 = arith.constant 0 : i32
      %dma_start3A_179 = tpu.memref_slice %arg20[%dma_start3A_177, %dma_start3A_178] : memref<10240x16xf32, #tpu.memory_space<vmem_shared>> -> memref<10240x16xf32, #tpu.memory_space<vmem_shared>>
      tpu.enqueue_indirect_dma source(%arg13 : memref<128x16xf32, #tpu.memory_space<vmem>>) target(%dma_start3A_179 : memref<10240x16xf32, #tpu.memory_space<vmem_shared>>) offsets(%dma_start3A_176 : memref<128xi32, #tpu.memory_space<vmem>>) semaphore(%arg27 : memref<!tpu.dma_semaphore, #tpu.memory_space<semaphore_mem>>) {add = true}
      %add3A_180 = arith.constant 3 : i32
      %add3A_181 = arith.addi %add3A_132, %add3A_180 : i32
      %mul3A_182 = arith.constant 128 : i32
      %mul3A_183 = arith.muli %add3A_181, %mul3A_182 : i32
      %dma_wait3A_184 = tpu.memref_slice %arg8[%mul3A_183] : memref<5120xi32, #tpu.memory_space<vmem>> -> memref<128xi32, #tpu.memory_space<vmem>>
      %dma_wait3A_185 = arith.constant 0 : i32
      %dma_wait3A_186 = arith.constant 0 : i32
      %dma_wait3A_187 = tpu.memref_slice %arg19[%dma_wait3A_185, %dma_wait3A_186] : memref<10240x16xf32, #tpu.memory_space<vmem_shared>> -> memref<10240x16xf32, #tpu.memory_space<vmem_shared>>
      tpu.wait_indirect_dma semaphore(%arg24 : memref<!tpu.dma_semaphore, #tpu.memory_space<semaphore_mem>>) src(%dma_wait3A_187 : memref<10240x16xf32, #tpu.memory_space<vmem_shared>>) dst(%arg14 : memref<128x16xf32, #tpu.memory_space<vmem>>)
      %add3A_188 = arith.constant 3 : i32
      %add3A_189 = arith.addi %add3A_132, %add3A_188 : i32
      %dma_start3A_190 = arith.constant 0 : i32
      %dma_start3A_191 = tpu.memref_slice %arg10[%add3A_189, %dma_start3A_190] : memref<40x128xi32, #tpu.memory_space<vmem>> -> memref<1x128xi32, #tpu.memory_space<vmem>>
      %dma_start3A_192 = tpu.memref_squeeze %dma_start3A_191 : memref<1x128xi32, #tpu.memory_space<vmem>> -> memref<128xi32, #tpu.memory_space<vmem>>
      %dma_start3A_193 = arith.constant 0 : i32
      %dma_start3A_194 = arith.constant 0 : i32
      %dma_start3A_195 = tpu.memref_slice %arg20[%dma_start3A_193, %dma_start3A_194] : memref<10240x16xf32, #tpu.memory_space<vmem_shared>> -> memref<10240x16xf32, #tpu.memory_space<vmem_shared>>
      tpu.enqueue_indirect_dma source(%arg14 : memref<128x16xf32, #tpu.memory_space<vmem>>) target(%dma_start3A_195 : memref<10240x16xf32, #tpu.memory_space<vmem_shared>>) offsets(%dma_start3A_192 : memref<128xi32, #tpu.memory_space<vmem>>) semaphore(%arg28 : memref<!tpu.dma_semaphore, #tpu.memory_space<semaphore_mem>>) {add = true}
      %add3A_196 = arith.constant 0 : i32
      %add3A_197 = arith.addi %add3A_132, %add3A_196 : i32
      %dma_wait3A_198 = arith.constant 0 : i32
      %dma_wait3A_199 = tpu.memref_slice %arg10[%add3A_197, %dma_wait3A_198] : memref<40x128xi32, #tpu.memory_space<vmem>> -> memref<1x128xi32, #tpu.memory_space<vmem>>
      %dma_wait3A_200 = tpu.memref_squeeze %dma_wait3A_199 : memref<1x128xi32, #tpu.memory_space<vmem>> -> memref<128xi32, #tpu.memory_space<vmem>>
      %dma_wait3A_201 = arith.constant 0 : i32
      %dma_wait3A_202 = arith.constant 0 : i32
      %dma_wait3A_203 = tpu.memref_slice %arg20[%dma_wait3A_201, %dma_wait3A_202] : memref<10240x16xf32, #tpu.memory_space<vmem_shared>> -> memref<10240x16xf32, #tpu.memory_space<vmem_shared>>
      tpu.wait_indirect_dma semaphore(%arg25 : memref<!tpu.dma_semaphore, #tpu.memory_space<semaphore_mem>>) src(%arg11 : memref<128x16xf32, #tpu.memory_space<vmem>>) dst(%dma_wait3A_203 : memref<10240x16xf32, #tpu.memory_space<vmem_shared>>)
      %add3A_204 = arith.constant 4 : i32
      %add3A_205 = arith.addi %add3A_132, %add3A_204 : i32
      %add3A_206 = arith.constant 0 : i32
      %add3A_207 = arith.addi %add3A_205, %add3A_206 : i32
      %lt3A_208 = arith.constant 40 : i32
      %lt3A_209 = arith.cmpi slt, %add3A_207, %lt3A_208 : i32
      %convert_element_type3A_210 = arith.extui %lt3A_209 : i1 to i32
      %cond3A_211 = arith.constant 0 : i32
      %cond3A_212 = arith.cmpi ne, %convert_element_type3A_210, %cond3A_211 : i32
      scf.if %cond3A_212 {
        %add3A_264 = arith.constant 4 : i32
        %add3A_265 = arith.addi %add3A_132, %add3A_264 : i32
        %add3A_266 = arith.constant 0 : i32
        %add3A_267 = arith.addi %add3A_265, %add3A_266 : i32
        %mul3A_268 = arith.constant 128 : i32
        %mul3A_269 = arith.muli %add3A_267, %mul3A_268 : i32
        %dma_start3A_270 = tpu.memref_slice %arg8[%mul3A_269] : memref<5120xi32, #tpu.memory_space<vmem>> -> memref<128xi32, #tpu.memory_space<vmem>>
        %dma_start3A_271 = arith.constant 0 : i32
        %dma_start3A_272 = arith.constant 0 : i32
        %dma_start3A_273 = tpu.memref_slice %arg19[%dma_start3A_271, %dma_start3A_272] : memref<10240x16xf32, #tpu.memory_space<vmem_shared>> -> memref<10240x16xf32, #tpu.memory_space<vmem_shared>>
        tpu.enqueue_indirect_dma source(%dma_start3A_273 : memref<10240x16xf32, #tpu.memory_space<vmem_shared>>) target(%arg11 : memref<128x16xf32, #tpu.memory_space<vmem>>) offsets(%dma_start3A_270 : memref<128xi32, #tpu.memory_space<vmem>>) semaphore(%arg21 : memref<!tpu.dma_semaphore, #tpu.memory_space<semaphore_mem>>)
      } else {
      }
      %add3A_213 = arith.constant 1 : i32
      %add3A_214 = arith.addi %add3A_132, %add3A_213 : i32
      %dma_wait3A_215 = arith.constant 0 : i32
      %dma_wait3A_216 = tpu.memref_slice %arg10[%add3A_214, %dma_wait3A_215] : memref<40x128xi32, #tpu.memory_space<vmem>> -> memref<1x128xi32, #tpu.memory_space<vmem>>
      %dma_wait3A_217 = tpu.memref_squeeze %dma_wait3A_216 : memref<1x128xi32, #tpu.memory_space<vmem>> -> memref<128xi32, #tpu.memory_space<vmem>>
      %dma_wait3A_218 = arith.constant 0 : i32
      %dma_wait3A_219 = arith.constant 0 : i32
      %dma_wait3A_220 = tpu.memref_slice %arg20[%dma_wait3A_218, %dma_wait3A_219] : memref<10240x16xf32, #tpu.memory_space<vmem_shared>> -> memref<10240x16xf32, #tpu.memory_space<vmem_shared>>
      tpu.wait_indirect_dma semaphore(%arg26 : memref<!tpu.dma_semaphore, #tpu.memory_space<semaphore_mem>>) src(%arg12 : memref<128x16xf32, #tpu.memory_space<vmem>>) dst(%dma_wait3A_220 : memref<10240x16xf32, #tpu.memory_space<vmem_shared>>)
      %add3A_221 = arith.constant 4 : i32
      %add3A_222 = arith.addi %add3A_132, %add3A_221 : i32
      %add3A_223 = arith.constant 1 : i32
      %add3A_224 = arith.addi %add3A_222, %add3A_223 : i32
      %lt3A_225 = arith.constant 40 : i32
      %lt3A_226 = arith.cmpi slt, %add3A_224, %lt3A_225 : i32
      %convert_element_type3A_227 = arith.extui %lt3A_226 : i1 to i32
      %cond3A_228 = arith.constant 0 : i32
      %cond3A_229 = arith.cmpi ne, %convert_element_type3A_227, %cond3A_228 : i32
      scf.if %cond3A_229 {
        %add3A_264 = arith.constant 4 : i32
        %add3A_265 = arith.addi %add3A_132, %add3A_264 : i32
        %add3A_266 = arith.constant 1 : i32
        %add3A_267 = arith.addi %add3A_265, %add3A_266 : i32
        %mul3A_268 = arith.constant 128 : i32
        %mul3A_269 = arith.muli %add3A_267, %mul3A_268 : i32
        %dma_start3A_270 = tpu.memref_slice %arg8[%mul3A_269] : memref<5120xi32, #tpu.memory_space<vmem>> -> memref<128xi32, #tpu.memory_space<vmem>>
        %dma_start3A_271 = arith.constant 0 : i32
        %dma_start3A_272 = arith.constant 0 : i32
        %dma_start3A_273 = tpu.memref_slice %arg19[%dma_start3A_271, %dma_start3A_272] : memref<10240x16xf32, #tpu.memory_space<vmem_shared>> -> memref<10240x16xf32, #tpu.memory_space<vmem_shared>>
        tpu.enqueue_indirect_dma source(%dma_start3A_273 : memref<10240x16xf32, #tpu.memory_space<vmem_shared>>) target(%arg12 : memref<128x16xf32, #tpu.memory_space<vmem>>) offsets(%dma_start3A_270 : memref<128xi32, #tpu.memory_space<vmem>>) semaphore(%arg22 : memref<!tpu.dma_semaphore, #tpu.memory_space<semaphore_mem>>)
      } else {
      }
      %add3A_230 = arith.constant 2 : i32
      %add3A_231 = arith.addi %add3A_132, %add3A_230 : i32
      %dma_wait3A_232 = arith.constant 0 : i32
      %dma_wait3A_233 = tpu.memref_slice %arg10[%add3A_231, %dma_wait3A_232] : memref<40x128xi32, #tpu.memory_space<vmem>> -> memref<1x128xi32, #tpu.memory_space<vmem>>
      %dma_wait3A_234 = tpu.memref_squeeze %dma_wait3A_233 : memref<1x128xi32, #tpu.memory_space<vmem>> -> memref<128xi32, #tpu.memory_space<vmem>>
      %dma_wait3A_235 = arith.constant 0 : i32
      %dma_wait3A_236 = arith.constant 0 : i32
      %dma_wait3A_237 = tpu.memref_slice %arg20[%dma_wait3A_235, %dma_wait3A_236] : memref<10240x16xf32, #tpu.memory_space<vmem_shared>> -> memref<10240x16xf32, #tpu.memory_space<vmem_shared>>
      tpu.wait_indirect_dma semaphore(%arg27 : memref<!tpu.dma_semaphore, #tpu.memory_space<semaphore_mem>>) src(%arg13 : memref<128x16xf32, #tpu.memory_space<vmem>>) dst(%dma_wait3A_237 : memref<10240x16xf32, #tpu.memory_space<vmem_shared>>)
      %add3A_238 = arith.constant 4 : i32
      %add3A_239 = arith.addi %add3A_132, %add3A_238 : i32
      %add3A_240 = arith.constant 2 : i32
      %add3A_241 = arith.addi %add3A_239, %add3A_240 : i32
      %lt3A_242 = arith.constant 40 : i32
      %lt3A_243 = arith.cmpi slt, %add3A_241, %lt3A_242 : i32
      %convert_element_type3A_244 = arith.extui %lt3A_243 : i1 to i32
      %cond3A_245 = arith.constant 0 : i32
      %cond3A_246 = arith.cmpi ne, %convert_element_type3A_244, %cond3A_245 : i32
      scf.if %cond3A_246 {
        %add3A_264 = arith.constant 4 : i32
        %add3A_265 = arith.addi %add3A_132, %add3A_264 : i32
        %add3A_266 = arith.constant 2 : i32
        %add3A_267 = arith.addi %add3A_265, %add3A_266 : i32
        %mul3A_268 = arith.constant 128 : i32
        %mul3A_269 = arith.muli %add3A_267, %mul3A_268 : i32
        %dma_start3A_270 = tpu.memref_slice %arg8[%mul3A_269] : memref<5120xi32, #tpu.memory_space<vmem>> -> memref<128xi32, #tpu.memory_space<vmem>>
        %dma_start3A_271 = arith.constant 0 : i32
        %dma_start3A_272 = arith.constant 0 : i32
        %dma_start3A_273 = tpu.memref_slice %arg19[%dma_start3A_271, %dma_start3A_272] : memref<10240x16xf32, #tpu.memory_space<vmem_shared>> -> memref<10240x16xf32, #tpu.memory_space<vmem_shared>>
        tpu.enqueue_indirect_dma source(%dma_start3A_273 : memref<10240x16xf32, #tpu.memory_space<vmem_shared>>) target(%arg13 : memref<128x16xf32, #tpu.memory_space<vmem>>) offsets(%dma_start3A_270 : memref<128xi32, #tpu.memory_space<vmem>>) semaphore(%arg23 : memref<!tpu.dma_semaphore, #tpu.memory_space<semaphore_mem>>)
      } else {
      }
      %add3A_247 = arith.constant 3 : i32
      %add3A_248 = arith.addi %add3A_132, %add3A_247 : i32
      %dma_wait3A_249 = arith.constant 0 : i32
      %dma_wait3A_250 = tpu.memref_slice %arg10[%add3A_248, %dma_wait3A_249] : memref<40x128xi32, #tpu.memory_space<vmem>> -> memref<1x128xi32, #tpu.memory_space<vmem>>
      %dma_wait3A_251 = tpu.memref_squeeze %dma_wait3A_250 : memref<1x128xi32, #tpu.memory_space<vmem>> -> memref<128xi32, #tpu.memory_space<vmem>>
      %dma_wait3A_252 = arith.constant 0 : i32
      %dma_wait3A_253 = arith.constant 0 : i32
      %dma_wait3A_254 = tpu.memref_slice %arg20[%dma_wait3A_252, %dma_wait3A_253] : memref<10240x16xf32, #tpu.memory_space<vmem_shared>> -> memref<10240x16xf32, #tpu.memory_space<vmem_shared>>
      tpu.wait_indirect_dma semaphore(%arg28 : memref<!tpu.dma_semaphore, #tpu.memory_space<semaphore_mem>>) src(%arg14 : memref<128x16xf32, #tpu.memory_space<vmem>>) dst(%dma_wait3A_254 : memref<10240x16xf32, #tpu.memory_space<vmem_shared>>)
      %add3A_255 = arith.constant 4 : i32
      %add3A_256 = arith.addi %add3A_132, %add3A_255 : i32
      %add3A_257 = arith.constant 3 : i32
      %add3A_258 = arith.addi %add3A_256, %add3A_257 : i32
      %lt3A_259 = arith.constant 40 : i32
      %lt3A_260 = arith.cmpi slt, %add3A_258, %lt3A_259 : i32
      %convert_element_type3A_261 = arith.extui %lt3A_260 : i1 to i32
      %cond3A_262 = arith.constant 0 : i32
      %cond3A_263 = arith.cmpi ne, %convert_element_type3A_261, %cond3A_262 : i32
      scf.if %cond3A_263 {
        %add3A_264 = arith.constant 4 : i32
        %add3A_265 = arith.addi %add3A_132, %add3A_264 : i32
        %add3A_266 = arith.constant 3 : i32
        %add3A_267 = arith.addi %add3A_265, %add3A_266 : i32
        %mul3A_268 = arith.constant 128 : i32
        %mul3A_269 = arith.muli %add3A_267, %mul3A_268 : i32
        %dma_start3A_270 = tpu.memref_slice %arg8[%mul3A_269] : memref<5120xi32, #tpu.memory_space<vmem>> -> memref<128xi32, #tpu.memory_space<vmem>>
        %dma_start3A_271 = arith.constant 0 : i32
        %dma_start3A_272 = arith.constant 0 : i32
        %dma_start3A_273 = tpu.memref_slice %arg19[%dma_start3A_271, %dma_start3A_272] : memref<10240x16xf32, #tpu.memory_space<vmem_shared>> -> memref<10240x16xf32, #tpu.memory_space<vmem_shared>>
        tpu.enqueue_indirect_dma source(%dma_start3A_273 : memref<10240x16xf32, #tpu.memory_space<vmem_shared>>) target(%arg14 : memref<128x16xf32, #tpu.memory_space<vmem>>) offsets(%dma_start3A_270 : memref<128xi32, #tpu.memory_space<vmem>>) semaphore(%arg24 : memref<!tpu.dma_semaphore, #tpu.memory_space<semaphore_mem>>)
      } else {
      }
    }
    %scan3A_121 = arith.constant 10 : i32
    %barrier3A_122 = arith.constant 0 : index
    tpu.barrier barrier_id(%barrier3A_122)
    "tpu.region"() ({
      %run_scoped3A_128 = tpu.sem_alloc : memref<!tpu.dma_semaphore, #tpu.memory_space<semaphore_mem>>
      %dma_start3A_129 = arith.constant 0 : i32
      %dma_start3A_130 = tpu.memref_slice %arg20[%mul3A_2, %dma_start3A_129] : memref<10240x16xf32, #tpu.memory_space<vmem_shared>> -> memref<640x16xf32, #tpu.memory_space<vmem_shared>>
      %dma_start3A_131 = arith.constant 0 : i32
      %dma_start3A_132 = tpu.memref_slice %arg20[%mul3A_2, %dma_start3A_131] : memref<10240x16xf32, #tpu.memory_space<vmem_shared>> -> memref<640x16xf32, #tpu.memory_space<vmem_shared>>
      tpu.enqueue_dma source(%dma_start3A_132 : memref<640x16xf32, #tpu.memory_space<vmem_shared>>) target(%arg16 : memref<640x16xf32, #tpu.memory_space<vmem>>) target_semaphore(%run_scoped3A_128 : memref<!tpu.dma_semaphore, #tpu.memory_space<semaphore_mem>>)
      %dma_wait3A = arith.constant 0 : i32
      %dma_wait3A_133 = tpu.memref_slice %arg20[%mul3A_2, %dma_wait3A] : memref<10240x16xf32, #tpu.memory_space<vmem_shared>> -> memref<640x16xf32, #tpu.memory_space<vmem_shared>>
      %dma_wait3A_134 = arith.constant 0 : i32
      %dma_wait3A_135 = tpu.memref_slice %arg20[%mul3A_2, %dma_wait3A_134] : memref<10240x16xf32, #tpu.memory_space<vmem_shared>> -> memref<640x16xf32, #tpu.memory_space<vmem_shared>>
      tpu.wait_dma2 semaphore(%run_scoped3A_128 : memref<!tpu.dma_semaphore, #tpu.memory_space<semaphore_mem>>) src(%dma_wait3A_135 : memref<640x16xf32, #tpu.memory_space<vmem_shared>>) dst(%arg16 : memref<640x16xf32, #tpu.memory_space<vmem>>)
      tpu.yield
    }) : () -> ()
    %scan3A_123 = arith.constant 0 : i32
    %scan3A_124 = arith.constant 640 : i32
    %scan3A_125 = arith.addi %scan3A_123, %scan3A_124 : i32
    %scan3A_126 = arith.constant 1 : i32
    scf.for %scan3A_128 = %scan3A_123 to %scan3A_125 step %scan3A_126  : i32 {
      %mul3A_129 = arith.constant 1 : i32
      %mul3A_130 = arith.muli %scan3A_128, %mul3A_129 : i32
      %add3A_131 = arith.constant 0 : i32
      %add3A_132 = arith.addi %add3A_131, %mul3A_130 : i32
      %get3A_133 = arith.index_cast %add3A_132 : i32 to index
      %get3A_134 = arith.constant 0 : index
      %get3A_135 = tpu.vector_load %arg16[%get3A_133, %get3A_134] {strides = array<i32>} : memref<640x16xf32, #tpu.memory_space<vmem>>, vector<16xf32>,
      %get3A_136 = arith.index_cast %add3A_132 : i32 to index
      %get3A_137 = arith.constant 0 : index
      %get3A_138 = tpu.vector_load %arg17[%get3A_136, %get3A_137] {strides = array<i32>} : memref<640x16xf32, #tpu.memory_space<vmem>>, vector<16xf32>,
      %mul3A_139 = arith.mulf %get3A_135, %get3A_138 : vector<16xf32>
      %swap3A_140 = arith.index_cast %add3A_132 : i32 to index
      %swap3A_141 = arith.constant 0 : index
      %swap3A_142 = tpu.vector_load %arg16[%swap3A_140, %swap3A_141] {strides = array<i32>} : memref<640x16xf32, #tpu.memory_space<vmem>>, vector<16xf32>,
      tpu.vector_store %arg16[%swap3A_140, %swap3A_141], %mul3A_139 {strides = array<i32>} : memref<640x16xf32, #tpu.memory_space<vmem>>, vector<16xf32>,
    }
    %scan3A_127 = arith.constant 640 : i32
    "tpu.region"() ({
      %run_scoped3A_128 = tpu.sem_alloc : memref<!tpu.dma_semaphore, #tpu.memory_space<semaphore_mem>>
      %dma_start3A_129 = arith.constant 0 : i32
      %dma_start3A_130 = tpu.memref_slice %arg7[%arg0, %mul3A_2, %dma_start3A_129] : memref<2x10240x16xf32, #tpu.memory_space<hbm>> -> memref<1x640x16xf32, #tpu.memory_space<hbm>>
      %dma_start3A_131 = tpu.memref_squeeze %dma_start3A_130 : memref<1x640x16xf32, #tpu.memory_space<hbm>> -> memref<640x16xf32, #tpu.memory_space<hbm>>
      %dma_start3A_132 = arith.constant 0 : i32
      %dma_start3A_133 = tpu.memref_slice %arg7[%arg0, %mul3A_2, %dma_start3A_132] : memref<2x10240x16xf32, #tpu.memory_space<hbm>> -> memref<1x640x16xf32, #tpu.memory_space<hbm>>
      %dma_start3A_134 = tpu.memref_squeeze %dma_start3A_133 : memref<1x640x16xf32, #tpu.memory_space<hbm>> -> memref<640x16xf32, #tpu.memory_space<hbm>>
      tpu.enqueue_dma source(%arg16 : memref<640x16xf32, #tpu.memory_space<vmem>>) target(%dma_start3A_134 : memref<640x16xf32, #tpu.memory_space<hbm>>) target_semaphore(%run_scoped3A_128 : memref<!tpu.dma_semaphore, #tpu.memory_space<semaphore_mem>>)
      %dma_wait3A = arith.constant 0 : i32
      %dma_wait3A_135 = tpu.memref_slice %arg7[%arg0, %mul3A_2, %dma_wait3A] : memref<2x10240x16xf32, #tpu.memory_space<hbm>> -> memref<1x640x16xf32, #tpu.memory_space<hbm>>
      %dma_wait3A_136 = tpu.memref_squeeze %dma_wait3A_135 : memref<1x640x16xf32, #tpu.memory_space<hbm>> -> memref<640x16xf32, #tpu.memory_space<hbm>>
      %dma_wait3A_137 = arith.constant 0 : i32
      %dma_wait3A_138 = tpu.memref_slice %arg7[%arg0, %mul3A_2, %dma_wait3A_137] : memref<2x10240x16xf32, #tpu.memory_space<hbm>> -> memref<1x640x16xf32, #tpu.memory_space<hbm>>
      %dma_wait3A_139 = tpu.memref_squeeze %dma_wait3A_138 : memref<1x640x16xf32, #tpu.memory_space<hbm>> -> memref<640x16xf32, #tpu.memory_space<hbm>>
      tpu.wait_dma2 semaphore(%run_scoped3A_128 : memref<!tpu.dma_semaphore, #tpu.memory_space<semaphore_mem>>) src(%arg16 : memref<640x16xf32, #tpu.memory_space<vmem>>) dst(%dma_wait3A_139 : memref<640x16xf32, #tpu.memory_space<hbm>>)
      tpu.yield
    }) : () -> ()
    return
  }
}

#map = affine_map<(d0, d1) -> (0, 0)>
module attributes {stable_mosaic.version = 14 : i64} {
  func.func @sc_dinv(%arg0: i32, %arg1: i32, %arg2: memref<2x160000xi32, #tpu.memory_space<hbm>>, %arg3: memref<10240x16xf32, #tpu.memory_space<hbm>>, %arg4: memref<10000xi32, #tpu.memory_space<vmem>>, %arg5: memref<10240xf32, #tpu.memory_space<vmem>>, %arg6: memref<16x640xf32, #tpu.memory_space<vmem>>, %arg7: memref<640x16xf32, #tpu.memory_space<vmem>>, %arg8: memref<16x10240xf32, #tpu.memory_space<vmem_shared>>) attributes {dimension_semantics = [#tpu.dimension_semantics<core_parallel>, #tpu.dimension_semantics<subcore_parallel>], iteration_bounds = array<i64: 2, 16>, scalar_prefetch = 0 : i64, scratch_operands = 5 : i64, tpu.core_type = #tpu.core_type<sc_vector_subcore>, window_params = [{transform_indices = #map}, {transform_indices = #map}]} {
    %mul3A = arith.constant 640 : i32
    %mul3A_0 = arith.muli %arg1, %mul3A : i32
    %broadcast_in_dim3A = arith.constant 1.000000e+00 : f32
    %broadcast_in_dim3A_1 = vector.broadcast %broadcast_in_dim3A : f32 to vector<16xf32>
    %broadcast_in_dim3A_2 = arith.constant 0.000000e+00 : f32
    %broadcast_in_dim3A_3 = vector.broadcast %broadcast_in_dim3A_2 : f32 to vector<16xf32>
    %mul3A_4 = arith.constant 10000 : i32
    %mul3A_5 = arith.muli %arg1, %mul3A_4 : i32
    %run_scoped3A = arith.constant 1 : i32
    "tpu.region"() ({
      %run_scoped3A_26 = tpu.sem_alloc : memref<!tpu.dma_semaphore, #tpu.memory_space<semaphore_mem>>
      %dma_start3A = tpu.memref_slice %arg2[%run_scoped3A, %mul3A_5] : memref<2x160000xi32, #tpu.memory_space<hbm>> -> memref<1x10000xi32, #tpu.memory_space<hbm>>
      %dma_start3A_27 = tpu.memref_squeeze %dma_start3A : memref<1x10000xi32, #tpu.memory_space<hbm>> -> memref<10000xi32, #tpu.memory_space<hbm>>
      %dma_start3A_28 = tpu.memref_slice %arg2[%run_scoped3A, %mul3A_5] : memref<2x160000xi32, #tpu.memory_space<hbm>> -> memref<1x10000xi32, #tpu.memory_space<hbm>>
      %dma_start3A_29 = tpu.memref_squeeze %dma_start3A_28 : memref<1x10000xi32, #tpu.memory_space<hbm>> -> memref<10000xi32, #tpu.memory_space<hbm>>
      tpu.enqueue_dma source(%dma_start3A_29 : memref<10000xi32, #tpu.memory_space<hbm>>) target(%arg4 : memref<10000xi32, #tpu.memory_space<vmem>>) target_semaphore(%run_scoped3A_26 : memref<!tpu.dma_semaphore, #tpu.memory_space<semaphore_mem>>)
      %dma_wait3A = tpu.memref_slice %arg2[%run_scoped3A, %mul3A_5] : memref<2x160000xi32, #tpu.memory_space<hbm>> -> memref<1x10000xi32, #tpu.memory_space<hbm>>
      %dma_wait3A_30 = tpu.memref_squeeze %dma_wait3A : memref<1x10000xi32, #tpu.memory_space<hbm>> -> memref<10000xi32, #tpu.memory_space<hbm>>
      %dma_wait3A_31 = tpu.memref_slice %arg2[%run_scoped3A, %mul3A_5] : memref<2x160000xi32, #tpu.memory_space<hbm>> -> memref<1x10000xi32, #tpu.memory_space<hbm>>
      %dma_wait3A_32 = tpu.memref_squeeze %dma_wait3A_31 : memref<1x10000xi32, #tpu.memory_space<hbm>> -> memref<10000xi32, #tpu.memory_space<hbm>>
      tpu.wait_dma2 semaphore(%run_scoped3A_26 : memref<!tpu.dma_semaphore, #tpu.memory_space<semaphore_mem>>) src(%dma_wait3A_32 : memref<10000xi32, #tpu.memory_space<hbm>>) dst(%arg4 : memref<10000xi32, #tpu.memory_space<vmem>>)
      tpu.yield
    }) : () -> ()
    %scan3A = arith.constant 0 : i32
    %scan3A_6 = arith.constant 640 : i32
    %scan3A_7 = arith.addi %scan3A, %scan3A_6 : i32
    %scan3A_8 = arith.constant 1 : i32
    scf.for %scan3A_26 = %scan3A to %scan3A_7 step %scan3A_8  : i32 {
      %mul3A_27 = arith.constant 1 : i32
      %mul3A_28 = arith.muli %scan3A_26, %mul3A_27 : i32
      %add3A = arith.constant 0 : i32
      %add3A_29 = arith.addi %add3A, %mul3A_28 : i32
      %mul3A_30 = arith.constant 16 : i32
      %mul3A_31 = arith.muli %add3A_29, %mul3A_30 : i32
      %swap3A = arith.index_cast %mul3A_31 : i32 to index
      %swap3A_32 = tpu.vector_load %arg5[%swap3A] {strides = array<i32>} : memref<10240xf32, #tpu.memory_space<vmem>>, vector<16xf32>,
      tpu.vector_store %arg5[%swap3A], %broadcast_in_dim3A_3 {strides = array<i32>} : memref<10240xf32, #tpu.memory_space<vmem>>, vector<16xf32>,
    }
    %scan3A_9 = arith.constant 640 : i32
    %scan3A_10 = arith.constant 0 : i32
    %scan3A_11 = arith.constant 625 : i32
    %scan3A_12 = arith.addi %scan3A_10, %scan3A_11 : i32
    %scan3A_13 = arith.constant 1 : i32
    scf.for %scan3A_26 = %scan3A_10 to %scan3A_12 step %scan3A_13  : i32 {
      %mul3A_27 = arith.constant 1 : i32
      %mul3A_28 = arith.muli %scan3A_26, %mul3A_27 : i32
      %add3A = arith.constant 0 : i32
      %add3A_29 = arith.addi %add3A, %mul3A_28 : i32
      %mul3A_30 = arith.constant 16 : i32
      %mul3A_31 = arith.muli %add3A_29, %mul3A_30 : i32
      %get3A = arith.index_cast %mul3A_31 : i32 to index
      %get3A_32 = tpu.vector_load %arg4[%get3A] {strides = array<i32>} : memref<10000xi32, #tpu.memory_space<vmem>>, vector<16xi32>,
      tpu.vector_store_idx %arg5[%get3A_32], %broadcast_in_dim3A_1 {add = true} : memref<10240xf32, #tpu.memory_space<vmem>>[vector<16xi32>], vector<16xf32>,
    }
    %scan3A_14 = arith.constant 625 : i32
    "tpu.region"() ({
      %run_scoped3A_26 = tpu.sem_alloc : memref<!tpu.dma_semaphore, #tpu.memory_space<semaphore_mem>>
      %dma_start3A = arith.constant 0 : i32
      %dma_start3A_27 = tpu.memref_slice %arg8[%arg1, %dma_start3A] : memref<16x10240xf32, #tpu.memory_space<vmem_shared>> -> memref<1x10240xf32, #tpu.memory_space<vmem_shared>>
      %dma_start3A_28 = tpu.memref_squeeze %dma_start3A_27 : memref<1x10240xf32, #tpu.memory_space<vmem_shared>> -> memref<10240xf32, #tpu.memory_space<vmem_shared>>
      %dma_start3A_29 = arith.constant 0 : i32
      %dma_start3A_30 = tpu.memref_slice %arg8[%arg1, %dma_start3A_29] : memref<16x10240xf32, #tpu.memory_space<vmem_shared>> -> memref<1x10240xf32, #tpu.memory_space<vmem_shared>>
      %dma_start3A_31 = tpu.memref_squeeze %dma_start3A_30 : memref<1x10240xf32, #tpu.memory_space<vmem_shared>> -> memref<10240xf32, #tpu.memory_space<vmem_shared>>
      tpu.enqueue_dma source(%arg5 : memref<10240xf32, #tpu.memory_space<vmem>>) target(%dma_start3A_31 : memref<10240xf32, #tpu.memory_space<vmem_shared>>) target_semaphore(%run_scoped3A_26 : memref<!tpu.dma_semaphore, #tpu.memory_space<semaphore_mem>>)
      %dma_wait3A = arith.constant 0 : i32
      %dma_wait3A_32 = tpu.memref_slice %arg8[%arg1, %dma_wait3A] : memref<16x10240xf32, #tpu.memory_space<vmem_shared>> -> memref<1x10240xf32, #tpu.memory_space<vmem_shared>>
      %dma_wait3A_33 = tpu.memref_squeeze %dma_wait3A_32 : memref<1x10240xf32, #tpu.memory_space<vmem_shared>> -> memref<10240xf32, #tpu.memory_space<vmem_shared>>
      %dma_wait3A_34 = arith.constant 0 : i32
      %dma_wait3A_35 = tpu.memref_slice %arg8[%arg1, %dma_wait3A_34] : memref<16x10240xf32, #tpu.memory_space<vmem_shared>> -> memref<1x10240xf32, #tpu.memory_space<vmem_shared>>
      %dma_wait3A_36 = tpu.memref_squeeze %dma_wait3A_35 : memref<1x10240xf32, #tpu.memory_space<vmem_shared>> -> memref<10240xf32, #tpu.memory_space<vmem_shared>>
      tpu.wait_dma2 semaphore(%run_scoped3A_26 : memref<!tpu.dma_semaphore, #tpu.memory_space<semaphore_mem>>) src(%arg5 : memref<10240xf32, #tpu.memory_space<vmem>>) dst(%dma_wait3A_36 : memref<10240xf32, #tpu.memory_space<vmem_shared>>)
      tpu.yield
    }) : () -> ()
    %barrier3A = arith.constant 0 : index
    tpu.barrier barrier_id(%barrier3A)
    "tpu.region"() ({
      %run_scoped3A_26 = tpu.sem_alloc : memref<!tpu.dma_semaphore, #tpu.memory_space<semaphore_mem>>
      %dma_start3A = arith.constant 0 : i32
      %dma_start3A_27 = tpu.memref_slice %arg8[%dma_start3A, %mul3A_0] : memref<16x10240xf32, #tpu.memory_space<vmem_shared>> -> memref<16x640xf32, #tpu.memory_space<vmem_shared>>
      %dma_start3A_28 = arith.constant 0 : i32
      %dma_start3A_29 = tpu.memref_slice %arg8[%dma_start3A_28, %mul3A_0] : memref<16x10240xf32, #tpu.memory_space<vmem_shared>> -> memref<16x640xf32, #tpu.memory_space<vmem_shared>>
      tpu.enqueue_dma source(%dma_start3A_29 : memref<16x640xf32, #tpu.memory_space<vmem_shared>>) target(%arg6 : memref<16x640xf32, #tpu.memory_space<vmem>>) target_semaphore(%run_scoped3A_26 : memref<!tpu.dma_semaphore, #tpu.memory_space<semaphore_mem>>)
      %dma_wait3A = arith.constant 0 : i32
      %dma_wait3A_30 = tpu.memref_slice %arg8[%dma_wait3A, %mul3A_0] : memref<16x10240xf32, #tpu.memory_space<vmem_shared>> -> memref<16x640xf32, #tpu.memory_space<vmem_shared>>
      %dma_wait3A_31 = arith.constant 0 : i32
      %dma_wait3A_32 = tpu.memref_slice %arg8[%dma_wait3A_31, %mul3A_0] : memref<16x10240xf32, #tpu.memory_space<vmem_shared>> -> memref<16x640xf32, #tpu.memory_space<vmem_shared>>
      tpu.wait_dma2 semaphore(%run_scoped3A_26 : memref<!tpu.dma_semaphore, #tpu.memory_space<semaphore_mem>>) src(%dma_wait3A_32 : memref<16x640xf32, #tpu.memory_space<vmem_shared>>) dst(%arg6 : memref<16x640xf32, #tpu.memory_space<vmem>>)
      tpu.yield
    }) : () -> ()
    %scan3A_15 = arith.constant 0 : i32
    %scan3A_16 = arith.constant 40 : i32
    %scan3A_17 = arith.addi %scan3A_15, %scan3A_16 : i32
    %scan3A_18 = arith.constant 1 : i32
    scf.for %scan3A_26 = %scan3A_15 to %scan3A_17 step %scan3A_18  : i32 {
      %mul3A_27 = arith.constant 1 : i32
      %mul3A_28 = arith.muli %scan3A_26, %mul3A_27 : i32
      %add3A = arith.constant 0 : i32
      %add3A_29 = arith.addi %add3A, %mul3A_28 : i32
      %mul3A_30 = arith.constant 16 : i32
      %mul3A_31 = arith.muli %add3A_29, %mul3A_30 : i32
      %get3A = arith.constant 0 : i32
      %get3A_32 = arith.index_cast %get3A : i32 to index
      %get3A_33 = arith.index_cast %mul3A_31 : i32 to index
      %get3A_34 = tpu.vector_load %arg6[%get3A_32, %get3A_33] {strides = array<i32>} : memref<16x640xf32, #tpu.memory_space<vmem>>, vector<16xf32>,
      %mul3A_35 = arith.constant 16 : i32
      %mul3A_36 = arith.muli %add3A_29, %mul3A_35 : i32
      %get3A_37 = arith.constant 1 : i32
      %get3A_38 = arith.index_cast %get3A_37 : i32 to index
      %get3A_39 = arith.index_cast %mul3A_36 : i32 to index
      %get3A_40 = tpu.vector_load %arg6[%get3A_38, %get3A_39] {strides = array<i32>} : memref<16x640xf32, #tpu.memory_space<vmem>>, vector<16xf32>,
      %add3A_41 = arith.addf %get3A_34, %get3A_40 : vector<16xf32>
      %mul3A_42 = arith.constant 16 : i32
      %mul3A_43 = arith.muli %add3A_29, %mul3A_42 : i32
      %get3A_44 = arith.constant 2 : i32
      %get3A_45 = arith.index_cast %get3A_44 : i32 to index
      %get3A_46 = arith.index_cast %mul3A_43 : i32 to index
      %get3A_47 = tpu.vector_load %arg6[%get3A_45, %get3A_46] {strides = array<i32>} : memref<16x640xf32, #tpu.memory_space<vmem>>, vector<16xf32>,
      %add3A_48 = arith.addf %add3A_41, %get3A_47 : vector<16xf32>
      %mul3A_49 = arith.constant 16 : i32
      %mul3A_50 = arith.muli %add3A_29, %mul3A_49 : i32
      %get3A_51 = arith.constant 3 : i32
      %get3A_52 = arith.index_cast %get3A_51 : i32 to index
      %get3A_53 = arith.index_cast %mul3A_50 : i32 to index
      %get3A_54 = tpu.vector_load %arg6[%get3A_52, %get3A_53] {strides = array<i32>} : memref<16x640xf32, #tpu.memory_space<vmem>>, vector<16xf32>,
      %add3A_55 = arith.addf %add3A_48, %get3A_54 : vector<16xf32>
      %mul3A_56 = arith.constant 16 : i32
      %mul3A_57 = arith.muli %add3A_29, %mul3A_56 : i32
      %get3A_58 = arith.constant 4 : i32
      %get3A_59 = arith.index_cast %get3A_58 : i32 to index
      %get3A_60 = arith.index_cast %mul3A_57 : i32 to index
      %get3A_61 = tpu.vector_load %arg6[%get3A_59, %get3A_60] {strides = array<i32>} : memref<16x640xf32, #tpu.memory_space<vmem>>, vector<16xf32>,
      %add3A_62 = arith.addf %add3A_55, %get3A_61 : vector<16xf32>
      %mul3A_63 = arith.constant 16 : i32
      %mul3A_64 = arith.muli %add3A_29, %mul3A_63 : i32
      %get3A_65 = arith.constant 5 : i32
      %get3A_66 = arith.index_cast %get3A_65 : i32 to index
      %get3A_67 = arith.index_cast %mul3A_64 : i32 to index
      %get3A_68 = tpu.vector_load %arg6[%get3A_66, %get3A_67] {strides = array<i32>} : memref<16x640xf32, #tpu.memory_space<vmem>>, vector<16xf32>,
      %add3A_69 = arith.addf %add3A_62, %get3A_68 : vector<16xf32>
      %mul3A_70 = arith.constant 16 : i32
      %mul3A_71 = arith.muli %add3A_29, %mul3A_70 : i32
      %get3A_72 = arith.constant 6 : i32
      %get3A_73 = arith.index_cast %get3A_72 : i32 to index
      %get3A_74 = arith.index_cast %mul3A_71 : i32 to index
      %get3A_75 = tpu.vector_load %arg6[%get3A_73, %get3A_74] {strides = array<i32>} : memref<16x640xf32, #tpu.memory_space<vmem>>, vector<16xf32>,
      %add3A_76 = arith.addf %add3A_69, %get3A_75 : vector<16xf32>
      %mul3A_77 = arith.constant 16 : i32
      %mul3A_78 = arith.muli %add3A_29, %mul3A_77 : i32
      %get3A_79 = arith.constant 7 : i32
      %get3A_80 = arith.index_cast %get3A_79 : i32 to index
      %get3A_81 = arith.index_cast %mul3A_78 : i32 to index
      %get3A_82 = tpu.vector_load %arg6[%get3A_80, %get3A_81] {strides = array<i32>} : memref<16x640xf32, #tpu.memory_space<vmem>>, vector<16xf32>,
      %add3A_83 = arith.addf %add3A_76, %get3A_82 : vector<16xf32>
      %mul3A_84 = arith.constant 16 : i32
      %mul3A_85 = arith.muli %add3A_29, %mul3A_84 : i32
      %get3A_86 = arith.constant 8 : i32
      %get3A_87 = arith.index_cast %get3A_86 : i32 to index
      %get3A_88 = arith.index_cast %mul3A_85 : i32 to index
      %get3A_89 = tpu.vector_load %arg6[%get3A_87, %get3A_88] {strides = array<i32>} : memref<16x640xf32, #tpu.memory_space<vmem>>, vector<16xf32>,
      %add3A_90 = arith.addf %add3A_83, %get3A_89 : vector<16xf32>
      %mul3A_91 = arith.constant 16 : i32
      %mul3A_92 = arith.muli %add3A_29, %mul3A_91 : i32
      %get3A_93 = arith.constant 9 : i32
      %get3A_94 = arith.index_cast %get3A_93 : i32 to index
      %get3A_95 = arith.index_cast %mul3A_92 : i32 to index
      %get3A_96 = tpu.vector_load %arg6[%get3A_94, %get3A_95] {strides = array<i32>} : memref<16x640xf32, #tpu.memory_space<vmem>>, vector<16xf32>,
      %add3A_97 = arith.addf %add3A_90, %get3A_96 : vector<16xf32>
      %mul3A_98 = arith.constant 16 : i32
      %mul3A_99 = arith.muli %add3A_29, %mul3A_98 : i32
      %get3A_100 = arith.constant 10 : i32
      %get3A_101 = arith.index_cast %get3A_100 : i32 to index
      %get3A_102 = arith.index_cast %mul3A_99 : i32 to index
      %get3A_103 = tpu.vector_load %arg6[%get3A_101, %get3A_102] {strides = array<i32>} : memref<16x640xf32, #tpu.memory_space<vmem>>, vector<16xf32>,
      %add3A_104 = arith.addf %add3A_97, %get3A_103 : vector<16xf32>
      %mul3A_105 = arith.constant 16 : i32
      %mul3A_106 = arith.muli %add3A_29, %mul3A_105 : i32
      %get3A_107 = arith.constant 11 : i32
      %get3A_108 = arith.index_cast %get3A_107 : i32 to index
      %get3A_109 = arith.index_cast %mul3A_106 : i32 to index
      %get3A_110 = tpu.vector_load %arg6[%get3A_108, %get3A_109] {strides = array<i32>} : memref<16x640xf32, #tpu.memory_space<vmem>>, vector<16xf32>,
      %add3A_111 = arith.addf %add3A_104, %get3A_110 : vector<16xf32>
      %mul3A_112 = arith.constant 16 : i32
      %mul3A_113 = arith.muli %add3A_29, %mul3A_112 : i32
      %get3A_114 = arith.constant 12 : i32
      %get3A_115 = arith.index_cast %get3A_114 : i32 to index
      %get3A_116 = arith.index_cast %mul3A_113 : i32 to index
      %get3A_117 = tpu.vector_load %arg6[%get3A_115, %get3A_116] {strides = array<i32>} : memref<16x640xf32, #tpu.memory_space<vmem>>, vector<16xf32>,
      %add3A_118 = arith.addf %add3A_111, %get3A_117 : vector<16xf32>
      %mul3A_119 = arith.constant 16 : i32
      %mul3A_120 = arith.muli %add3A_29, %mul3A_119 : i32
      %get3A_121 = arith.constant 13 : i32
      %get3A_122 = arith.index_cast %get3A_121 : i32 to index
      %get3A_123 = arith.index_cast %mul3A_120 : i32 to index
      %get3A_124 = tpu.vector_load %arg6[%get3A_122, %get3A_123] {strides = array<i32>} : memref<16x640xf32, #tpu.memory_space<vmem>>, vector<16xf32>,
      %add3A_125 = arith.addf %add3A_118, %get3A_124 : vector<16xf32>
      %mul3A_126 = arith.constant 16 : i32
      %mul3A_127 = arith.muli %add3A_29, %mul3A_126 : i32
      %get3A_128 = arith.constant 14 : i32
      %get3A_129 = arith.index_cast %get3A_128 : i32 to index
      %get3A_130 = arith.index_cast %mul3A_127 : i32 to index
      %get3A_131 = tpu.vector_load %arg6[%get3A_129, %get3A_130] {strides = array<i32>} : memref<16x640xf32, #tpu.memory_space<vmem>>, vector<16xf32>,
      %add3A_132 = arith.addf %add3A_125, %get3A_131 : vector<16xf32>
      %mul3A_133 = arith.constant 16 : i32
      %mul3A_134 = arith.muli %add3A_29, %mul3A_133 : i32
      %get3A_135 = arith.constant 15 : i32
      %get3A_136 = arith.index_cast %get3A_135 : i32 to index
      %get3A_137 = arith.index_cast %mul3A_134 : i32 to index
      %get3A_138 = tpu.vector_load %arg6[%get3A_136, %get3A_137] {strides = array<i32>} : memref<16x640xf32, #tpu.memory_space<vmem>>, vector<16xf32>,
      %add3A_139 = arith.addf %add3A_132, %get3A_138 : vector<16xf32>
      %add3A_140 = arith.constant 1.000000e+00 : f32
      %add3A_141 = vector.broadcast %add3A_140 : f32 to vector<16xf32>
      %add3A_142 = arith.addf %add3A_139, %add3A_141 : vector<16xf32>
      %bitcast3A = vector.bitcast %add3A_142 : vector<16xf32> to vector<16xi32>
      %shift_right_logical3A = arith.constant 1 : i32
      %shift_right_logical3A_143 = vector.broadcast %shift_right_logical3A : i32 to vector<16xi32>
      %shift_right_logical3A_144 = arith.shrui %bitcast3A, %shift_right_logical3A_143 : vector<16xi32>
      %sub3A = arith.constant 1597463007 : i32
      %sub3A_145 = vector.broadcast %sub3A : i32 to vector<16xi32>
      %sub3A_146 = arith.subi %sub3A_145, %shift_right_logical3A_144 : vector<16xi32>
      %bitcast3A_147 = vector.bitcast %sub3A_146 : vector<16xi32> to vector<16xf32>
      %mul3A_148 = arith.constant 5.000000e-01 : f32
      %mul3A_149 = vector.broadcast %mul3A_148 : f32 to vector<16xf32>
      %mul3A_150 = arith.mulf %mul3A_149, %add3A_142 : vector<16xf32>
      %mul3A_151 = arith.mulf %mul3A_150, %bitcast3A_147 : vector<16xf32>
      %mul3A_152 = arith.mulf %mul3A_151, %bitcast3A_147 : vector<16xf32>
      %sub3A_153 = arith.constant 1.500000e+00 : f32
      %sub3A_154 = vector.broadcast %sub3A_153 : f32 to vector<16xf32>
      %sub3A_155 = arith.subf %sub3A_154, %mul3A_152 : vector<16xf32>
      %mul3A_156 = arith.mulf %bitcast3A_147, %sub3A_155 : vector<16xf32>
      %mul3A_157 = arith.constant 5.000000e-01 : f32
      %mul3A_158 = vector.broadcast %mul3A_157 : f32 to vector<16xf32>
      %mul3A_159 = arith.mulf %mul3A_158, %add3A_142 : vector<16xf32>
      %mul3A_160 = arith.mulf %mul3A_159, %mul3A_156 : vector<16xf32>
      %mul3A_161 = arith.mulf %mul3A_160, %mul3A_156 : vector<16xf32>
      %sub3A_162 = arith.constant 1.500000e+00 : f32
      %sub3A_163 = vector.broadcast %sub3A_162 : f32 to vector<16xf32>
      %sub3A_164 = arith.subf %sub3A_163, %mul3A_161 : vector<16xf32>
      %mul3A_165 = arith.mulf %mul3A_156, %sub3A_164 : vector<16xf32>
      %mul3A_166 = arith.constant 5.000000e-01 : f32
      %mul3A_167 = vector.broadcast %mul3A_166 : f32 to vector<16xf32>
      %mul3A_168 = arith.mulf %mul3A_167, %add3A_142 : vector<16xf32>
      %mul3A_169 = arith.mulf %mul3A_168, %mul3A_165 : vector<16xf32>
      %mul3A_170 = arith.mulf %mul3A_169, %mul3A_165 : vector<16xf32>
      %sub3A_171 = arith.constant 1.500000e+00 : f32
      %sub3A_172 = vector.broadcast %sub3A_171 : f32 to vector<16xf32>
      %sub3A_173 = arith.subf %sub3A_172, %mul3A_170 : vector<16xf32>
      %mul3A_174 = arith.mulf %mul3A_165, %sub3A_173 : vector<16xf32>
      %broadcast_in_dim3A_175 = arith.constant 0 : i32
      %broadcast_in_dim3A_176 = vector.broadcast %broadcast_in_dim3A_175 : i32 to vector<16x1xi32>
      %gather3A = vector.shape_cast %broadcast_in_dim3A_176 : vector<16x1xi32> to vector<16xi32>
      %gather3A_177 = tpu.dynamic_gather %mul3A_174[%gather3A] in [0] : vector<16xf32>, vector<16xi32> -> vector<16xf32>
      %mul3A_178 = arith.constant 16 : i32
      %mul3A_179 = arith.muli %add3A_29, %mul3A_178 : i32
      %add3A_180 = arith.constant 0 : i32
      %add3A_181 = arith.addi %mul3A_179, %add3A_180 : i32
      %swap3A = arith.index_cast %add3A_181 : i32 to index
      %swap3A_182 = arith.constant 0 : index
      %swap3A_183 = tpu.vector_load %arg7[%swap3A, %swap3A_182] {strides = array<i32>} : memref<640x16xf32, #tpu.memory_space<vmem>>, vector<16xf32>,
      tpu.vector_store %arg7[%swap3A, %swap3A_182], %gather3A_177 {strides = array<i32>} : memref<640x16xf32, #tpu.memory_space<vmem>>, vector<16xf32>,
      %broadcast_in_dim3A_184 = arith.constant 1 : i32
      %broadcast_in_dim3A_185 = vector.broadcast %broadcast_in_dim3A_184 : i32 to vector<16x1xi32>
      %gather3A_186 = vector.shape_cast %broadcast_in_dim3A_185 : vector<16x1xi32> to vector<16xi32>
      %gather3A_187 = tpu.dynamic_gather %mul3A_174[%gather3A_186] in [0] : vector<16xf32>, vector<16xi32> -> vector<16xf32>
      %mul3A_188 = arith.constant 16 : i32
      %mul3A_189 = arith.muli %add3A_29, %mul3A_188 : i32
      %add3A_190 = arith.constant 1 : i32
      %add3A_191 = arith.addi %mul3A_189, %add3A_190 : i32
      %swap3A_192 = arith.index_cast %add3A_191 : i32 to index
      %swap3A_193 = arith.constant 0 : index
      %swap3A_194 = tpu.vector_load %arg7[%swap3A_192, %swap3A_193] {strides = array<i32>} : memref<640x16xf32, #tpu.memory_space<vmem>>, vector<16xf32>,
      tpu.vector_store %arg7[%swap3A_192, %swap3A_193], %gather3A_187 {strides = array<i32>} : memref<640x16xf32, #tpu.memory_space<vmem>>, vector<16xf32>,
      %broadcast_in_dim3A_195 = arith.constant 2 : i32
      %broadcast_in_dim3A_196 = vector.broadcast %broadcast_in_dim3A_195 : i32 to vector<16x1xi32>
      %gather3A_197 = vector.shape_cast %broadcast_in_dim3A_196 : vector<16x1xi32> to vector<16xi32>
      %gather3A_198 = tpu.dynamic_gather %mul3A_174[%gather3A_197] in [0] : vector<16xf32>, vector<16xi32> -> vector<16xf32>
      %mul3A_199 = arith.constant 16 : i32
      %mul3A_200 = arith.muli %add3A_29, %mul3A_199 : i32
      %add3A_201 = arith.constant 2 : i32
      %add3A_202 = arith.addi %mul3A_200, %add3A_201 : i32
      %swap3A_203 = arith.index_cast %add3A_202 : i32 to index
      %swap3A_204 = arith.constant 0 : index
      %swap3A_205 = tpu.vector_load %arg7[%swap3A_203, %swap3A_204] {strides = array<i32>} : memref<640x16xf32, #tpu.memory_space<vmem>>, vector<16xf32>,
      tpu.vector_store %arg7[%swap3A_203, %swap3A_204], %gather3A_198 {strides = array<i32>} : memref<640x16xf32, #tpu.memory_space<vmem>>, vector<16xf32>,
      %broadcast_in_dim3A_206 = arith.constant 3 : i32
      %broadcast_in_dim3A_207 = vector.broadcast %broadcast_in_dim3A_206 : i32 to vector<16x1xi32>
      %gather3A_208 = vector.shape_cast %broadcast_in_dim3A_207 : vector<16x1xi32> to vector<16xi32>
      %gather3A_209 = tpu.dynamic_gather %mul3A_174[%gather3A_208] in [0] : vector<16xf32>, vector<16xi32> -> vector<16xf32>
      %mul3A_210 = arith.constant 16 : i32
      %mul3A_211 = arith.muli %add3A_29, %mul3A_210 : i32
      %add3A_212 = arith.constant 3 : i32
      %add3A_213 = arith.addi %mul3A_211, %add3A_212 : i32
      %swap3A_214 = arith.index_cast %add3A_213 : i32 to index
      %swap3A_215 = arith.constant 0 : index
      %swap3A_216 = tpu.vector_load %arg7[%swap3A_214, %swap3A_215] {strides = array<i32>} : memref<640x16xf32, #tpu.memory_space<vmem>>, vector<16xf32>,
      tpu.vector_store %arg7[%swap3A_214, %swap3A_215], %gather3A_209 {strides = array<i32>} : memref<640x16xf32, #tpu.memory_space<vmem>>, vector<16xf32>,
      %broadcast_in_dim3A_217 = arith.constant 4 : i32
      %broadcast_in_dim3A_218 = vector.broadcast %broadcast_in_dim3A_217 : i32 to vector<16x1xi32>
      %gather3A_219 = vector.shape_cast %broadcast_in_dim3A_218 : vector<16x1xi32> to vector<16xi32>
      %gather3A_220 = tpu.dynamic_gather %mul3A_174[%gather3A_219] in [0] : vector<16xf32>, vector<16xi32> -> vector<16xf32>
      %mul3A_221 = arith.constant 16 : i32
      %mul3A_222 = arith.muli %add3A_29, %mul3A_221 : i32
      %add3A_223 = arith.constant 4 : i32
      %add3A_224 = arith.addi %mul3A_222, %add3A_223 : i32
      %swap3A_225 = arith.index_cast %add3A_224 : i32 to index
      %swap3A_226 = arith.constant 0 : index
      %swap3A_227 = tpu.vector_load %arg7[%swap3A_225, %swap3A_226] {strides = array<i32>} : memref<640x16xf32, #tpu.memory_space<vmem>>, vector<16xf32>,
      tpu.vector_store %arg7[%swap3A_225, %swap3A_226], %gather3A_220 {strides = array<i32>} : memref<640x16xf32, #tpu.memory_space<vmem>>, vector<16xf32>,
      %broadcast_in_dim3A_228 = arith.constant 5 : i32
      %broadcast_in_dim3A_229 = vector.broadcast %broadcast_in_dim3A_228 : i32 to vector<16x1xi32>
      %gather3A_230 = vector.shape_cast %broadcast_in_dim3A_229 : vector<16x1xi32> to vector<16xi32>
      %gather3A_231 = tpu.dynamic_gather %mul3A_174[%gather3A_230] in [0] : vector<16xf32>, vector<16xi32> -> vector<16xf32>
      %mul3A_232 = arith.constant 16 : i32
      %mul3A_233 = arith.muli %add3A_29, %mul3A_232 : i32
      %add3A_234 = arith.constant 5 : i32
      %add3A_235 = arith.addi %mul3A_233, %add3A_234 : i32
      %swap3A_236 = arith.index_cast %add3A_235 : i32 to index
      %swap3A_237 = arith.constant 0 : index
      %swap3A_238 = tpu.vector_load %arg7[%swap3A_236, %swap3A_237] {strides = array<i32>} : memref<640x16xf32, #tpu.memory_space<vmem>>, vector<16xf32>,
      tpu.vector_store %arg7[%swap3A_236, %swap3A_237], %gather3A_231 {strides = array<i32>} : memref<640x16xf32, #tpu.memory_space<vmem>>, vector<16xf32>,
      %broadcast_in_dim3A_239 = arith.constant 6 : i32
      %broadcast_in_dim3A_240 = vector.broadcast %broadcast_in_dim3A_239 : i32 to vector<16x1xi32>
      %gather3A_241 = vector.shape_cast %broadcast_in_dim3A_240 : vector<16x1xi32> to vector<16xi32>
      %gather3A_242 = tpu.dynamic_gather %mul3A_174[%gather3A_241] in [0] : vector<16xf32>, vector<16xi32> -> vector<16xf32>
      %mul3A_243 = arith.constant 16 : i32
      %mul3A_244 = arith.muli %add3A_29, %mul3A_243 : i32
      %add3A_245 = arith.constant 6 : i32
      %add3A_246 = arith.addi %mul3A_244, %add3A_245 : i32
      %swap3A_247 = arith.index_cast %add3A_246 : i32 to index
      %swap3A_248 = arith.constant 0 : index
      %swap3A_249 = tpu.vector_load %arg7[%swap3A_247, %swap3A_248] {strides = array<i32>} : memref<640x16xf32, #tpu.memory_space<vmem>>, vector<16xf32>,
      tpu.vector_store %arg7[%swap3A_247, %swap3A_248], %gather3A_242 {strides = array<i32>} : memref<640x16xf32, #tpu.memory_space<vmem>>, vector<16xf32>,
      %broadcast_in_dim3A_250 = arith.constant 7 : i32
      %broadcast_in_dim3A_251 = vector.broadcast %broadcast_in_dim3A_250 : i32 to vector<16x1xi32>
      %gather3A_252 = vector.shape_cast %broadcast_in_dim3A_251 : vector<16x1xi32> to vector<16xi32>
      %gather3A_253 = tpu.dynamic_gather %mul3A_174[%gather3A_252] in [0] : vector<16xf32>, vector<16xi32> -> vector<16xf32>
      %mul3A_254 = arith.constant 16 : i32
      %mul3A_255 = arith.muli %add3A_29, %mul3A_254 : i32
      %add3A_256 = arith.constant 7 : i32
      %add3A_257 = arith.addi %mul3A_255, %add3A_256 : i32
      %swap3A_258 = arith.index_cast %add3A_257 : i32 to index
      %swap3A_259 = arith.constant 0 : index
      %swap3A_260 = tpu.vector_load %arg7[%swap3A_258, %swap3A_259] {strides = array<i32>} : memref<640x16xf32, #tpu.memory_space<vmem>>, vector<16xf32>,
      tpu.vector_store %arg7[%swap3A_258, %swap3A_259], %gather3A_253 {strides = array<i32>} : memref<640x16xf32, #tpu.memory_space<vmem>>, vector<16xf32>,
      %broadcast_in_dim3A_261 = arith.constant 8 : i32
      %broadcast_in_dim3A_262 = vector.broadcast %broadcast_in_dim3A_261 : i32 to vector<16x1xi32>
      %gather3A_263 = vector.shape_cast %broadcast_in_dim3A_262 : vector<16x1xi32> to vector<16xi32>
      %gather3A_264 = tpu.dynamic_gather %mul3A_174[%gather3A_263] in [0] : vector<16xf32>, vector<16xi32> -> vector<16xf32>
      %mul3A_265 = arith.constant 16 : i32
      %mul3A_266 = arith.muli %add3A_29, %mul3A_265 : i32
      %add3A_267 = arith.constant 8 : i32
      %add3A_268 = arith.addi %mul3A_266, %add3A_267 : i32
      %swap3A_269 = arith.index_cast %add3A_268 : i32 to index
      %swap3A_270 = arith.constant 0 : index
      %swap3A_271 = tpu.vector_load %arg7[%swap3A_269, %swap3A_270] {strides = array<i32>} : memref<640x16xf32, #tpu.memory_space<vmem>>, vector<16xf32>,
      tpu.vector_store %arg7[%swap3A_269, %swap3A_270], %gather3A_264 {strides = array<i32>} : memref<640x16xf32, #tpu.memory_space<vmem>>, vector<16xf32>,
      %broadcast_in_dim3A_272 = arith.constant 9 : i32
      %broadcast_in_dim3A_273 = vector.broadcast %broadcast_in_dim3A_272 : i32 to vector<16x1xi32>
      %gather3A_274 = vector.shape_cast %broadcast_in_dim3A_273 : vector<16x1xi32> to vector<16xi32>
      %gather3A_275 = tpu.dynamic_gather %mul3A_174[%gather3A_274] in [0] : vector<16xf32>, vector<16xi32> -> vector<16xf32>
      %mul3A_276 = arith.constant 16 : i32
      %mul3A_277 = arith.muli %add3A_29, %mul3A_276 : i32
      %add3A_278 = arith.constant 9 : i32
      %add3A_279 = arith.addi %mul3A_277, %add3A_278 : i32
      %swap3A_280 = arith.index_cast %add3A_279 : i32 to index
      %swap3A_281 = arith.constant 0 : index
      %swap3A_282 = tpu.vector_load %arg7[%swap3A_280, %swap3A_281] {strides = array<i32>} : memref<640x16xf32, #tpu.memory_space<vmem>>, vector<16xf32>,
      tpu.vector_store %arg7[%swap3A_280, %swap3A_281], %gather3A_275 {strides = array<i32>} : memref<640x16xf32, #tpu.memory_space<vmem>>, vector<16xf32>,
      %broadcast_in_dim3A_283 = arith.constant 10 : i32
      %broadcast_in_dim3A_284 = vector.broadcast %broadcast_in_dim3A_283 : i32 to vector<16x1xi32>
      %gather3A_285 = vector.shape_cast %broadcast_in_dim3A_284 : vector<16x1xi32> to vector<16xi32>
      %gather3A_286 = tpu.dynamic_gather %mul3A_174[%gather3A_285] in [0] : vector<16xf32>, vector<16xi32> -> vector<16xf32>
      %mul3A_287 = arith.constant 16 : i32
      %mul3A_288 = arith.muli %add3A_29, %mul3A_287 : i32
      %add3A_289 = arith.constant 10 : i32
      %add3A_290 = arith.addi %mul3A_288, %add3A_289 : i32
      %swap3A_291 = arith.index_cast %add3A_290 : i32 to index
      %swap3A_292 = arith.constant 0 : index
      %swap3A_293 = tpu.vector_load %arg7[%swap3A_291, %swap3A_292] {strides = array<i32>} : memref<640x16xf32, #tpu.memory_space<vmem>>, vector<16xf32>,
      tpu.vector_store %arg7[%swap3A_291, %swap3A_292], %gather3A_286 {strides = array<i32>} : memref<640x16xf32, #tpu.memory_space<vmem>>, vector<16xf32>,
      %broadcast_in_dim3A_294 = arith.constant 11 : i32
      %broadcast_in_dim3A_295 = vector.broadcast %broadcast_in_dim3A_294 : i32 to vector<16x1xi32>
      %gather3A_296 = vector.shape_cast %broadcast_in_dim3A_295 : vector<16x1xi32> to vector<16xi32>
      %gather3A_297 = tpu.dynamic_gather %mul3A_174[%gather3A_296] in [0] : vector<16xf32>, vector<16xi32> -> vector<16xf32>
      %mul3A_298 = arith.constant 16 : i32
      %mul3A_299 = arith.muli %add3A_29, %mul3A_298 : i32
      %add3A_300 = arith.constant 11 : i32
      %add3A_301 = arith.addi %mul3A_299, %add3A_300 : i32
      %swap3A_302 = arith.index_cast %add3A_301 : i32 to index
      %swap3A_303 = arith.constant 0 : index
      %swap3A_304 = tpu.vector_load %arg7[%swap3A_302, %swap3A_303] {strides = array<i32>} : memref<640x16xf32, #tpu.memory_space<vmem>>, vector<16xf32>,
      tpu.vector_store %arg7[%swap3A_302, %swap3A_303], %gather3A_297 {strides = array<i32>} : memref<640x16xf32, #tpu.memory_space<vmem>>, vector<16xf32>,
      %broadcast_in_dim3A_305 = arith.constant 12 : i32
      %broadcast_in_dim3A_306 = vector.broadcast %broadcast_in_dim3A_305 : i32 to vector<16x1xi32>
      %gather3A_307 = vector.shape_cast %broadcast_in_dim3A_306 : vector<16x1xi32> to vector<16xi32>
      %gather3A_308 = tpu.dynamic_gather %mul3A_174[%gather3A_307] in [0] : vector<16xf32>, vector<16xi32> -> vector<16xf32>
      %mul3A_309 = arith.constant 16 : i32
      %mul3A_310 = arith.muli %add3A_29, %mul3A_309 : i32
      %add3A_311 = arith.constant 12 : i32
      %add3A_312 = arith.addi %mul3A_310, %add3A_311 : i32
      %swap3A_313 = arith.index_cast %add3A_312 : i32 to index
      %swap3A_314 = arith.constant 0 : index
      %swap3A_315 = tpu.vector_load %arg7[%swap3A_313, %swap3A_314] {strides = array<i32>} : memref<640x16xf32, #tpu.memory_space<vmem>>, vector<16xf32>,
      tpu.vector_store %arg7[%swap3A_313, %swap3A_314], %gather3A_308 {strides = array<i32>} : memref<640x16xf32, #tpu.memory_space<vmem>>, vector<16xf32>,
      %broadcast_in_dim3A_316 = arith.constant 13 : i32
      %broadcast_in_dim3A_317 = vector.broadcast %broadcast_in_dim3A_316 : i32 to vector<16x1xi32>
      %gather3A_318 = vector.shape_cast %broadcast_in_dim3A_317 : vector<16x1xi32> to vector<16xi32>
      %gather3A_319 = tpu.dynamic_gather %mul3A_174[%gather3A_318] in [0] : vector<16xf32>, vector<16xi32> -> vector<16xf32>
      %mul3A_320 = arith.constant 16 : i32
      %mul3A_321 = arith.muli %add3A_29, %mul3A_320 : i32
      %add3A_322 = arith.constant 13 : i32
      %add3A_323 = arith.addi %mul3A_321, %add3A_322 : i32
      %swap3A_324 = arith.index_cast %add3A_323 : i32 to index
      %swap3A_325 = arith.constant 0 : index
      %swap3A_326 = tpu.vector_load %arg7[%swap3A_324, %swap3A_325] {strides = array<i32>} : memref<640x16xf32, #tpu.memory_space<vmem>>, vector<16xf32>,
      tpu.vector_store %arg7[%swap3A_324, %swap3A_325], %gather3A_319 {strides = array<i32>} : memref<640x16xf32, #tpu.memory_space<vmem>>, vector<16xf32>,
      %broadcast_in_dim3A_327 = arith.constant 14 : i32
      %broadcast_in_dim3A_328 = vector.broadcast %broadcast_in_dim3A_327 : i32 to vector<16x1xi32>
      %gather3A_329 = vector.shape_cast %broadcast_in_dim3A_328 : vector<16x1xi32> to vector<16xi32>
      %gather3A_330 = tpu.dynamic_gather %mul3A_174[%gather3A_329] in [0] : vector<16xf32>, vector<16xi32> -> vector<16xf32>
      %mul3A_331 = arith.constant 16 : i32
      %mul3A_332 = arith.muli %add3A_29, %mul3A_331 : i32
      %add3A_333 = arith.constant 14 : i32
      %add3A_334 = arith.addi %mul3A_332, %add3A_333 : i32
      %swap3A_335 = arith.index_cast %add3A_334 : i32 to index
      %swap3A_336 = arith.constant 0 : index
      %swap3A_337 = tpu.vector_load %arg7[%swap3A_335, %swap3A_336] {strides = array<i32>} : memref<640x16xf32, #tpu.memory_space<vmem>>, vector<16xf32>,
      tpu.vector_store %arg7[%swap3A_335, %swap3A_336], %gather3A_330 {strides = array<i32>} : memref<640x16xf32, #tpu.memory_space<vmem>>, vector<16xf32>,
      %broadcast_in_dim3A_338 = arith.constant 15 : i32
      %broadcast_in_dim3A_339 = vector.broadcast %broadcast_in_dim3A_338 : i32 to vector<16x1xi32>
      %gather3A_340 = vector.shape_cast %broadcast_in_dim3A_339 : vector<16x1xi32> to vector<16xi32>
      %gather3A_341 = tpu.dynamic_gather %mul3A_174[%gather3A_340] in [0] : vector<16xf32>, vector<16xi32> -> vector<16xf32>
      %mul3A_342 = arith.constant 16 : i32
      %mul3A_343 = arith.muli %add3A_29, %mul3A_342 : i32
      %add3A_344 = arith.constant 15 : i32
      %add3A_345 = arith.addi %mul3A_343, %add3A_344 : i32
      %swap3A_346 = arith.index_cast %add3A_345 : i32 to index
      %swap3A_347 = arith.constant 0 : index
      %swap3A_348 = tpu.vector_load %arg7[%swap3A_346, %swap3A_347] {strides = array<i32>} : memref<640x16xf32, #tpu.memory_space<vmem>>, vector<16xf32>,
      tpu.vector_store %arg7[%swap3A_346, %swap3A_347], %gather3A_341 {strides = array<i32>} : memref<640x16xf32, #tpu.memory_space<vmem>>, vector<16xf32>,
    }
    %scan3A_19 = arith.constant 40 : i32
    %lt3A = arith.constant 8 : i32
    %lt3A_20 = arith.cmpi slt, %arg1, %lt3A : i32
    %eq3A = arith.constant 0 : i32
    %eq3A_21 = arith.cmpi eq, %arg0, %eq3A : i32
    %eq3A_22 = arith.xori %lt3A_20, %eq3A_21 : i1
    %eq3A_23 = arith.constant true
    %eq3A_24 = arith.xori %eq3A_22, %eq3A_23 : i1
    %convert_element_type3A = arith.extui %eq3A_24 : i1 to i32
    %cond3A = arith.constant 0 : i32
    %cond3A_25 = arith.cmpi ne, %convert_element_type3A, %cond3A : i32
    scf.if %cond3A_25 {
      "tpu.region"() ({
        %run_scoped3A_26 = tpu.sem_alloc : memref<!tpu.dma_semaphore, #tpu.memory_space<semaphore_mem>>
        %dma_start3A = arith.constant 0 : i32
        %dma_start3A_27 = tpu.memref_slice %arg3[%mul3A_0, %dma_start3A] : memref<10240x16xf32, #tpu.memory_space<hbm>> -> memref<640x16xf32, #tpu.memory_space<hbm>>
        %dma_start3A_28 = arith.constant 0 : i32
        %dma_start3A_29 = tpu.memref_slice %arg3[%mul3A_0, %dma_start3A_28] : memref<10240x16xf32, #tpu.memory_space<hbm>> -> memref<640x16xf32, #tpu.memory_space<hbm>>
        tpu.enqueue_dma source(%arg7 : memref<640x16xf32, #tpu.memory_space<vmem>>) target(%dma_start3A_29 : memref<640x16xf32, #tpu.memory_space<hbm>>) target_semaphore(%run_scoped3A_26 : memref<!tpu.dma_semaphore, #tpu.memory_space<semaphore_mem>>)
        %dma_wait3A = arith.constant 0 : i32
        %dma_wait3A_30 = tpu.memref_slice %arg3[%mul3A_0, %dma_wait3A] : memref<10240x16xf32, #tpu.memory_space<hbm>> -> memref<640x16xf32, #tpu.memory_space<hbm>>
        %dma_wait3A_31 = arith.constant 0 : i32
        %dma_wait3A_32 = tpu.memref_slice %arg3[%mul3A_0, %dma_wait3A_31] : memref<10240x16xf32, #tpu.memory_space<hbm>> -> memref<640x16xf32, #tpu.memory_space<hbm>>
        tpu.wait_dma2 semaphore(%run_scoped3A_26 : memref<!tpu.dma_semaphore, #tpu.memory_space<semaphore_mem>>) src(%arg7 : memref<640x16xf32, #tpu.memory_space<vmem>>) dst(%dma_wait3A_32 : memref<640x16xf32, #tpu.memory_space<hbm>>)
        tpu.yield
      }) : () -> ()
    } else {
    }
    return
  }
}

#map = affine_map<(d0, d1) -> (0, 0)>
#map1 = affine_map<(d0, d1) -> (0, 0, 0)>
module attributes {stable_mosaic.version = 14 : i64} {
  func.func @sc_spmm1(%arg0: i32, %arg1: i32, %arg2: memref<10240x16xf32, #tpu.memory_space<hbm>>, %arg3: memref<10240x16xf32, #tpu.memory_space<hbm>>, %arg4: memref<2x160000xi32, #tpu.memory_space<hbm>>, %arg5: memref<10240x16xf32, #tpu.memory_space<hbm>>, %arg6: memref<2x10240x16xf32, #tpu.memory_space<hbm>>, %arg7: memref<5120xi32, #tpu.memory_space<vmem>>, %arg8: memref<5120xi32, #tpu.memory_space<vmem>>, %arg9: memref<40x128xi32, #tpu.memory_space<vmem>>, %arg10: memref<128x16xf32, #tpu.memory_space<vmem>>, %arg11: memref<128x16xf32, #tpu.memory_space<vmem>>, %arg12: memref<128x16xf32, #tpu.memory_space<vmem>>, %arg13: memref<128x16xf32, #tpu.memory_space<vmem>>, %arg14: memref<640x16xf32, #tpu.memory_space<vmem>>, %arg15: memref<640x16xf32, #tpu.memory_space<vmem>>, %arg16: memref<640x16xf32, #tpu.memory_space<vmem>>, %arg17: memref<10240x16xf32, #tpu.memory_space<vmem_shared>>, %arg18: memref<10240x16xf32, #tpu.memory_space<vmem_shared>>, %arg19: memref<!tpu.dma_semaphore, #tpu.memory_space<semaphore_mem>>, %arg20: memref<!tpu.dma_semaphore, #tpu.memory_space<semaphore_mem>>, %arg21: memref<!tpu.dma_semaphore, #tpu.memory_space<semaphore_mem>>, %arg22: memref<!tpu.dma_semaphore, #tpu.memory_space<semaphore_mem>>, %arg23: memref<!tpu.dma_semaphore, #tpu.memory_space<semaphore_mem>>, %arg24: memref<!tpu.dma_semaphore, #tpu.memory_space<semaphore_mem>>, %arg25: memref<!tpu.dma_semaphore, #tpu.memory_space<semaphore_mem>>, %arg26: memref<!tpu.dma_semaphore, #tpu.memory_space<semaphore_mem>>) attributes {dimension_semantics = [#tpu.dimension_semantics<core_parallel>, #tpu.dimension_semantics<subcore_parallel>], iteration_bounds = array<i64: 2, 16>, scalar_prefetch = 0 : i64, scratch_operands = 20 : i64, tpu.core_type = #tpu.core_type<sc_vector_subcore>, window_params = [{transform_indices = #map}, {transform_indices = #map}, {transform_indices = #map}, {transform_indices = #map}, {transform_indices = #map1}]} {
    %mul3A = arith.constant 16 : i32
    %mul3A_0 = arith.muli %arg0, %mul3A : i32
    %add3A = arith.addi %mul3A_0, %arg1 : i32
    %mul3A_1 = arith.constant 640 : i32
    %mul3A_2 = arith.muli %arg1, %mul3A_1 : i32
    "tpu.region"() ({
      %run_scoped3A_119 = tpu.sem_alloc : memref<!tpu.dma_semaphore, #tpu.memory_space<semaphore_mem>>
      %dma_start3A_120 = arith.constant 0 : i32
      %dma_start3A_121 = tpu.memref_slice %arg2[%mul3A_2, %dma_start3A_120] : memref<10240x16xf32, #tpu.memory_space<hbm>> -> memref<640x16xf32, #tpu.memory_space<hbm>>
      %dma_start3A_122 = arith.constant 0 : i32
      %dma_start3A_123 = tpu.memref_slice %arg2[%mul3A_2, %dma_start3A_122] : memref<10240x16xf32, #tpu.memory_space<hbm>> -> memref<640x16xf32, #tpu.memory_space<hbm>>
      tpu.enqueue_dma source(%dma_start3A_123 : memref<640x16xf32, #tpu.memory_space<hbm>>) target(%arg14 : memref<640x16xf32, #tpu.memory_space<vmem>>) target_semaphore(%run_scoped3A_119 : memref<!tpu.dma_semaphore, #tpu.memory_space<semaphore_mem>>)
      %dma_wait3A = arith.constant 0 : i32
      %dma_wait3A_124 = tpu.memref_slice %arg2[%mul3A_2, %dma_wait3A] : memref<10240x16xf32, #tpu.memory_space<hbm>> -> memref<640x16xf32, #tpu.memory_space<hbm>>
      %dma_wait3A_125 = arith.constant 0 : i32
      %dma_wait3A_126 = tpu.memref_slice %arg2[%mul3A_2, %dma_wait3A_125] : memref<10240x16xf32, #tpu.memory_space<hbm>> -> memref<640x16xf32, #tpu.memory_space<hbm>>
      tpu.wait_dma2 semaphore(%run_scoped3A_119 : memref<!tpu.dma_semaphore, #tpu.memory_space<semaphore_mem>>) src(%dma_wait3A_126 : memref<640x16xf32, #tpu.memory_space<hbm>>) dst(%arg14 : memref<640x16xf32, #tpu.memory_space<vmem>>)
      tpu.yield
    }) : () -> ()
    "tpu.region"() ({
      %run_scoped3A_119 = tpu.sem_alloc : memref<!tpu.dma_semaphore, #tpu.memory_space<semaphore_mem>>
      %dma_start3A_120 = arith.constant 0 : i32
      %dma_start3A_121 = tpu.memref_slice %arg3[%mul3A_2, %dma_start3A_120] : memref<10240x16xf32, #tpu.memory_space<hbm>> -> memref<640x16xf32, #tpu.memory_space<hbm>>
      %dma_start3A_122 = arith.constant 0 : i32
      %dma_start3A_123 = tpu.memref_slice %arg3[%mul3A_2, %dma_start3A_122] : memref<10240x16xf32, #tpu.memory_space<hbm>> -> memref<640x16xf32, #tpu.memory_space<hbm>>
      tpu.enqueue_dma source(%dma_start3A_123 : memref<640x16xf32, #tpu.memory_space<hbm>>) target(%arg16 : memref<640x16xf32, #tpu.memory_space<vmem>>) target_semaphore(%run_scoped3A_119 : memref<!tpu.dma_semaphore, #tpu.memory_space<semaphore_mem>>)
      %dma_wait3A = arith.constant 0 : i32
      %dma_wait3A_124 = tpu.memref_slice %arg3[%mul3A_2, %dma_wait3A] : memref<10240x16xf32, #tpu.memory_space<hbm>> -> memref<640x16xf32, #tpu.memory_space<hbm>>
      %dma_wait3A_125 = arith.constant 0 : i32
      %dma_wait3A_126 = tpu.memref_slice %arg3[%mul3A_2, %dma_wait3A_125] : memref<10240x16xf32, #tpu.memory_space<hbm>> -> memref<640x16xf32, #tpu.memory_space<hbm>>
      tpu.wait_dma2 semaphore(%run_scoped3A_119 : memref<!tpu.dma_semaphore, #tpu.memory_space<semaphore_mem>>) src(%dma_wait3A_126 : memref<640x16xf32, #tpu.memory_space<hbm>>) dst(%arg16 : memref<640x16xf32, #tpu.memory_space<vmem>>)
      tpu.yield
    }) : () -> ()
    %mul3A_3 = arith.constant 5000 : i32
    %mul3A_4 = arith.muli %add3A, %mul3A_3 : i32
    %run_scoped3A = arith.constant 0 : i32
    "tpu.region"() ({
      %run_scoped3A_119 = tpu.sem_alloc : memref<!tpu.dma_semaphore, #tpu.memory_space<semaphore_mem>>
      %dma_start3A_120 = arith.constant 0 : i32
      %dma_start3A_121 = tpu.memref_slice %arg7[%dma_start3A_120] : memref<5120xi32, #tpu.memory_space<vmem>> -> memref<5000xi32, #tpu.memory_space<vmem>>
      %dma_start3A_122 = tpu.memref_slice %arg4[%run_scoped3A, %mul3A_4] : memref<2x160000xi32, #tpu.memory_space<hbm>> -> memref<1x5000xi32, #tpu.memory_space<hbm>>
      %dma_start3A_123 = tpu.memref_squeeze %dma_start3A_122 : memref<1x5000xi32, #tpu.memory_space<hbm>> -> memref<5000xi32, #tpu.memory_space<hbm>>
      %dma_start3A_124 = arith.constant 0 : i32
      %dma_start3A_125 = tpu.memref_slice %arg7[%dma_start3A_124] : memref<5120xi32, #tpu.memory_space<vmem>> -> memref<5000xi32, #tpu.memory_space<vmem>>
      %dma_start3A_126 = tpu.memref_slice %arg4[%run_scoped3A, %mul3A_4] : memref<2x160000xi32, #tpu.memory_space<hbm>> -> memref<1x5000xi32, #tpu.memory_space<hbm>>
      %dma_start3A_127 = tpu.memref_squeeze %dma_start3A_126 : memref<1x5000xi32, #tpu.memory_space<hbm>> -> memref<5000xi32, #tpu.memory_space<hbm>>
      tpu.enqueue_dma source(%dma_start3A_127 : memref<5000xi32, #tpu.memory_space<hbm>>) target(%dma_start3A_125 : memref<5000xi32, #tpu.memory_space<vmem>>) target_semaphore(%run_scoped3A_119 : memref<!tpu.dma_semaphore, #tpu.memory_space<semaphore_mem>>)
      %dma_wait3A = arith.constant 0 : i32
      %dma_wait3A_128 = tpu.memref_slice %arg7[%dma_wait3A] : memref<5120xi32, #tpu.memory_space<vmem>> -> memref<5000xi32, #tpu.memory_space<vmem>>
      %dma_wait3A_129 = tpu.memref_slice %arg4[%run_scoped3A, %mul3A_4] : memref<2x160000xi32, #tpu.memory_space<hbm>> -> memref<1x5000xi32, #tpu.memory_space<hbm>>
      %dma_wait3A_130 = tpu.memref_squeeze %dma_wait3A_129 : memref<1x5000xi32, #tpu.memory_space<hbm>> -> memref<5000xi32, #tpu.memory_space<hbm>>
      %dma_wait3A_131 = arith.constant 0 : i32
      %dma_wait3A_132 = tpu.memref_slice %arg7[%dma_wait3A_131] : memref<5120xi32, #tpu.memory_space<vmem>> -> memref<5000xi32, #tpu.memory_space<vmem>>
      %dma_wait3A_133 = tpu.memref_slice %arg4[%run_scoped3A, %mul3A_4] : memref<2x160000xi32, #tpu.memory_space<hbm>> -> memref<1x5000xi32, #tpu.memory_space<hbm>>
      %dma_wait3A_134 = tpu.memref_squeeze %dma_wait3A_133 : memref<1x5000xi32, #tpu.memory_space<hbm>> -> memref<5000xi32, #tpu.memory_space<hbm>>
      tpu.wait_dma2 semaphore(%run_scoped3A_119 : memref<!tpu.dma_semaphore, #tpu.memory_space<semaphore_mem>>) src(%dma_wait3A_134 : memref<5000xi32, #tpu.memory_space<hbm>>) dst(%dma_wait3A_132 : memref<5000xi32, #tpu.memory_space<vmem>>)
      tpu.yield
    }) : () -> ()
    %iota3A = tpu.iota {dimensions = array<i32: 0>} : vector<16xi32>
    %get3A = arith.constant 4992 : index
    %get3A_5 = tpu.vector_load %arg7[%get3A] {strides = array<i32>} : memref<5120xi32, #tpu.memory_space<vmem>>, vector<16xi32>,
    %lt3A = arith.constant 8 : i32
    %lt3A_6 = vector.broadcast %lt3A : i32 to vector<16xi32>
    %lt3A_7 = arith.cmpi slt, %iota3A, %lt3A_6 : vector<16xi32>
    %jit3A = arith.constant 10239 : i32
    %broadcast_in_dim3A = vector.broadcast %jit3A : i32 to vector<16xi32>
    %select_n3A = arith.select %lt3A_7, %get3A_5, %broadcast_in_dim3A : vector<16xi1>, vector<16xi32>
    %swap3A = arith.constant 4992 : index
    %swap3A_8 = tpu.vector_load %arg7[%swap3A] {strides = array<i32>} : memref<5120xi32, #tpu.memory_space<vmem>>, vector<16xi32>,
    tpu.vector_store %arg7[%swap3A], %select_n3A {strides = array<i32>} : memref<5120xi32, #tpu.memory_space<vmem>>, vector<16xi32>,
    %broadcast_in_dim3A_9 = arith.constant 10239 : i32
    %broadcast_in_dim3A_10 = vector.broadcast %broadcast_in_dim3A_9 : i32 to vector<16xi32>
    %swap3A_11 = arith.constant 5008 : index
    %swap3A_12 = tpu.vector_load %arg7[%swap3A_11] {strides = array<i32>} : memref<5120xi32, #tpu.memory_space<vmem>>, vector<16xi32>,
    tpu.vector_store %arg7[%swap3A_11], %broadcast_in_dim3A_10 {strides = array<i32>} : memref<5120xi32, #tpu.memory_space<vmem>>, vector<16xi32>,
    %broadcast_in_dim3A_13 = arith.constant 10239 : i32
    %broadcast_in_dim3A_14 = vector.broadcast %broadcast_in_dim3A_13 : i32 to vector<16xi32>
    %swap3A_15 = arith.constant 5024 : index
    %swap3A_16 = tpu.vector_load %arg7[%swap3A_15] {strides = array<i32>} : memref<5120xi32, #tpu.memory_space<vmem>>, vector<16xi32>,
    tpu.vector_store %arg7[%swap3A_15], %broadcast_in_dim3A_14 {strides = array<i32>} : memref<5120xi32, #tpu.memory_space<vmem>>, vector<16xi32>,
    %broadcast_in_dim3A_17 = arith.constant 10239 : i32
    %broadcast_in_dim3A_18 = vector.broadcast %broadcast_in_dim3A_17 : i32 to vector<16xi32>
    %swap3A_19 = arith.constant 5040 : index
    %swap3A_20 = tpu.vector_load %arg7[%swap3A_19] {strides = array<i32>} : memref<5120xi32, #tpu.memory_space<vmem>>, vector<16xi32>,
    tpu.vector_store %arg7[%swap3A_19], %broadcast_in_dim3A_18 {strides = array<i32>} : memref<5120xi32, #tpu.memory_space<vmem>>, vector<16xi32>,
    %broadcast_in_dim3A_21 = arith.constant 10239 : i32
    %broadcast_in_dim3A_22 = vector.broadcast %broadcast_in_dim3A_21 : i32 to vector<16xi32>
    %swap3A_23 = arith.constant 5056 : index
    %swap3A_24 = tpu.vector_load %arg7[%swap3A_23] {strides = array<i32>} : memref<5120xi32, #tpu.memory_space<vmem>>, vector<16xi32>,
    tpu.vector_store %arg7[%swap3A_23], %broadcast_in_dim3A_22 {strides = array<i32>} : memref<5120xi32, #tpu.memory_space<vmem>>, vector<16xi32>,
    %broadcast_in_dim3A_25 = arith.constant 10239 : i32
    %broadcast_in_dim3A_26 = vector.broadcast %broadcast_in_dim3A_25 : i32 to vector<16xi32>
    %swap3A_27 = arith.constant 5072 : index
    %swap3A_28 = tpu.vector_load %arg7[%swap3A_27] {strides = array<i32>} : memref<5120xi32, #tpu.memory_space<vmem>>, vector<16xi32>,
    tpu.vector_store %arg7[%swap3A_27], %broadcast_in_dim3A_26 {strides = array<i32>} : memref<5120xi32, #tpu.memory_space<vmem>>, vector<16xi32>,
    %broadcast_in_dim3A_29 = arith.constant 10239 : i32
    %broadcast_in_dim3A_30 = vector.broadcast %broadcast_in_dim3A_29 : i32 to vector<16xi32>
    %swap3A_31 = arith.constant 5088 : index
    %swap3A_32 = tpu.vector_load %arg7[%swap3A_31] {strides = array<i32>} : memref<5120xi32, #tpu.memory_space<vmem>>, vector<16xi32>,
    tpu.vector_store %arg7[%swap3A_31], %broadcast_in_dim3A_30 {strides = array<i32>} : memref<5120xi32, #tpu.memory_space<vmem>>, vector<16xi32>,
    %broadcast_in_dim3A_33 = arith.constant 10239 : i32
    %broadcast_in_dim3A_34 = vector.broadcast %broadcast_in_dim3A_33 : i32 to vector<16xi32>
    %swap3A_35 = arith.constant 5104 : index
    %swap3A_36 = tpu.vector_load %arg7[%swap3A_35] {strides = array<i32>} : memref<5120xi32, #tpu.memory_space<vmem>>, vector<16xi32>,
    tpu.vector_store %arg7[%swap3A_35], %broadcast_in_dim3A_34 {strides = array<i32>} : memref<5120xi32, #tpu.memory_space<vmem>>, vector<16xi32>,
    %mul3A_37 = arith.constant 5000 : i32
    %mul3A_38 = arith.muli %add3A, %mul3A_37 : i32
    %run_scoped3A_39 = arith.constant 1 : i32
    "tpu.region"() ({
      %run_scoped3A_119 = tpu.sem_alloc : memref<!tpu.dma_semaphore, #tpu.memory_space<semaphore_mem>>
      %dma_start3A_120 = arith.constant 0 : i32
      %dma_start3A_121 = tpu.memref_slice %arg8[%dma_start3A_120] : memref<5120xi32, #tpu.memory_space<vmem>> -> memref<5000xi32, #tpu.memory_space<vmem>>
      %dma_start3A_122 = tpu.memref_slice %arg4[%run_scoped3A_39, %mul3A_38] : memref<2x160000xi32, #tpu.memory_space<hbm>> -> memref<1x5000xi32, #tpu.memory_space<hbm>>
      %dma_start3A_123 = tpu.memref_squeeze %dma_start3A_122 : memref<1x5000xi32, #tpu.memory_space<hbm>> -> memref<5000xi32, #tpu.memory_space<hbm>>
      %dma_start3A_124 = arith.constant 0 : i32
      %dma_start3A_125 = tpu.memref_slice %arg8[%dma_start3A_124] : memref<5120xi32, #tpu.memory_space<vmem>> -> memref<5000xi32, #tpu.memory_space<vmem>>
      %dma_start3A_126 = tpu.memref_slice %arg4[%run_scoped3A_39, %mul3A_38] : memref<2x160000xi32, #tpu.memory_space<hbm>> -> memref<1x5000xi32, #tpu.memory_space<hbm>>
      %dma_start3A_127 = tpu.memref_squeeze %dma_start3A_126 : memref<1x5000xi32, #tpu.memory_space<hbm>> -> memref<5000xi32, #tpu.memory_space<hbm>>
      tpu.enqueue_dma source(%dma_start3A_127 : memref<5000xi32, #tpu.memory_space<hbm>>) target(%dma_start3A_125 : memref<5000xi32, #tpu.memory_space<vmem>>) target_semaphore(%run_scoped3A_119 : memref<!tpu.dma_semaphore, #tpu.memory_space<semaphore_mem>>)
      %dma_wait3A = arith.constant 0 : i32
      %dma_wait3A_128 = tpu.memref_slice %arg8[%dma_wait3A] : memref<5120xi32, #tpu.memory_space<vmem>> -> memref<5000xi32, #tpu.memory_space<vmem>>
      %dma_wait3A_129 = tpu.memref_slice %arg4[%run_scoped3A_39, %mul3A_38] : memref<2x160000xi32, #tpu.memory_space<hbm>> -> memref<1x5000xi32, #tpu.memory_space<hbm>>
      %dma_wait3A_130 = tpu.memref_squeeze %dma_wait3A_129 : memref<1x5000xi32, #tpu.memory_space<hbm>> -> memref<5000xi32, #tpu.memory_space<hbm>>
      %dma_wait3A_131 = arith.constant 0 : i32
      %dma_wait3A_132 = tpu.memref_slice %arg8[%dma_wait3A_131] : memref<5120xi32, #tpu.memory_space<vmem>> -> memref<5000xi32, #tpu.memory_space<vmem>>
      %dma_wait3A_133 = tpu.memref_slice %arg4[%run_scoped3A_39, %mul3A_38] : memref<2x160000xi32, #tpu.memory_space<hbm>> -> memref<1x5000xi32, #tpu.memory_space<hbm>>
      %dma_wait3A_134 = tpu.memref_squeeze %dma_wait3A_133 : memref<1x5000xi32, #tpu.memory_space<hbm>> -> memref<5000xi32, #tpu.memory_space<hbm>>
      tpu.wait_dma2 semaphore(%run_scoped3A_119 : memref<!tpu.dma_semaphore, #tpu.memory_space<semaphore_mem>>) src(%dma_wait3A_134 : memref<5000xi32, #tpu.memory_space<hbm>>) dst(%dma_wait3A_132 : memref<5000xi32, #tpu.memory_space<vmem>>)
      tpu.yield
    }) : () -> ()
    %iota3A_40 = tpu.iota {dimensions = array<i32: 0>} : vector<16xi32>
    %get3A_41 = arith.constant 4992 : index
    %get3A_42 = tpu.vector_load %arg8[%get3A_41] {strides = array<i32>} : memref<5120xi32, #tpu.memory_space<vmem>>, vector<16xi32>,
    %lt3A_43 = arith.constant 8 : i32
    %lt3A_44 = vector.broadcast %lt3A_43 : i32 to vector<16xi32>
    %lt3A_45 = arith.cmpi slt, %iota3A_40, %lt3A_44 : vector<16xi32>
    %jit3A_46 = arith.constant 10239 : i32
    %broadcast_in_dim3A_47 = vector.broadcast %jit3A_46 : i32 to vector<16xi32>
    %select_n3A_48 = arith.select %lt3A_45, %get3A_42, %broadcast_in_dim3A_47 : vector<16xi1>, vector<16xi32>
    %swap3A_49 = arith.constant 4992 : index
    %swap3A_50 = tpu.vector_load %arg8[%swap3A_49] {strides = array<i32>} : memref<5120xi32, #tpu.memory_space<vmem>>, vector<16xi32>,
    tpu.vector_store %arg8[%swap3A_49], %select_n3A_48 {strides = array<i32>} : memref<5120xi32, #tpu.memory_space<vmem>>, vector<16xi32>,
    %broadcast_in_dim3A_51 = arith.constant 10239 : i32
    %broadcast_in_dim3A_52 = vector.broadcast %broadcast_in_dim3A_51 : i32 to vector<16xi32>
    %swap3A_53 = arith.constant 5008 : index
    %swap3A_54 = tpu.vector_load %arg8[%swap3A_53] {strides = array<i32>} : memref<5120xi32, #tpu.memory_space<vmem>>, vector<16xi32>,
    tpu.vector_store %arg8[%swap3A_53], %broadcast_in_dim3A_52 {strides = array<i32>} : memref<5120xi32, #tpu.memory_space<vmem>>, vector<16xi32>,
    %broadcast_in_dim3A_55 = arith.constant 10239 : i32
    %broadcast_in_dim3A_56 = vector.broadcast %broadcast_in_dim3A_55 : i32 to vector<16xi32>
    %swap3A_57 = arith.constant 5024 : index
    %swap3A_58 = tpu.vector_load %arg8[%swap3A_57] {strides = array<i32>} : memref<5120xi32, #tpu.memory_space<vmem>>, vector<16xi32>,
    tpu.vector_store %arg8[%swap3A_57], %broadcast_in_dim3A_56 {strides = array<i32>} : memref<5120xi32, #tpu.memory_space<vmem>>, vector<16xi32>,
    %broadcast_in_dim3A_59 = arith.constant 10239 : i32
    %broadcast_in_dim3A_60 = vector.broadcast %broadcast_in_dim3A_59 : i32 to vector<16xi32>
    %swap3A_61 = arith.constant 5040 : index
    %swap3A_62 = tpu.vector_load %arg8[%swap3A_61] {strides = array<i32>} : memref<5120xi32, #tpu.memory_space<vmem>>, vector<16xi32>,
    tpu.vector_store %arg8[%swap3A_61], %broadcast_in_dim3A_60 {strides = array<i32>} : memref<5120xi32, #tpu.memory_space<vmem>>, vector<16xi32>,
    %broadcast_in_dim3A_63 = arith.constant 10239 : i32
    %broadcast_in_dim3A_64 = vector.broadcast %broadcast_in_dim3A_63 : i32 to vector<16xi32>
    %swap3A_65 = arith.constant 5056 : index
    %swap3A_66 = tpu.vector_load %arg8[%swap3A_65] {strides = array<i32>} : memref<5120xi32, #tpu.memory_space<vmem>>, vector<16xi32>,
    tpu.vector_store %arg8[%swap3A_65], %broadcast_in_dim3A_64 {strides = array<i32>} : memref<5120xi32, #tpu.memory_space<vmem>>, vector<16xi32>,
    %broadcast_in_dim3A_67 = arith.constant 10239 : i32
    %broadcast_in_dim3A_68 = vector.broadcast %broadcast_in_dim3A_67 : i32 to vector<16xi32>
    %swap3A_69 = arith.constant 5072 : index
    %swap3A_70 = tpu.vector_load %arg8[%swap3A_69] {strides = array<i32>} : memref<5120xi32, #tpu.memory_space<vmem>>, vector<16xi32>,
    tpu.vector_store %arg8[%swap3A_69], %broadcast_in_dim3A_68 {strides = array<i32>} : memref<5120xi32, #tpu.memory_space<vmem>>, vector<16xi32>,
    %broadcast_in_dim3A_71 = arith.constant 10239 : i32
    %broadcast_in_dim3A_72 = vector.broadcast %broadcast_in_dim3A_71 : i32 to vector<16xi32>
    %swap3A_73 = arith.constant 5088 : index
    %swap3A_74 = tpu.vector_load %arg8[%swap3A_73] {strides = array<i32>} : memref<5120xi32, #tpu.memory_space<vmem>>, vector<16xi32>,
    tpu.vector_store %arg8[%swap3A_73], %broadcast_in_dim3A_72 {strides = array<i32>} : memref<5120xi32, #tpu.memory_space<vmem>>, vector<16xi32>,
    %broadcast_in_dim3A_75 = arith.constant 10239 : i32
    %broadcast_in_dim3A_76 = vector.broadcast %broadcast_in_dim3A_75 : i32 to vector<16xi32>
    %swap3A_77 = arith.constant 5104 : index
    %swap3A_78 = tpu.vector_load %arg8[%swap3A_77] {strides = array<i32>} : memref<5120xi32, #tpu.memory_space<vmem>>, vector<16xi32>,
    tpu.vector_store %arg8[%swap3A_77], %broadcast_in_dim3A_76 {strides = array<i32>} : memref<5120xi32, #tpu.memory_space<vmem>>, vector<16xi32>,
    %scan3A = arith.constant 0 : i32
    %scan3A_79 = arith.constant 40 : i32
    %scan3A_80 = arith.addi %scan3A, %scan3A_79 : i32
    %scan3A_81 = arith.constant 1 : i32
    scf.for %scan3A_119 = %scan3A to %scan3A_80 step %scan3A_81  : i32 {
      %mul3A_120 = arith.constant 1 : i32
      %mul3A_121 = arith.muli %scan3A_119, %mul3A_120 : i32
      %add3A_122 = arith.constant 0 : i32
      %add3A_123 = arith.addi %add3A_122, %mul3A_121 : i32
      %mul3A_124 = arith.constant 128 : i32
      %mul3A_125 = arith.muli %add3A_123, %mul3A_124 : i32
      %add3A_126 = arith.constant 0 : i32
      %add3A_127 = arith.addi %mul3A_125, %add3A_126 : i32
      %get3A_128 = arith.index_cast %add3A_127 : i32 to index
      %get3A_129 = tpu.vector_load %arg8[%get3A_128] {strides = array<i32>} : memref<5120xi32, #tpu.memory_space<vmem>>, vector<16xi32>,
      %swap3A_130 = arith.index_cast %add3A_123 : i32 to index
      %swap3A_131 = arith.constant 0 : index
      %swap3A_132 = tpu.vector_load %arg9[%swap3A_130, %swap3A_131] {strides = array<i32>} : memref<40x128xi32, #tpu.memory_space<vmem>>, vector<16xi32>,
      tpu.vector_store %arg9[%swap3A_130, %swap3A_131], %get3A_129 {strides = array<i32>} : memref<40x128xi32, #tpu.memory_space<vmem>>, vector<16xi32>,
      %mul3A_133 = arith.constant 128 : i32
      %mul3A_134 = arith.muli %add3A_123, %mul3A_133 : i32
      %add3A_135 = arith.constant 16 : i32
      %add3A_136 = arith.addi %mul3A_134, %add3A_135 : i32
      %get3A_137 = arith.index_cast %add3A_136 : i32 to index
      %get3A_138 = tpu.vector_load %arg8[%get3A_137] {strides = array<i32>} : memref<5120xi32, #tpu.memory_space<vmem>>, vector<16xi32>,
      %swap3A_139 = arith.index_cast %add3A_123 : i32 to index
      %swap3A_140 = arith.constant 16 : index
      %swap3A_141 = tpu.vector_load %arg9[%swap3A_139, %swap3A_140] {strides = array<i32>} : memref<40x128xi32, #tpu.memory_space<vmem>>, vector<16xi32>,
      tpu.vector_store %arg9[%swap3A_139, %swap3A_140], %get3A_138 {strides = array<i32>} : memref<40x128xi32, #tpu.memory_space<vmem>>, vector<16xi32>,
      %mul3A_142 = arith.constant 128 : i32
      %mul3A_143 = arith.muli %add3A_123, %mul3A_142 : i32
      %add3A_144 = arith.constant 32 : i32
      %add3A_145 = arith.addi %mul3A_143, %add3A_144 : i32
      %get3A_146 = arith.index_cast %add3A_145 : i32 to index
      %get3A_147 = tpu.vector_load %arg8[%get3A_146] {strides = array<i32>} : memref<5120xi32, #tpu.memory_space<vmem>>, vector<16xi32>,
      %swap3A_148 = arith.index_cast %add3A_123 : i32 to index
      %swap3A_149 = arith.constant 32 : index
      %swap3A_150 = tpu.vector_load %arg9[%swap3A_148, %swap3A_149] {strides = array<i32>} : memref<40x128xi32, #tpu.memory_space<vmem>>, vector<16xi32>,
      tpu.vector_store %arg9[%swap3A_148, %swap3A_149], %get3A_147 {strides = array<i32>} : memref<40x128xi32, #tpu.memory_space<vmem>>, vector<16xi32>,
      %mul3A_151 = arith.constant 128 : i32
      %mul3A_152 = arith.muli %add3A_123, %mul3A_151 : i32
      %add3A_153 = arith.constant 48 : i32
      %add3A_154 = arith.addi %mul3A_152, %add3A_153 : i32
      %get3A_155 = arith.index_cast %add3A_154 : i32 to index
      %get3A_156 = tpu.vector_load %arg8[%get3A_155] {strides = array<i32>} : memref<5120xi32, #tpu.memory_space<vmem>>, vector<16xi32>,
      %swap3A_157 = arith.index_cast %add3A_123 : i32 to index
      %swap3A_158 = arith.constant 48 : index
      %swap3A_159 = tpu.vector_load %arg9[%swap3A_157, %swap3A_158] {strides = array<i32>} : memref<40x128xi32, #tpu.memory_space<vmem>>, vector<16xi32>,
      tpu.vector_store %arg9[%swap3A_157, %swap3A_158], %get3A_156 {strides = array<i32>} : memref<40x128xi32, #tpu.memory_space<vmem>>, vector<16xi32>,
      %mul3A_160 = arith.constant 128 : i32
      %mul3A_161 = arith.muli %add3A_123, %mul3A_160 : i32
      %add3A_162 = arith.constant 64 : i32
      %add3A_163 = arith.addi %mul3A_161, %add3A_162 : i32
      %get3A_164 = arith.index_cast %add3A_163 : i32 to index
      %get3A_165 = tpu.vector_load %arg8[%get3A_164] {strides = array<i32>} : memref<5120xi32, #tpu.memory_space<vmem>>, vector<16xi32>,
      %swap3A_166 = arith.index_cast %add3A_123 : i32 to index
      %swap3A_167 = arith.constant 64 : index
      %swap3A_168 = tpu.vector_load %arg9[%swap3A_166, %swap3A_167] {strides = array<i32>} : memref<40x128xi32, #tpu.memory_space<vmem>>, vector<16xi32>,
      tpu.vector_store %arg9[%swap3A_166, %swap3A_167], %get3A_165 {strides = array<i32>} : memref<40x128xi32, #tpu.memory_space<vmem>>, vector<16xi32>,
      %mul3A_169 = arith.constant 128 : i32
      %mul3A_170 = arith.muli %add3A_123, %mul3A_169 : i32
      %add3A_171 = arith.constant 80 : i32
      %add3A_172 = arith.addi %mul3A_170, %add3A_171 : i32
      %get3A_173 = arith.index_cast %add3A_172 : i32 to index
      %get3A_174 = tpu.vector_load %arg8[%get3A_173] {strides = array<i32>} : memref<5120xi32, #tpu.memory_space<vmem>>, vector<16xi32>,
      %swap3A_175 = arith.index_cast %add3A_123 : i32 to index
      %swap3A_176 = arith.constant 80 : index
      %swap3A_177 = tpu.vector_load %arg9[%swap3A_175, %swap3A_176] {strides = array<i32>} : memref<40x128xi32, #tpu.memory_space<vmem>>, vector<16xi32>,
      tpu.vector_store %arg9[%swap3A_175, %swap3A_176], %get3A_174 {strides = array<i32>} : memref<40x128xi32, #tpu.memory_space<vmem>>, vector<16xi32>,
      %mul3A_178 = arith.constant 128 : i32
      %mul3A_179 = arith.muli %add3A_123, %mul3A_178 : i32
      %add3A_180 = arith.constant 96 : i32
      %add3A_181 = arith.addi %mul3A_179, %add3A_180 : i32
      %get3A_182 = arith.index_cast %add3A_181 : i32 to index
      %get3A_183 = tpu.vector_load %arg8[%get3A_182] {strides = array<i32>} : memref<5120xi32, #tpu.memory_space<vmem>>, vector<16xi32>,
      %swap3A_184 = arith.index_cast %add3A_123 : i32 to index
      %swap3A_185 = arith.constant 96 : index
      %swap3A_186 = tpu.vector_load %arg9[%swap3A_184, %swap3A_185] {strides = array<i32>} : memref<40x128xi32, #tpu.memory_space<vmem>>, vector<16xi32>,
      tpu.vector_store %arg9[%swap3A_184, %swap3A_185], %get3A_183 {strides = array<i32>} : memref<40x128xi32, #tpu.memory_space<vmem>>, vector<16xi32>,
      %mul3A_187 = arith.constant 128 : i32
      %mul3A_188 = arith.muli %add3A_123, %mul3A_187 : i32
      %add3A_189 = arith.constant 112 : i32
      %add3A_190 = arith.addi %mul3A_188, %add3A_189 : i32
      %get3A_191 = arith.index_cast %add3A_190 : i32 to index
      %get3A_192 = tpu.vector_load %arg8[%get3A_191] {strides = array<i32>} : memref<5120xi32, #tpu.memory_space<vmem>>, vector<16xi32>,
      %swap3A_193 = arith.index_cast %add3A_123 : i32 to index
      %swap3A_194 = arith.constant 112 : index
      %swap3A_195 = tpu.vector_load %arg9[%swap3A_193, %swap3A_194] {strides = array<i32>} : memref<40x128xi32, #tpu.memory_space<vmem>>, vector<16xi32>,
      tpu.vector_store %arg9[%swap3A_193, %swap3A_194], %get3A_192 {strides = array<i32>} : memref<40x128xi32, #tpu.memory_space<vmem>>, vector<16xi32>,
    }
    %scan3A_82 = arith.constant 40 : i32
    %scan3A_83 = arith.constant 0 : i32
    %scan3A_84 = arith.constant 640 : i32
    %scan3A_85 = arith.addi %scan3A_83, %scan3A_84 : i32
    %scan3A_86 = arith.constant 1 : i32
    scf.for %scan3A_119 = %scan3A_83 to %scan3A_85 step %scan3A_86  : i32 {
      %mul3A_120 = arith.constant 1 : i32
      %mul3A_121 = arith.muli %scan3A_119, %mul3A_120 : i32
      %add3A_122 = arith.constant 0 : i32
      %add3A_123 = arith.addi %add3A_122, %mul3A_121 : i32
      %get3A_124 = arith.index_cast %add3A_123 : i32 to index
      %get3A_125 = arith.constant 0 : index
      %get3A_126 = tpu.vector_load %arg16[%get3A_124, %get3A_125] {strides = array<i32>} : memref<640x16xf32, #tpu.memory_space<vmem>>, vector<16xf32>,
      %get3A_127 = arith.index_cast %add3A_123 : i32 to index
      %get3A_128 = arith.constant 0 : index
      %get3A_129 = tpu.vector_load %arg14[%get3A_127, %get3A_128] {strides = array<i32>} : memref<640x16xf32, #tpu.memory_space<vmem>>, vector<16xf32>,
      %mul3A_130 = arith.mulf %get3A_126, %get3A_129 : vector<16xf32>
      %swap3A_131 = arith.index_cast %add3A_123 : i32 to index
      %swap3A_132 = arith.constant 0 : index
      %swap3A_133 = tpu.vector_load %arg15[%swap3A_131, %swap3A_132] {strides = array<i32>} : memref<640x16xf32, #tpu.memory_space<vmem>>, vector<16xf32>,
      tpu.vector_store %arg15[%swap3A_131, %swap3A_132], %mul3A_130 {strides = array<i32>} : memref<640x16xf32, #tpu.memory_space<vmem>>, vector<16xf32>,
    }
    %scan3A_87 = arith.constant 640 : i32
    "tpu.region"() ({
      %run_scoped3A_119 = tpu.sem_alloc : memref<!tpu.dma_semaphore, #tpu.memory_space<semaphore_mem>>
      %dma_start3A_120 = arith.constant 0 : i32
      %dma_start3A_121 = tpu.memref_slice %arg17[%mul3A_2, %dma_start3A_120] : memref<10240x16xf32, #tpu.memory_space<vmem_shared>> -> memref<640x16xf32, #tpu.memory_space<vmem_shared>>
      %dma_start3A_122 = arith.constant 0 : i32
      %dma_start3A_123 = tpu.memref_slice %arg17[%mul3A_2, %dma_start3A_122] : memref<10240x16xf32, #tpu.memory_space<vmem_shared>> -> memref<640x16xf32, #tpu.memory_space<vmem_shared>>
      tpu.enqueue_dma source(%arg15 : memref<640x16xf32, #tpu.memory_space<vmem>>) target(%dma_start3A_123 : memref<640x16xf32, #tpu.memory_space<vmem_shared>>) target_semaphore(%run_scoped3A_119 : memref<!tpu.dma_semaphore, #tpu.memory_space<semaphore_mem>>)
      %dma_wait3A = arith.constant 0 : i32
      %dma_wait3A_124 = tpu.memref_slice %arg17[%mul3A_2, %dma_wait3A] : memref<10240x16xf32, #tpu.memory_space<vmem_shared>> -> memref<640x16xf32, #tpu.memory_space<vmem_shared>>
      %dma_wait3A_125 = arith.constant 0 : i32
      %dma_wait3A_126 = tpu.memref_slice %arg17[%mul3A_2, %dma_wait3A_125] : memref<10240x16xf32, #tpu.memory_space<vmem_shared>> -> memref<640x16xf32, #tpu.memory_space<vmem_shared>>
      tpu.wait_dma2 semaphore(%run_scoped3A_119 : memref<!tpu.dma_semaphore, #tpu.memory_space<semaphore_mem>>) src(%arg15 : memref<640x16xf32, #tpu.memory_space<vmem>>) dst(%dma_wait3A_126 : memref<640x16xf32, #tpu.memory_space<vmem_shared>>)
      tpu.yield
    }) : () -> ()
    %eq3A = arith.constant 0 : i32
    %eq3A_88 = arith.cmpi eq, %arg0, %eq3A : i32
    %convert_element_type3A = arith.extui %eq3A_88 : i1 to i32
    %cond3A = arith.constant 0 : i32
    %cond3A_89 = arith.cmpi ne, %convert_element_type3A, %cond3A : i32
    scf.if %cond3A_89 {
      "tpu.region"() ({
        %run_scoped3A_119 = tpu.sem_alloc : memref<!tpu.dma_semaphore, #tpu.memory_space<semaphore_mem>>
        %dma_start3A_120 = arith.constant 0 : i32
        %dma_start3A_121 = tpu.memref_slice %arg18[%mul3A_2, %dma_start3A_120] : memref<10240x16xf32, #tpu.memory_space<vmem_shared>> -> memref<640x16xf32, #tpu.memory_space<vmem_shared>>
        %dma_start3A_122 = arith.constant 0 : i32
        %dma_start3A_123 = tpu.memref_slice %arg18[%mul3A_2, %dma_start3A_122] : memref<10240x16xf32, #tpu.memory_space<vmem_shared>> -> memref<640x16xf32, #tpu.memory_space<vmem_shared>>
        tpu.enqueue_dma source(%arg15 : memref<640x16xf32, #tpu.memory_space<vmem>>) target(%dma_start3A_123 : memref<640x16xf32, #tpu.memory_space<vmem_shared>>) target_semaphore(%run_scoped3A_119 : memref<!tpu.dma_semaphore, #tpu.memory_space<semaphore_mem>>)
        %dma_wait3A = arith.constant 0 : i32
        %dma_wait3A_124 = tpu.memref_slice %arg18[%mul3A_2, %dma_wait3A] : memref<10240x16xf32, #tpu.memory_space<vmem_shared>> -> memref<640x16xf32, #tpu.memory_space<vmem_shared>>
        %dma_wait3A_125 = arith.constant 0 : i32
        %dma_wait3A_126 = tpu.memref_slice %arg18[%mul3A_2, %dma_wait3A_125] : memref<10240x16xf32, #tpu.memory_space<vmem_shared>> -> memref<640x16xf32, #tpu.memory_space<vmem_shared>>
        tpu.wait_dma2 semaphore(%run_scoped3A_119 : memref<!tpu.dma_semaphore, #tpu.memory_space<semaphore_mem>>) src(%arg15 : memref<640x16xf32, #tpu.memory_space<vmem>>) dst(%dma_wait3A_126 : memref<640x16xf32, #tpu.memory_space<vmem_shared>>)
        tpu.yield
      }) : () -> ()
    } else {
    }
    %ne3A = arith.constant 0 : i32
    %ne3A_90 = arith.cmpi ne, %arg0, %ne3A : i32
    %convert_element_type3A_91 = arith.extui %ne3A_90 : i1 to i32
    %cond3A_92 = arith.constant 0 : i32
    %cond3A_93 = arith.cmpi ne, %convert_element_type3A_91, %cond3A_92 : i32
    scf.if %cond3A_93 {
      "tpu.region"() ({
        %run_scoped3A_119 = tpu.sem_alloc : memref<!tpu.dma_semaphore, #tpu.memory_space<semaphore_mem>>
        %dma_start3A_120 = arith.constant 0 : i32
        %dma_start3A_121 = tpu.memref_slice %arg18[%mul3A_2, %dma_start3A_120] : memref<10240x16xf32, #tpu.memory_space<vmem_shared>> -> memref<640x16xf32, #tpu.memory_space<vmem_shared>>
        %dma_start3A_122 = arith.constant 0 : i32
        %dma_start3A_123 = tpu.memref_slice %arg5[%mul3A_2, %dma_start3A_122] : memref<10240x16xf32, #tpu.memory_space<hbm>> -> memref<640x16xf32, #tpu.memory_space<hbm>>
        tpu.enqueue_dma source(%dma_start3A_123 : memref<640x16xf32, #tpu.memory_space<hbm>>) target(%dma_start3A_121 : memref<640x16xf32, #tpu.memory_space<vmem_shared>>) target_semaphore(%run_scoped3A_119 : memref<!tpu.dma_semaphore, #tpu.memory_space<semaphore_mem>>)
        %dma_wait3A = arith.constant 0 : i32
        %dma_wait3A_124 = tpu.memref_slice %arg18[%mul3A_2, %dma_wait3A] : memref<10240x16xf32, #tpu.memory_space<vmem_shared>> -> memref<640x16xf32, #tpu.memory_space<vmem_shared>>
        %dma_wait3A_125 = arith.constant 0 : i32
        %dma_wait3A_126 = tpu.memref_slice %arg5[%mul3A_2, %dma_wait3A_125] : memref<10240x16xf32, #tpu.memory_space<hbm>> -> memref<640x16xf32, #tpu.memory_space<hbm>>
        tpu.wait_dma2 semaphore(%run_scoped3A_119 : memref<!tpu.dma_semaphore, #tpu.memory_space<semaphore_mem>>) src(%dma_wait3A_126 : memref<640x16xf32, #tpu.memory_space<hbm>>) dst(%dma_wait3A_124 : memref<640x16xf32, #tpu.memory_space<vmem_shared>>)
        tpu.yield
      }) : () -> ()
    } else {
    }
    %barrier3A = arith.constant 0 : index
    tpu.barrier barrier_id(%barrier3A)
    %dma_start3A = arith.constant 0 : i32
    %dma_start3A_94 = tpu.memref_slice %arg7[%dma_start3A] : memref<5120xi32, #tpu.memory_space<vmem>> -> memref<128xi32, #tpu.memory_space<vmem>>
    %dma_start3A_95 = arith.constant 0 : i32
    %dma_start3A_96 = arith.constant 0 : i32
    %dma_start3A_97 = tpu.memref_slice %arg17[%dma_start3A_95, %dma_start3A_96] : memref<10240x16xf32, #tpu.memory_space<vmem_shared>> -> memref<10240x16xf32, #tpu.memory_space<vmem_shared>>
    tpu.enqueue_indirect_dma source(%dma_start3A_97 : memref<10240x16xf32, #tpu.memory_space<vmem_shared>>) target(%arg10 : memref<128x16xf32, #tpu.memory_space<vmem>>) offsets(%dma_start3A_94 : memref<128xi32, #tpu.memory_space<vmem>>) semaphore(%arg19 : memref<!tpu.dma_semaphore, #tpu.memory_space<semaphore_mem>>)
    %dma_start3A_98 = arith.constant 128 : i32
    %dma_start3A_99 = tpu.memref_slice %arg7[%dma_start3A_98] : memref<5120xi32, #tpu.memory_space<vmem>> -> memref<128xi32, #tpu.memory_space<vmem>>
    %dma_start3A_100 = arith.constant 0 : i32
    %dma_start3A_101 = arith.constant 0 : i32
    %dma_start3A_102 = tpu.memref_slice %arg17[%dma_start3A_100, %dma_start3A_101] : memref<10240x16xf32, #tpu.memory_space<vmem_shared>> -> memref<10240x16xf32, #tpu.memory_space<vmem_shared>>
    tpu.enqueue_indirect_dma source(%dma_start3A_102 : memref<10240x16xf32, #tpu.memory_space<vmem_shared>>) target(%arg11 : memref<128x16xf32, #tpu.memory_space<vmem>>) offsets(%dma_start3A_99 : memref<128xi32, #tpu.memory_space<vmem>>) semaphore(%arg20 : memref<!tpu.dma_semaphore, #tpu.memory_space<semaphore_mem>>)
    %dma_start3A_103 = arith.constant 256 : i32
    %dma_start3A_104 = tpu.memref_slice %arg7[%dma_start3A_103] : memref<5120xi32, #tpu.memory_space<vmem>> -> memref<128xi32, #tpu.memory_space<vmem>>
    %dma_start3A_105 = arith.constant 0 : i32
    %dma_start3A_106 = arith.constant 0 : i32
    %dma_start3A_107 = tpu.memref_slice %arg17[%dma_start3A_105, %dma_start3A_106] : memref<10240x16xf32, #tpu.memory_space<vmem_shared>> -> memref<10240x16xf32, #tpu.memory_space<vmem_shared>>
    tpu.enqueue_indirect_dma source(%dma_start3A_107 : memref<10240x16xf32, #tpu.memory_space<vmem_shared>>) target(%arg12 : memref<128x16xf32, #tpu.memory_space<vmem>>) offsets(%dma_start3A_104 : memref<128xi32, #tpu.memory_space<vmem>>) semaphore(%arg21 : memref<!tpu.dma_semaphore, #tpu.memory_space<semaphore_mem>>)
    %dma_start3A_108 = arith.constant 384 : i32
    %dma_start3A_109 = tpu.memref_slice %arg7[%dma_start3A_108] : memref<5120xi32, #tpu.memory_space<vmem>> -> memref<128xi32, #tpu.memory_space<vmem>>
    %dma_start3A_110 = arith.constant 0 : i32
    %dma_start3A_111 = arith.constant 0 : i32
    %dma_start3A_112 = tpu.memref_slice %arg17[%dma_start3A_110, %dma_start3A_111] : memref<10240x16xf32, #tpu.memory_space<vmem_shared>> -> memref<10240x16xf32, #tpu.memory_space<vmem_shared>>
    tpu.enqueue_indirect_dma source(%dma_start3A_112 : memref<10240x16xf32, #tpu.memory_space<vmem_shared>>) target(%arg13 : memref<128x16xf32, #tpu.memory_space<vmem>>) offsets(%dma_start3A_109 : memref<128xi32, #tpu.memory_space<vmem>>) semaphore(%arg22 : memref<!tpu.dma_semaphore, #tpu.memory_space<semaphore_mem>>)
    %scan3A_113 = arith.constant 0 : i32
    %scan3A_114 = arith.constant 10 : i32
    %scan3A_115 = arith.addi %scan3A_113, %scan3A_114 : i32
    %scan3A_116 = arith.constant 1 : i32
    scf.for %scan3A_119 = %scan3A_113 to %scan3A_115 step %scan3A_116  : i32 {
      %mul3A_120 = arith.constant 4 : i32
      %mul3A_121 = arith.muli %scan3A_119, %mul3A_120 : i32
      %add3A_122 = arith.constant 0 : i32
      %add3A_123 = arith.addi %add3A_122, %mul3A_121 : i32
      %add3A_124 = arith.constant 0 : i32
      %add3A_125 = arith.addi %add3A_123, %add3A_124 : i32
      %mul3A_126 = arith.constant 128 : i32
      %mul3A_127 = arith.muli %add3A_125, %mul3A_126 : i32
      %dma_wait3A = tpu.memref_slice %arg7[%mul3A_127] : memref<5120xi32, #tpu.memory_space<vmem>> -> memref<128xi32, #tpu.memory_space<vmem>>
      %dma_wait3A_128 = arith.constant 0 : i32
      %dma_wait3A_129 = arith.constant 0 : i32
      %dma_wait3A_130 = tpu.memref_slice %arg17[%dma_wait3A_128, %dma_wait3A_129] : memref<10240x16xf32, #tpu.memory_space<vmem_shared>> -> memref<10240x16xf32, #tpu.memory_space<vmem_shared>>
      tpu.wait_indirect_dma semaphore(%arg19 : memref<!tpu.dma_semaphore, #tpu.memory_space<semaphore_mem>>) src(%dma_wait3A_130 : memref<10240x16xf32, #tpu.memory_space<vmem_shared>>) dst(%arg10 : memref<128x16xf32, #tpu.memory_space<vmem>>)
      %add3A_131 = arith.constant 0 : i32
      %add3A_132 = arith.addi %add3A_123, %add3A_131 : i32
      %dma_start3A_133 = arith.constant 0 : i32
      %dma_start3A_134 = tpu.memref_slice %arg9[%add3A_132, %dma_start3A_133] : memref<40x128xi32, #tpu.memory_space<vmem>> -> memref<1x128xi32, #tpu.memory_space<vmem>>
      %dma_start3A_135 = tpu.memref_squeeze %dma_start3A_134 : memref<1x128xi32, #tpu.memory_space<vmem>> -> memref<128xi32, #tpu.memory_space<vmem>>
      %dma_start3A_136 = arith.constant 0 : i32
      %dma_start3A_137 = arith.constant 0 : i32
      %dma_start3A_138 = tpu.memref_slice %arg18[%dma_start3A_136, %dma_start3A_137] : memref<10240x16xf32, #tpu.memory_space<vmem_shared>> -> memref<10240x16xf32, #tpu.memory_space<vmem_shared>>
      tpu.enqueue_indirect_dma source(%arg10 : memref<128x16xf32, #tpu.memory_space<vmem>>) target(%dma_start3A_138 : memref<10240x16xf32, #tpu.memory_space<vmem_shared>>) offsets(%dma_start3A_135 : memref<128xi32, #tpu.memory_space<vmem>>) semaphore(%arg23 : memref<!tpu.dma_semaphore, #tpu.memory_space<semaphore_mem>>) {add = true}
      %add3A_139 = arith.constant 1 : i32
      %add3A_140 = arith.addi %add3A_123, %add3A_139 : i32
      %mul3A_141 = arith.constant 128 : i32
      %mul3A_142 = arith.muli %add3A_140, %mul3A_141 : i32
      %dma_wait3A_143 = tpu.memref_slice %arg7[%mul3A_142] : memref<5120xi32, #tpu.memory_space<vmem>> -> memref<128xi32, #tpu.memory_space<vmem>>
      %dma_wait3A_144 = arith.constant 0 : i32
      %dma_wait3A_145 = arith.constant 0 : i32
      %dma_wait3A_146 = tpu.memref_slice %arg17[%dma_wait3A_144, %dma_wait3A_145] : memref<10240x16xf32, #tpu.memory_space<vmem_shared>> -> memref<10240x16xf32, #tpu.memory_space<vmem_shared>>
      tpu.wait_indirect_dma semaphore(%arg20 : memref<!tpu.dma_semaphore, #tpu.memory_space<semaphore_mem>>) src(%dma_wait3A_146 : memref<10240x16xf32, #tpu.memory_space<vmem_shared>>) dst(%arg11 : memref<128x16xf32, #tpu.memory_space<vmem>>)
      %add3A_147 = arith.constant 1 : i32
      %add3A_148 = arith.addi %add3A_123, %add3A_147 : i32
      %dma_start3A_149 = arith.constant 0 : i32
      %dma_start3A_150 = tpu.memref_slice %arg9[%add3A_148, %dma_start3A_149] : memref<40x128xi32, #tpu.memory_space<vmem>> -> memref<1x128xi32, #tpu.memory_space<vmem>>
      %dma_start3A_151 = tpu.memref_squeeze %dma_start3A_150 : memref<1x128xi32, #tpu.memory_space<vmem>> -> memref<128xi32, #tpu.memory_space<vmem>>
      %dma_start3A_152 = arith.constant 0 : i32
      %dma_start3A_153 = arith.constant 0 : i32
      %dma_start3A_154 = tpu.memref_slice %arg18[%dma_start3A_152, %dma_start3A_153] : memref<10240x16xf32, #tpu.memory_space<vmem_shared>> -> memref<10240x16xf32, #tpu.memory_space<vmem_shared>>
      tpu.enqueue_indirect_dma source(%arg11 : memref<128x16xf32, #tpu.memory_space<vmem>>) target(%dma_start3A_154 : memref<10240x16xf32, #tpu.memory_space<vmem_shared>>) offsets(%dma_start3A_151 : memref<128xi32, #tpu.memory_space<vmem>>) semaphore(%arg24 : memref<!tpu.dma_semaphore, #tpu.memory_space<semaphore_mem>>) {add = true}
      %add3A_155 = arith.constant 2 : i32
      %add3A_156 = arith.addi %add3A_123, %add3A_155 : i32
      %mul3A_157 = arith.constant 128 : i32
      %mul3A_158 = arith.muli %add3A_156, %mul3A_157 : i32
      %dma_wait3A_159 = tpu.memref_slice %arg7[%mul3A_158] : memref<5120xi32, #tpu.memory_space<vmem>> -> memref<128xi32, #tpu.memory_space<vmem>>
      %dma_wait3A_160 = arith.constant 0 : i32
      %dma_wait3A_161 = arith.constant 0 : i32
      %dma_wait3A_162 = tpu.memref_slice %arg17[%dma_wait3A_160, %dma_wait3A_161] : memref<10240x16xf32, #tpu.memory_space<vmem_shared>> -> memref<10240x16xf32, #tpu.memory_space<vmem_shared>>
      tpu.wait_indirect_dma semaphore(%arg21 : memref<!tpu.dma_semaphore, #tpu.memory_space<semaphore_mem>>) src(%dma_wait3A_162 : memref<10240x16xf32, #tpu.memory_space<vmem_shared>>) dst(%arg12 : memref<128x16xf32, #tpu.memory_space<vmem>>)
      %add3A_163 = arith.constant 2 : i32
      %add3A_164 = arith.addi %add3A_123, %add3A_163 : i32
      %dma_start3A_165 = arith.constant 0 : i32
      %dma_start3A_166 = tpu.memref_slice %arg9[%add3A_164, %dma_start3A_165] : memref<40x128xi32, #tpu.memory_space<vmem>> -> memref<1x128xi32, #tpu.memory_space<vmem>>
      %dma_start3A_167 = tpu.memref_squeeze %dma_start3A_166 : memref<1x128xi32, #tpu.memory_space<vmem>> -> memref<128xi32, #tpu.memory_space<vmem>>
      %dma_start3A_168 = arith.constant 0 : i32
      %dma_start3A_169 = arith.constant 0 : i32
      %dma_start3A_170 = tpu.memref_slice %arg18[%dma_start3A_168, %dma_start3A_169] : memref<10240x16xf32, #tpu.memory_space<vmem_shared>> -> memref<10240x16xf32, #tpu.memory_space<vmem_shared>>
      tpu.enqueue_indirect_dma source(%arg12 : memref<128x16xf32, #tpu.memory_space<vmem>>) target(%dma_start3A_170 : memref<10240x16xf32, #tpu.memory_space<vmem_shared>>) offsets(%dma_start3A_167 : memref<128xi32, #tpu.memory_space<vmem>>) semaphore(%arg25 : memref<!tpu.dma_semaphore, #tpu.memory_space<semaphore_mem>>) {add = true}
      %add3A_171 = arith.constant 3 : i32
      %add3A_172 = arith.addi %add3A_123, %add3A_171 : i32
      %mul3A_173 = arith.constant 128 : i32
      %mul3A_174 = arith.muli %add3A_172, %mul3A_173 : i32
      %dma_wait3A_175 = tpu.memref_slice %arg7[%mul3A_174] : memref<5120xi32, #tpu.memory_space<vmem>> -> memref<128xi32, #tpu.memory_space<vmem>>
      %dma_wait3A_176 = arith.constant 0 : i32
      %dma_wait3A_177 = arith.constant 0 : i32
      %dma_wait3A_178 = tpu.memref_slice %arg17[%dma_wait3A_176, %dma_wait3A_177] : memref<10240x16xf32, #tpu.memory_space<vmem_shared>> -> memref<10240x16xf32, #tpu.memory_space<vmem_shared>>
      tpu.wait_indirect_dma semaphore(%arg22 : memref<!tpu.dma_semaphore, #tpu.memory_space<semaphore_mem>>) src(%dma_wait3A_178 : memref<10240x16xf32, #tpu.memory_space<vmem_shared>>) dst(%arg13 : memref<128x16xf32, #tpu.memory_space<vmem>>)
      %add3A_179 = arith.constant 3 : i32
      %add3A_180 = arith.addi %add3A_123, %add3A_179 : i32
      %dma_start3A_181 = arith.constant 0 : i32
      %dma_start3A_182 = tpu.memref_slice %arg9[%add3A_180, %dma_start3A_181] : memref<40x128xi32, #tpu.memory_space<vmem>> -> memref<1x128xi32, #tpu.memory_space<vmem>>
      %dma_start3A_183 = tpu.memref_squeeze %dma_start3A_182 : memref<1x128xi32, #tpu.memory_space<vmem>> -> memref<128xi32, #tpu.memory_space<vmem>>
      %dma_start3A_184 = arith.constant 0 : i32
      %dma_start3A_185 = arith.constant 0 : i32
      %dma_start3A_186 = tpu.memref_slice %arg18[%dma_start3A_184, %dma_start3A_185] : memref<10240x16xf32, #tpu.memory_space<vmem_shared>> -> memref<10240x16xf32, #tpu.memory_space<vmem_shared>>
      tpu.enqueue_indirect_dma source(%arg13 : memref<128x16xf32, #tpu.memory_space<vmem>>) target(%dma_start3A_186 : memref<10240x16xf32, #tpu.memory_space<vmem_shared>>) offsets(%dma_start3A_183 : memref<128xi32, #tpu.memory_space<vmem>>) semaphore(%arg26 : memref<!tpu.dma_semaphore, #tpu.memory_space<semaphore_mem>>) {add = true}
      %add3A_187 = arith.constant 0 : i32
      %add3A_188 = arith.addi %add3A_123, %add3A_187 : i32
      %dma_wait3A_189 = arith.constant 0 : i32
      %dma_wait3A_190 = tpu.memref_slice %arg9[%add3A_188, %dma_wait3A_189] : memref<40x128xi32, #tpu.memory_space<vmem>> -> memref<1x128xi32, #tpu.memory_space<vmem>>
      %dma_wait3A_191 = tpu.memref_squeeze %dma_wait3A_190 : memref<1x128xi32, #tpu.memory_space<vmem>> -> memref<128xi32, #tpu.memory_space<vmem>>
      %dma_wait3A_192 = arith.constant 0 : i32
      %dma_wait3A_193 = arith.constant 0 : i32
      %dma_wait3A_194 = tpu.memref_slice %arg18[%dma_wait3A_192, %dma_wait3A_193] : memref<10240x16xf32, #tpu.memory_space<vmem_shared>> -> memref<10240x16xf32, #tpu.memory_space<vmem_shared>>
      tpu.wait_indirect_dma semaphore(%arg23 : memref<!tpu.dma_semaphore, #tpu.memory_space<semaphore_mem>>) src(%arg10 : memref<128x16xf32, #tpu.memory_space<vmem>>) dst(%dma_wait3A_194 : memref<10240x16xf32, #tpu.memory_space<vmem_shared>>)
      %add3A_195 = arith.constant 4 : i32
      %add3A_196 = arith.addi %add3A_123, %add3A_195 : i32
      %add3A_197 = arith.constant 0 : i32
      %add3A_198 = arith.addi %add3A_196, %add3A_197 : i32
      %lt3A_199 = arith.constant 40 : i32
      %lt3A_200 = arith.cmpi slt, %add3A_198, %lt3A_199 : i32
      %convert_element_type3A_201 = arith.extui %lt3A_200 : i1 to i32
      %cond3A_202 = arith.constant 0 : i32
      %cond3A_203 = arith.cmpi ne, %convert_element_type3A_201, %cond3A_202 : i32
      scf.if %cond3A_203 {
        %add3A_255 = arith.constant 4 : i32
        %add3A_256 = arith.addi %add3A_123, %add3A_255 : i32
        %add3A_257 = arith.constant 0 : i32
        %add3A_258 = arith.addi %add3A_256, %add3A_257 : i32
        %mul3A_259 = arith.constant 128 : i32
        %mul3A_260 = arith.muli %add3A_258, %mul3A_259 : i32
        %dma_start3A_261 = tpu.memref_slice %arg7[%mul3A_260] : memref<5120xi32, #tpu.memory_space<vmem>> -> memref<128xi32, #tpu.memory_space<vmem>>
        %dma_start3A_262 = arith.constant 0 : i32
        %dma_start3A_263 = arith.constant 0 : i32
        %dma_start3A_264 = tpu.memref_slice %arg17[%dma_start3A_262, %dma_start3A_263] : memref<10240x16xf32, #tpu.memory_space<vmem_shared>> -> memref<10240x16xf32, #tpu.memory_space<vmem_shared>>
        tpu.enqueue_indirect_dma source(%dma_start3A_264 : memref<10240x16xf32, #tpu.memory_space<vmem_shared>>) target(%arg10 : memref<128x16xf32, #tpu.memory_space<vmem>>) offsets(%dma_start3A_261 : memref<128xi32, #tpu.memory_space<vmem>>) semaphore(%arg19 : memref<!tpu.dma_semaphore, #tpu.memory_space<semaphore_mem>>)
      } else {
      }
      %add3A_204 = arith.constant 1 : i32
      %add3A_205 = arith.addi %add3A_123, %add3A_204 : i32
      %dma_wait3A_206 = arith.constant 0 : i32
      %dma_wait3A_207 = tpu.memref_slice %arg9[%add3A_205, %dma_wait3A_206] : memref<40x128xi32, #tpu.memory_space<vmem>> -> memref<1x128xi32, #tpu.memory_space<vmem>>
      %dma_wait3A_208 = tpu.memref_squeeze %dma_wait3A_207 : memref<1x128xi32, #tpu.memory_space<vmem>> -> memref<128xi32, #tpu.memory_space<vmem>>
      %dma_wait3A_209 = arith.constant 0 : i32
      %dma_wait3A_210 = arith.constant 0 : i32
      %dma_wait3A_211 = tpu.memref_slice %arg18[%dma_wait3A_209, %dma_wait3A_210] : memref<10240x16xf32, #tpu.memory_space<vmem_shared>> -> memref<10240x16xf32, #tpu.memory_space<vmem_shared>>
      tpu.wait_indirect_dma semaphore(%arg24 : memref<!tpu.dma_semaphore, #tpu.memory_space<semaphore_mem>>) src(%arg11 : memref<128x16xf32, #tpu.memory_space<vmem>>) dst(%dma_wait3A_211 : memref<10240x16xf32, #tpu.memory_space<vmem_shared>>)
      %add3A_212 = arith.constant 4 : i32
      %add3A_213 = arith.addi %add3A_123, %add3A_212 : i32
      %add3A_214 = arith.constant 1 : i32
      %add3A_215 = arith.addi %add3A_213, %add3A_214 : i32
      %lt3A_216 = arith.constant 40 : i32
      %lt3A_217 = arith.cmpi slt, %add3A_215, %lt3A_216 : i32
      %convert_element_type3A_218 = arith.extui %lt3A_217 : i1 to i32
      %cond3A_219 = arith.constant 0 : i32
      %cond3A_220 = arith.cmpi ne, %convert_element_type3A_218, %cond3A_219 : i32
      scf.if %cond3A_220 {
        %add3A_255 = arith.constant 4 : i32
        %add3A_256 = arith.addi %add3A_123, %add3A_255 : i32
        %add3A_257 = arith.constant 1 : i32
        %add3A_258 = arith.addi %add3A_256, %add3A_257 : i32
        %mul3A_259 = arith.constant 128 : i32
        %mul3A_260 = arith.muli %add3A_258, %mul3A_259 : i32
        %dma_start3A_261 = tpu.memref_slice %arg7[%mul3A_260] : memref<5120xi32, #tpu.memory_space<vmem>> -> memref<128xi32, #tpu.memory_space<vmem>>
        %dma_start3A_262 = arith.constant 0 : i32
        %dma_start3A_263 = arith.constant 0 : i32
        %dma_start3A_264 = tpu.memref_slice %arg17[%dma_start3A_262, %dma_start3A_263] : memref<10240x16xf32, #tpu.memory_space<vmem_shared>> -> memref<10240x16xf32, #tpu.memory_space<vmem_shared>>
        tpu.enqueue_indirect_dma source(%dma_start3A_264 : memref<10240x16xf32, #tpu.memory_space<vmem_shared>>) target(%arg11 : memref<128x16xf32, #tpu.memory_space<vmem>>) offsets(%dma_start3A_261 : memref<128xi32, #tpu.memory_space<vmem>>) semaphore(%arg20 : memref<!tpu.dma_semaphore, #tpu.memory_space<semaphore_mem>>)
      } else {
      }
      %add3A_221 = arith.constant 2 : i32
      %add3A_222 = arith.addi %add3A_123, %add3A_221 : i32
      %dma_wait3A_223 = arith.constant 0 : i32
      %dma_wait3A_224 = tpu.memref_slice %arg9[%add3A_222, %dma_wait3A_223] : memref<40x128xi32, #tpu.memory_space<vmem>> -> memref<1x128xi32, #tpu.memory_space<vmem>>
      %dma_wait3A_225 = tpu.memref_squeeze %dma_wait3A_224 : memref<1x128xi32, #tpu.memory_space<vmem>> -> memref<128xi32, #tpu.memory_space<vmem>>
      %dma_wait3A_226 = arith.constant 0 : i32
      %dma_wait3A_227 = arith.constant 0 : i32
      %dma_wait3A_228 = tpu.memref_slice %arg18[%dma_wait3A_226, %dma_wait3A_227] : memref<10240x16xf32, #tpu.memory_space<vmem_shared>> -> memref<10240x16xf32, #tpu.memory_space<vmem_shared>>
      tpu.wait_indirect_dma semaphore(%arg25 : memref<!tpu.dma_semaphore, #tpu.memory_space<semaphore_mem>>) src(%arg12 : memref<128x16xf32, #tpu.memory_space<vmem>>) dst(%dma_wait3A_228 : memref<10240x16xf32, #tpu.memory_space<vmem_shared>>)
      %add3A_229 = arith.constant 4 : i32
      %add3A_230 = arith.addi %add3A_123, %add3A_229 : i32
      %add3A_231 = arith.constant 2 : i32
      %add3A_232 = arith.addi %add3A_230, %add3A_231 : i32
      %lt3A_233 = arith.constant 40 : i32
      %lt3A_234 = arith.cmpi slt, %add3A_232, %lt3A_233 : i32
      %convert_element_type3A_235 = arith.extui %lt3A_234 : i1 to i32
      %cond3A_236 = arith.constant 0 : i32
      %cond3A_237 = arith.cmpi ne, %convert_element_type3A_235, %cond3A_236 : i32
      scf.if %cond3A_237 {
        %add3A_255 = arith.constant 4 : i32
        %add3A_256 = arith.addi %add3A_123, %add3A_255 : i32
        %add3A_257 = arith.constant 2 : i32
        %add3A_258 = arith.addi %add3A_256, %add3A_257 : i32
        %mul3A_259 = arith.constant 128 : i32
        %mul3A_260 = arith.muli %add3A_258, %mul3A_259 : i32
        %dma_start3A_261 = tpu.memref_slice %arg7[%mul3A_260] : memref<5120xi32, #tpu.memory_space<vmem>> -> memref<128xi32, #tpu.memory_space<vmem>>
        %dma_start3A_262 = arith.constant 0 : i32
        %dma_start3A_263 = arith.constant 0 : i32
        %dma_start3A_264 = tpu.memref_slice %arg17[%dma_start3A_262, %dma_start3A_263] : memref<10240x16xf32, #tpu.memory_space<vmem_shared>> -> memref<10240x16xf32, #tpu.memory_space<vmem_shared>>
        tpu.enqueue_indirect_dma source(%dma_start3A_264 : memref<10240x16xf32, #tpu.memory_space<vmem_shared>>) target(%arg12 : memref<128x16xf32, #tpu.memory_space<vmem>>) offsets(%dma_start3A_261 : memref<128xi32, #tpu.memory_space<vmem>>) semaphore(%arg21 : memref<!tpu.dma_semaphore, #tpu.memory_space<semaphore_mem>>)
      } else {
      }
      %add3A_238 = arith.constant 3 : i32
      %add3A_239 = arith.addi %add3A_123, %add3A_238 : i32
      %dma_wait3A_240 = arith.constant 0 : i32
      %dma_wait3A_241 = tpu.memref_slice %arg9[%add3A_239, %dma_wait3A_240] : memref<40x128xi32, #tpu.memory_space<vmem>> -> memref<1x128xi32, #tpu.memory_space<vmem>>
      %dma_wait3A_242 = tpu.memref_squeeze %dma_wait3A_241 : memref<1x128xi32, #tpu.memory_space<vmem>> -> memref<128xi32, #tpu.memory_space<vmem>>
      %dma_wait3A_243 = arith.constant 0 : i32
      %dma_wait3A_244 = arith.constant 0 : i32
      %dma_wait3A_245 = tpu.memref_slice %arg18[%dma_wait3A_243, %dma_wait3A_244] : memref<10240x16xf32, #tpu.memory_space<vmem_shared>> -> memref<10240x16xf32, #tpu.memory_space<vmem_shared>>
      tpu.wait_indirect_dma semaphore(%arg26 : memref<!tpu.dma_semaphore, #tpu.memory_space<semaphore_mem>>) src(%arg13 : memref<128x16xf32, #tpu.memory_space<vmem>>) dst(%dma_wait3A_245 : memref<10240x16xf32, #tpu.memory_space<vmem_shared>>)
      %add3A_246 = arith.constant 4 : i32
      %add3A_247 = arith.addi %add3A_123, %add3A_246 : i32
      %add3A_248 = arith.constant 3 : i32
      %add3A_249 = arith.addi %add3A_247, %add3A_248 : i32
      %lt3A_250 = arith.constant 40 : i32
      %lt3A_251 = arith.cmpi slt, %add3A_249, %lt3A_250 : i32
      %convert_element_type3A_252 = arith.extui %lt3A_251 : i1 to i32
      %cond3A_253 = arith.constant 0 : i32
      %cond3A_254 = arith.cmpi ne, %convert_element_type3A_252, %cond3A_253 : i32
      scf.if %cond3A_254 {
        %add3A_255 = arith.constant 4 : i32
        %add3A_256 = arith.addi %add3A_123, %add3A_255 : i32
        %add3A_257 = arith.constant 3 : i32
        %add3A_258 = arith.addi %add3A_256, %add3A_257 : i32
        %mul3A_259 = arith.constant 128 : i32
        %mul3A_260 = arith.muli %add3A_258, %mul3A_259 : i32
        %dma_start3A_261 = tpu.memref_slice %arg7[%mul3A_260] : memref<5120xi32, #tpu.memory_space<vmem>> -> memref<128xi32, #tpu.memory_space<vmem>>
        %dma_start3A_262 = arith.constant 0 : i32
        %dma_start3A_263 = arith.constant 0 : i32
        %dma_start3A_264 = tpu.memref_slice %arg17[%dma_start3A_262, %dma_start3A_263] : memref<10240x16xf32, #tpu.memory_space<vmem_shared>> -> memref<10240x16xf32, #tpu.memory_space<vmem_shared>>
        tpu.enqueue_indirect_dma source(%dma_start3A_264 : memref<10240x16xf32, #tpu.memory_space<vmem_shared>>) target(%arg13 : memref<128x16xf32, #tpu.memory_space<vmem>>) offsets(%dma_start3A_261 : memref<128xi32, #tpu.memory_space<vmem>>) semaphore(%arg22 : memref<!tpu.dma_semaphore, #tpu.memory_space<semaphore_mem>>)
      } else {
      }
    }
    %scan3A_117 = arith.constant 10 : i32
    %barrier3A_118 = arith.constant 0 : index
    tpu.barrier barrier_id(%barrier3A_118)
    "tpu.region"() ({
      %run_scoped3A_119 = tpu.sem_alloc : memref<!tpu.dma_semaphore, #tpu.memory_space<semaphore_mem>>
      %dma_start3A_120 = arith.constant 0 : i32
      %dma_start3A_121 = tpu.memref_slice %arg6[%arg0, %mul3A_2, %dma_start3A_120] : memref<2x10240x16xf32, #tpu.memory_space<hbm>> -> memref<1x640x16xf32, #tpu.memory_space<hbm>>
      %dma_start3A_122 = tpu.memref_squeeze %dma_start3A_121 : memref<1x640x16xf32, #tpu.memory_space<hbm>> -> memref<640x16xf32, #tpu.memory_space<hbm>>
      %dma_start3A_123 = arith.constant 0 : i32
      %dma_start3A_124 = tpu.memref_slice %arg18[%mul3A_2, %dma_start3A_123] : memref<10240x16xf32, #tpu.memory_space<vmem_shared>> -> memref<640x16xf32, #tpu.memory_space<vmem_shared>>
      tpu.enqueue_dma source(%dma_start3A_124 : memref<640x16xf32, #tpu.memory_space<vmem_shared>>) target(%dma_start3A_122 : memref<640x16xf32, #tpu.memory_space<hbm>>) target_semaphore(%run_scoped3A_119 : memref<!tpu.dma_semaphore, #tpu.memory_space<semaphore_mem>>)
      %dma_wait3A = arith.constant 0 : i32
      %dma_wait3A_125 = tpu.memref_slice %arg6[%arg0, %mul3A_2, %dma_wait3A] : memref<2x10240x16xf32, #tpu.memory_space<hbm>> -> memref<1x640x16xf32, #tpu.memory_space<hbm>>
      %dma_wait3A_126 = tpu.memref_squeeze %dma_wait3A_125 : memref<1x640x16xf32, #tpu.memory_space<hbm>> -> memref<640x16xf32, #tpu.memory_space<hbm>>
      %dma_wait3A_127 = arith.constant 0 : i32
      %dma_wait3A_128 = tpu.memref_slice %arg18[%mul3A_2, %dma_wait3A_127] : memref<10240x16xf32, #tpu.memory_space<vmem_shared>> -> memref<640x16xf32, #tpu.memory_space<vmem_shared>>
      tpu.wait_dma2 semaphore(%run_scoped3A_119 : memref<!tpu.dma_semaphore, #tpu.memory_space<semaphore_mem>>) src(%dma_wait3A_128 : memref<640x16xf32, #tpu.memory_space<vmem_shared>>) dst(%dma_wait3A_126 : memref<640x16xf32, #tpu.memory_space<hbm>>)
      tpu.yield
    }) : () -> ()
    return
  }
}

module attributes {stable_mosaic.version = 14 : i64} {
  func.func @_tc_mm_body(%arg0: memref<10000x256xf32, #tpu.memory_space<vmem>>, %arg1: memref<256x16xf32, #tpu.memory_space<vmem>>, %arg2: memref<10240x16xf32, #tpu.memory_space<vmem>>) attributes {dimension_semantics = [], scalar_prefetch = 0 : i64, scratch_operands = 0 : i64, tpu.core_type = #tpu.core_type<tc>} {
    %get3A = arith.constant 0 : index
    %get3A_0 = arith.constant 0 : index
    %get3A_1 = vector.load %arg0[%get3A, %get3A_0] : memref<10000x256xf32, #tpu.memory_space<vmem>>, vector<10000x256xf32>
    %convert_element_type3A = arith.truncf %get3A_1 : vector<10000x256xf32> to vector<10000x256xbf16>
    %get3A_2 = arith.constant 0 : index
    %get3A_3 = arith.constant 0 : index
    %get3A_4 = vector.load %arg1[%get3A_2, %get3A_3] : memref<256x16xf32, #tpu.memory_space<vmem>>, vector<256x16xf32>
    %convert_element_type3A_5 = arith.truncf %get3A_4 : vector<256x16xf32> to vector<256x16xbf16>
    %dot_general3A = arith.constant dense<0.000000e+00> : vector<10000x16xf32>
    %dot_general3A_6 = tpu.matmul %convert_element_type3A, %convert_element_type3A_5, %dot_general3A {dimension_numbers = #tpu.dot_dimension_numbers<[1], [0], [0], [1], [0, 0, 1, 1], [], []>, transpose_lhs_hint = false} : vector<10000x256xbf16>, vector<256x16xbf16>, vector<10000x16xf32> -> vector<10000x16xf32>
    %jit3A = arith.constant 0 : i32
    %convert_element_type3A_7 = arith.sitofp %jit3A : i32 to f32
    %pad3A = vector.broadcast %convert_element_type3A_7 : f32 to vector<240x16xf32>
    %pad3A_8 = tpu.concatenate %dot_general3A_6, %pad3A in 0 : vector<10000x16xf32>, vector<240x16xf32> -> vector<10240x16xf32>
    %swap3A = arith.constant 0 : index
    %swap3A_9 = arith.constant 0 : index
    %swap3A_10 = vector.load %arg2[%swap3A, %swap3A_9] : memref<10240x16xf32, #tpu.memory_space<vmem>>, vector<10240x16xf32>
    tpu.vector_store %arg2[%swap3A, %swap3A_9], %pad3A_8 {strides = array<i32>} : memref<10240x16xf32, #tpu.memory_space<vmem>>, vector<10240x16xf32>,
    return
  }
}

module attributes {stable_mosaic.version = 14 : i64} {
  func.func @_tc_final_body(%arg0: memref<2x10240x16xf32, #tpu.memory_space<vmem>>, %arg1: memref<16x3xf32, #tpu.memory_space<vmem>>, %arg2: memref<3xf32, #tpu.memory_space<vmem>>, %arg3: memref<10000x3xf32, #tpu.memory_space<vmem>>) attributes {dimension_semantics = [], scalar_prefetch = 0 : i64, scratch_operands = 0 : i64, tpu.core_type = #tpu.core_type<tc>} {
    %get3A = arith.constant 0 : index
    %get3A_0 = arith.constant 0 : index
    %get3A_1 = arith.constant 0 : index
    %get3A_2 = vector.load %arg0[%get3A, %get3A_0, %get3A_1] : memref<2x10240x16xf32, #tpu.memory_space<vmem>>, vector<1x10240x16xf32>
    %get3A_3 = vector.shape_cast %get3A_2 : vector<1x10240x16xf32> to vector<10240x16xf32>
    %get3A_4 = arith.constant 1 : index
    %get3A_5 = arith.constant 0 : index
    %get3A_6 = arith.constant 0 : index
    %get3A_7 = vector.load %arg0[%get3A_4, %get3A_5, %get3A_6] : memref<2x10240x16xf32, #tpu.memory_space<vmem>>, vector<1x10240x16xf32>
    %get3A_8 = vector.shape_cast %get3A_7 : vector<1x10240x16xf32> to vector<10240x16xf32>
    %add3A = arith.addf %get3A_3, %get3A_8 : vector<10240x16xf32>
    %get3A_9 = arith.constant 0 : index
    %get3A_10 = arith.constant 0 : index
    %get3A_11 = vector.load %arg1[%get3A_9, %get3A_10] : memref<16x3xf32, #tpu.memory_space<vmem>>, vector<16x3xf32>
    %jit3A = arith.constant 0 : i32
    %convert_element_type3A = arith.sitofp %jit3A : i32 to f32
    %pad3A = vector.broadcast %convert_element_type3A : f32 to vector<16x13xf32>
    %pad3A_12 = tpu.concatenate %get3A_11, %pad3A in 1 : vector<16x3xf32>, vector<16x13xf32> -> vector<16x16xf32>
    %get3A_13 = arith.constant 0 : index
    %get3A_14 = vector.load %arg2[%get3A_13] : memref<3xf32, #tpu.memory_space<vmem>>, vector<3xf32>
    %jit3A_15 = arith.constant -1.000000e+30 : f32
    %pad3A_16 = vector.broadcast %jit3A_15 : f32 to vector<13xf32>
    %pad3A_17 = tpu.concatenate %get3A_14, %pad3A_16 in 0 : vector<3xf32>, vector<13xf32> -> vector<16xf32>
    %dot_general3A = arith.constant dense<0.000000e+00> : vector<10240x16xf32>
    %dot_general3A_18 = tpu.matmul %add3A, %pad3A_12, %dot_general3A {dimension_numbers = #tpu.dot_dimension_numbers<[1], [0], [0], [1], [0, 0, 1, 1], [], []>, transpose_lhs_hint = false} : vector<10240x16xf32>, vector<16x16xf32>, vector<10240x16xf32> -> vector<10240x16xf32>
    %broadcast_in_dim3A = vector.shape_cast %pad3A_17 : vector<16xf32> to vector<1x16xf32>
    %add3A_19 = vector.broadcast %broadcast_in_dim3A : vector<1x16xf32> to vector<10240x16xf32>
    %add3A_20 = arith.addf %dot_general3A_18, %add3A_19 : vector<10240x16xf32>
    %reduce_max3A = arith.constant dense<0xFF800000> : vector<10240xf32>
    %reduce_max3A_21 = vector.multi_reduction <maximumf>, %add3A_20, %reduce_max3A [1] : vector<10240x16xf32> to vector<10240xf32>
    %broadcast_in_dim3A_22 = vector.shape_cast %reduce_max3A_21 : vector<10240xf32> to vector<10240x1xf32>
    %sub3A = vector.broadcast %broadcast_in_dim3A_22 : vector<10240x1xf32> to vector<10240x16xf32>
    %sub3A_23 = arith.subf %add3A_20, %sub3A : vector<10240x16xf32>
    %exp3A = math.exp %sub3A_23 : vector<10240x16xf32>
    %reduce_sum3A = arith.constant dense<0.000000e+00> : vector<10240xf32>
    %reduce_sum3A_24 = vector.multi_reduction <add>, %exp3A, %reduce_sum3A [1] : vector<10240x16xf32> to vector<10240xf32>
    %broadcast_in_dim3A_25 = vector.shape_cast %reduce_sum3A_24 : vector<10240xf32> to vector<10240x1xf32>
    %log3A = math.log %broadcast_in_dim3A_25 : vector<10240x1xf32>
    %add3A_26 = arith.addf %broadcast_in_dim3A_22, %log3A : vector<10240x1xf32>
    %sub3A_27 = vector.broadcast %add3A_26 : vector<10240x1xf32> to vector<10240x16xf32>
    %sub3A_28 = arith.subf %add3A_20, %sub3A_27 : vector<10240x16xf32>
    %slice3A = vector.extract_strided_slice %sub3A_28 {offsets = [0, 0], sizes = [10000, 3], strides = [1, 1]} : vector<10240x16xf32> to vector<10000x3xf32>
    %swap3A = arith.constant 0 : index
    %swap3A_29 = arith.constant 0 : index
    %swap3A_30 = vector.load %arg3[%swap3A, %swap3A_29] : memref<10000x3xf32, #tpu.memory_space<vmem>>, vector<10000x3xf32>
    tpu.vector_store %arg3[%swap3A, %swap3A_29], %slice3A {strides = array<i32>} : memref<10000x3xf32, #tpu.memory_space<vmem>>, vector<10000x3xf32>,
    return
  }
}

</mosaic_0001>

<sc_bundles>
// kernel: kernel.10.cloned.1.call-start
scs
__scs_entry_jumppad:
0x0: {  	(pc) =	sbr.rel $0x88, $3  }
0x1: {  	(tag) =	ssettag $0x0;
	lr =	simm.s32 $0x1  }
0x2: {  	[smem:$0x3F9B] =	sst lr;
	_ =	strace $0xD0000000  }
0x3: {  	_ = 	snop  }
0x4: {  	_ = 	snop  }
0x5: {  	_ = 	snop  }
0x6: {  	_ = 	snop  }
0x7: {  	_ = 	snop  }
__scs_overlays_trampoline_lowered:
0x8: {  	[smem:$0x3FAA] =	sst s0  }
0x9: {  	[smem:$0x3FAB] =	sst s1  }
0xa: {  	[smem:$0x3FAC] =	sst s2  }
0xb: {  	[smem:$0x3FAD] =	sst s3  }
0xc: {  	[smem:$0x3FAE] =	sst s4  }
0xd: {  	[smem:$0x3FAF] =	sst s5  }
0xe: {  	[smem:$0x3FB0] =	sst s6  }
0xf: {  	[smem:$0x3FB1] =	sst s7  }
0x10: {  	[smem:$0x3FB2] =	sst s8  }
0x11: {  	[smem:$0x3FB3] =	sst s9;
	s0 =	simm.s32 @!p0 $0x0  }
0x12: {  	s1 =	sld [smem:$0x3F99];
	s0 =	simm.s32 @p0 $0x1  }
0x13: {  	[smem:$0x3FB4] =	sst s0;
	s0 =	simm.s32 @!p1 $0x0  }
0x14: {  	s2 =	sld [smem:$0x3F98];
	s0 =	simm.s32 @p1 $0x1  }
0x15: {  	[smem:$0x3FB5] =	sst s0;
	s0 =	simm.s32 @!p2 $0x0  }
0x16: {  	s3 =	sld [smem:$0x3FDB];
	s0 =	simm.s32 @p2 $0x1  }
0x17: {  	s4 =	simm.s32 $0x1BF5;
	[smem:$0x3FB7] =	sst s0  }
0x18: {  	s0 =	sld [smem:$0x3F9A];
	_ =	swait.ge [sflag:s4], $0x0  }
0x19: {  	s7 =	sld [smem:$0x3F9B]  }
0x1a: {  	s8 =	sadd.s32 $0xFFFFE003, lr  }
0x1b: {  	s9 =	sadd.s32 $0xFFFFFEF7, lr;
	s5 =	simm.s32 $0xFFFFFFFF;
	p2 =	slt.u32 s8, $0xFFFFF086  }
0x1c: {  	p1 =	slt.u32 s9, $0xF7A;
	s5 =	simm.s32 @!p2 $0x0  }
0x1d: {  	s5 =	simm.s32 @p1 $0x1;
	p0 =	seq.s32 s7, s2  }
0x1e: {  	s7 =	smul.u32 @!p0 $0xF7A, s2;
	p2 =	seq.s32 @!p0 s5, $0x0  }
0x1f: {  	s9 =	smul.u32 $0xF7A, s1;
	s8 =	simm.s32 @!p0 $0x1BF5;
	p2 =	por !p2, p0  }
0x20: {  	[sflag:s8] =	ssyncset.s32 @!p0 $0xFFFFF086;
	s6 =	sadd.s32 @!p0 s3, s7;
	s7 =	simm.s32 @!p0 $0x108  }
0x21: {  	s3 =	sadd.s32 s3, s9;
	s6 =	sadd.s32 @!p0 $0x88, s6;
	s7 =	simm.s32 @p2 $0x1082  }
0x22: {  	[simem:s7], [sflag:s8] =	dma.local @!p0 [hbm:s6], $0xF7A  }
0x23: {  	s9 =	sor.u32 $0xD0000000, s2;
	s6 =	simm.s32 $0x108;
	_ =	swait.ge @!p0 [sflag:s8], $0x0  }
0x24: {  	s3 =	sadd.s32 $0x88, s3;
	s6 =	simm.s32 @!p1 $0x1082;
	[sflag:s4] =	ssyncset.s32 $0xFFFFF086  }
0x25: {  	[simem:s6], [sflag:s4] =	dma.local [hbm:s3], $0xF7A  }
0x26: {  	[smem:$0x3F9B] =	sst s1;
	(tag) =	ssettag s2;
	_ =	strace s9  }
0x27: {  	s1 =	sld [smem:$0x3FAB]  }
0x28: {  	s2 =	sld [smem:$0x3FAC]  }
0x29: {  	s4 =	sld [smem:$0x3FAE]  }
0x2a: {  	p0 =	seq.s32 s5, $0x0;
	s5 =	sld [smem:$0x3FAF]  }
0x2b: {  	s6 =	sld [smem:$0x3FB0]  }
0x2c: {  	s7 =	sld [smem:$0x3FB1]  }
0x2d: {  	s3 =	simm.s32 $0x108;
	s8 =	sld [smem:$0x3FB2]  }
0x2e: {  	s3 =	simm.s32 @!p0 $0x1082;
	s9 =	sld [smem:$0x3FB3]  }
0x2f: {  	lr =	sadd.s32 s0, s3;
	s0 =	sld [smem:$0x3FAA]  }
0x30: {  	s3 =	sld [smem:$0x3FAD]  }
0x31: {  	[smem:$0x3FB6] =	sst s10  }
0x32: {  	s10 =	sld [smem:$0x3FB4];
	_ =	sdelay $0x3  }
0x33: {  	p0 =	seq.s32 s10, $0x1;
	s10 =	sld [smem:$0x3FB6];
	_ =	sdelay $0x3  }
0x34: {  	[smem:$0x3FB6] =	sst s10  }
0x35: {  	s10 =	sld [smem:$0x3FB5];
	_ =	sdelay $0x3  }
0x36: {  	p1 =	seq.s32 s10, $0x1;
	s10 =	sld [smem:$0x3FB6];
	_ =	sdelay $0x3  }
0x37: {  	[smem:$0x3FB6] =	sst s10  }
0x38: {  	s10 =	sld [smem:$0x3FB7]  }
0x39: {  	_ = 	snop;
	(pc) =	sbr.ind lr, $3  }
0x3a: {  	_ = 	snop  }
0x3b: {  	_ = 	snop  }
0x3c: {  	p2 =	seq.s32 s10, $0x1;
	s10 =	sld [smem:$0x3FB6]  }
0x3d: {  	_ =	shalt  }
0x3e: {  	_ =	shalt  }
0x3f: {  	_ =	shalt  }
0x40: {  	_ =	shalt  }
0x41: {  	_ =	shalt  }
0x42: {  	_ =	shalt  }
0x43: {  	_ =	shalt  }
0x44: {  	_ =	shalt  }
0x45: {  	_ =	shalt  }
0x46: {  	_ =	shalt  }
0x47: {  	_ =	shalt  }
0x48: {  	_ =	shalt  }
0x49: {  	_ =	shalt  }
0x4a: {  	_ =	shalt  }
0x4b: {  	_ =	shalt  }
0x4c: {  	_ =	shalt  }
0x4d: {  	_ =	shalt  }
0x4e: {  	_ =	shalt  }
0x4f: {  	_ =	shalt  }
0x50: {  	_ =	shalt  }
0x51: {  	_ =	shalt  }
0x52: {  	_ =	shalt  }
0x53: {  	_ =	shalt  }
0x54: {  	_ =	shalt  }
0x55: {  	_ =	shalt  }
0x56: {  	_ =	shalt  }
0x57: {  	_ =	shalt  }
0x58: {  	_ =	shalt  }
0x59: {  	_ =	shalt  }
0x5a: {  	_ =	shalt  }
0x5b: {  	_ =	shalt  }
0x5c: {  	_ =	shalt  }
0x5d: {  	_ =	shalt  }
0x5e: {  	_ =	shalt  }
0x5f: {  	_ =	shalt  }
0x60: {  	_ =	shalt  }
0x61: {  	_ =	shalt  }
0x62: {  	_ =	shalt  }
0x63: {  	_ =	shalt  }
0x64: {  	_ =	shalt  }
0x65: {  	_ =	shalt  }
0x66: {  	_ =	shalt  }
0x67: {  	_ =	shalt  }
0x68: {  	_ =	shalt  }
0x69: {  	_ =	shalt  }
0x6a: {  	_ =	shalt  }
0x6b: {  	_ =	shalt  }
0x6c: {  	_ =	shalt  }
0x6d: {  	_ =	shalt  }
0x6e: {  	_ =	shalt  }
0x6f: {  	_ =	shalt  }
0x70: {  	_ =	shalt  }
0x71: {  	_ =	shalt  }
0x72: {  	_ =	shalt  }
0x73: {  	_ =	shalt  }
0x74: {  	_ =	shalt  }
0x75: {  	_ =	shalt  }
0x76: {  	_ =	shalt  }
0x77: {  	_ =	shalt  }
0x78: {  	_ =	shalt  }
0x79: {  	_ =	shalt  }
0x7a: {  	_ =	shalt  }
0x7b: {  	_ =	shalt  }
0x7c: {  	_ =	shalt  }
0x7d: {  	_ =	shalt  }
0x7e: {  	_ =	shalt  }
0x7f: {  	_ =	shalt  }
0x80: {  	_ =	shalt  }
0x81: {  	_ =	shalt  }
0x82: {  	_ =	shalt  }
0x83: {  	_ =	shalt  }
0x84: {  	_ =	shalt  }
0x85: {  	_ =	shalt  }
0x86: {  	_ =	shalt  }
0x87: {  	_ =	shalt  }
.Lfunc_end0:
.L_simem_size_0:
called_computation.1_lowered:
.L_overlay_start_0:
0x88: {  	s2 =	sld [smem:$0x3FD9]  }
0x89: {  	s3 =	sld [smem:$0x3FFE];
	_ =	sdelay $0x1  }
0x8a: {  	s1 =	srdreg.scid  }
0x8b: {  	s0 =	sand.u32 $0x1, s1  }
0x8c: {  	s16 =	sshll.u32 s0, $0xA;
	s2 =	sadd.s32 s3, s2  }
0x8d: {  	s2 =	sadd.s32 s2, s16  }
0x8e: {  	[smem:$0x3FC2] =	sst s2  }
0x8f: {  	_ = 	snop  }
0x90: {  	(tm) =	ssettm $0x1  }
0x91: {  	s17 =	sld [smem:$0x3FFB];
	_ =	sdelay $0x3  }
0x92: {  	_ =	strace s17  }
0x93: {  	s2 =	sld [smem:$0x3FFC];
	_ =	sdelay $0x3  }
0x94: {  	_ =	strace s2  }
0x95: {  	s2 =	sld [smem:$0x3FFD];
	_ =	sdelay $0x3  }
0x96: {  	_ =	strace s2  }
0x97: {  	_ =	strace $0x8FFFFFFF  }
0x98: {  	s18 =	sld [smem:$0x3FDB];
	_ =	sdelay $0x1  }
0x99: {  	s19 =	simm.s32 $_scs_section_size  }
0x9a: {  	s4 =	simm.s32 $_size__tile_overlayer_lowered;
	s5 =	simm.s32 $_tile_overlayer_lowered  }
0x9b: {  	s22 =	simm.s32 $0x1BFF;
	s21 =	sshll.u32 s5, $0x1;
	s2 =	sadd.s32 s19, s18  }
0x9c: {  	s6 =	simm.s32 $0x0;
	s20 =	sshll.u32 s4, $0x1;
	s4 =	sadd.s32 s21, s2  }
0x9d: {  	[timem:s6], [sflag:s22] =	dma.local [hbm:s4], s20  }
0x9e: {  	_ =	swait.ge [sflag:s22], s20  }
0x9f: {  	s3 =	ssub.s32 $0x0, s20;
	[sflag:s22] =	ssyncset.done $0x0  }
0xa0: {  	[sflag:s22] =	ssyncadd.s32 s3;
	_ =	sdelay $0x1  }
0xa1: {  	s23 =	simm.s32 $0x1B8B  }
0xa2: {  	_ =	swait.ge [sflag:s23], $0x1  }
0xa3: {  	[sflag:s23] =	ssyncset.done $0x0  }
0xa4: {  	s25 =	simm.s32 $0x1B8E;
	s24 =	sld [smem:$0x3FFE];
	[sflag:s23] =	ssyncadd.s32 $0xFFFFFFFF  }
0xa5: {  	s26 =	simm.s32 $execute0_lowered;
	[smem:$0x3FD2] =	sst s25  }
0xa6: {  	s4 =	sshll.u32 s26, $0x1;
	_ =	strace $0x80000049;
	[dreg:$0x1] =	wrdreg $0xFFFFFFFF  }
0xa7: {  	s28 =	simm.s32 $_size_execute0_lowered;
	s2 =	sadd.s32 s2, s4;
	[dreg:$0x0] =	wrdreg $0x0  }
0xa8: {  	s4 =	sshll.u32 s28, $0x1;
	[dreg:$0x2] =	wrdreg s2  }
0xa9: {  	[dreg:$0x3] =	wrdreg s4  }
0xaa: {  	[dreg:$0x4] =	wrdreg $0xC0  }
0xab: {  	_ =	task [dreg:s6], $0x5FFFF  }
0xac: {  	[dreg:$0x1] =	wrdreg $0xFFFFFFFF  }
0xad: {  	[dreg:$0x0] =	wrdreg $0x60  }
0xae: {  	[dreg:$0x2] =	wrdreg s24  }
0xaf: {  	[dreg:$0x3] =	wrdreg $0xD4000  }
0xb0: {  	[dreg:$0x4] =	wrdreg $0xFC000  }
0xb1: {  	[dreg:$0x5] =	wrdreg $0x9  }
0xb2: {  	_ =	task.clear_ibuf [dreg:s6], $0x6FFFF;
	_ =	strace $0x90000049  }
0xb3: {  	s29 =	simm.s32 $0x9;
	_ =	strace $0x8000004B  }
0xb4: {  	_ =	swait.ge [sflag:s29], $0x1  }
0xb5: {  	[sflag:s29] =	ssyncadd.s32 $0xFFFFFFFF  }
0xb6: {  	_ =	strace $0x9000004B  }
0xb7: {  	_ =	sfence  }
0xb8: {  	s30 =	sld [smem:$0x0];
	_ =	sdelay $0x2  }
0xb9: {  	s31 =	sshll.u32 s1, $0xD;
	s1 =	sshrl.u32 s1, $0x2  }
0xba: {  	s3 =	sand.u32 $0x4000, s31;
	s1 =	sadd.s32 s1, s30  }
0xbb: {  	s0 =	sor.u32 s3, s0;
	s1 =	sshll.u32 s1, $0x11  }
0xbc: {  	s0 =	sor.u32 s1, s0  }
0xbd: {  	s0 =	sadd.s32 $0x8F2B, s0  }
0xbe: {  	[sflag:s0] =	ssyncadd.remote.s32 $0x1  }
0xbf: {  	_ =	sfence.sel $0xFFFF  }
0xc0: {  	[dreg:$0x0] =	wrdreg $0xFFFFFFFF;
	(pc) =	sbr.abs _section_cstart, $3  }
0xc1: {  	[dreg:$0x1] =	wrdreg $0xFFFFFFFF  }
0xc2: {  	_ =	task.clear_ibuf [dreg:s6], $0x2FFFF;
	_ =	strace $0x9FFFFFFF  }
0xc3: {  	(tm) =	ssettm $0x7FFFFFFF  }
tec
execute0_lowered:
.L_overlay_start_1:
0x0: {  	(tag) =	ssettag $0x1  }
0x1: {  	s5 =	rddreg [dreg:$0x0]  }
0x2: {  	s0 =	srdreg.scid;
	s2 =	rddreg [dreg:$0x1]  }
0x3: {  	s14 =	stileid.u32;
	s3 =	rddreg [dreg:$0x2]  }
0x4: {  	s4 =	simm.s32 $0x0;
	s15 =	simm.s32 $0x9;
	s21 =	simm.s32 $0x80  }
0x5: {  	s22 =	simm.s32 $0x3C00;
	s23 =	simm.s32 $0x4400;
	s28 =	simm.s32 $0x5400  }
0x6: {  	s29 =	simm.s32 $0x1;
	s30 =	simm.s32 $0x2;
	s31 =	simm.s32 $0x3  }
0x7: {  	s16 =	simm.s32 $0x6;
	s17 =	simm.s32 $0x7;
	s18 =	simm.s32 $0x8  }
0x8: {  	s24 =	simm.s32 $0x0;
	s0 =	sand.u32 $0x1, s0;
	s10 =	smul.u32 $0x2800, s14  }
0x9: {  	[smem:$0x7FF] =	sst s4;
	s1 =	sshll.u32 s0, $0x4;
	s6 =	smul.u32 $0x28000, s0  }
0xa: {  	_ =	strace $0x8000004A;
	s8 =	ssub.s32 $0x2, s0;
	p0 =	sne.s32 s0, $0x0  }
0xb: {  	s1 =	sor.u32 s14, s1;
	s7 =	sshrl.u32 s10, $0x3;
	s25 =	sshrl.u32 s8, $0x1  }
0xc: {  	s9 =	sadd.s32 s10, s2;
	s0 =	sshll.u32 @p0 s14, $0x6;
	s14 =	simm.s32 $0x5  }
0xd: {  	s1 =	smul.u32 $0x1388, s1;
	s6 =	sadd.s32 s10, s6;
	s11 =	sadd.s32 s7, s5  }
0xe: {  	s13 =	ssub.s32 s8, s25;
	s10 =	sadd.s32 s10, s3;
	s19 =	sor.u32 @p0 $0x1C09, s0  }
0xf: {  	s25 =	simm.s32 $0x4C00;
	s6 =	sshrl.u32 s6, $0x3;
	s26 =	sadd.s32 $0x10200, s11  }
0x10: {  	s13 =	smax.u32 s13, $0x1;
	s20 =	sshrl.u32 @p0 s10, $0x3;
	s1 =	sshrl.u32 s1, $0x3  }
0x11: {  	[dreg:$0x4] =	wrdreg s26;
	s1 =	sadd.s32 s1, s5;
	s5 =	sadd.s32 s6, s5  }
0x12: {  	s6 =	sadd.s32 $0xB200, s11;
	s11 =	sadd.s32 $0x15200, s11;
	s7 =	sadd.s32 $0x1400, s1  }
0x13: {  	vm0 =	vmmov $0xff;
	v0 =	vimm.s32 $0x27FF;
	s8 =	sadd.s32 $0x6220, s1;
	s12 =	sadd.s32 $0x1A200, s5;
	s1 =	simm.s32 $0x4  }
.LBB2_1:
0x14: {  	s0 =	rddreg [dreg:$0x4];
	s5 =	simm.s32 $0x5C00  }
0x15: {  	[tilespmem:s5], [sflag:$0x9] =	stream.linear.gather [hbm4b:s0+s4], $0x2800, $0x38;
	[tilespmem:$0x12400] =	vst v63  }
0x16: {  	_ =	swait.ge [sflag:s15], $0x2800  }
0x17: {  	[sflag:s15] =	ssyncset.done $0x0  }
0x18: {  	s5 =	simm.s32 $0xAC00;
	[sflag:s15] =	ssyncadd.s32 $0xFFFFD800  }
0x19: {  	[tilespmem:s5], [sflag:$0x9] =	stream.linear.gather [hbm4b:s6+s4], $0x2800, $0x38;
	[tilespmem:$0x12400] =	vst v63  }
0x1a: {  	_ =	swait.ge [sflag:s15], $0x2800  }
0x1b: {  	[sflag:s15] =	ssyncset.done $0x0  }
0x1c: {  	[sflag:s15] =	ssyncadd.s32 $0xFFFFD800  }
0x1d: {  	[tilespmem:s4], [sflag:$0x9] =	stream.linear.gather [hbm4b:s7+s4], $0x1388, $0x38;
	[tilespmem:$0x12400] =	vst v63  }
0x1e: {  	_ =	swait.ge [sflag:s15], $0x1388  }
0x1f: {  	[sflag:s15] =	ssyncset.done $0x0  }
0x20: {  	[sflag:s15] =	ssyncadd.s32 $0xFFFFEC78  }
0x21: {  	[tilespmem:$0x1390] =	vst v0  }
0x22: {  	v1 =	vld [tilespmem:$0x1380];
	[tilespmem:$0x13A0] =	vst v0  }
0x23: {  	[tilespmem:$0x13B0] =	vst v0  }
0x24: {  	[tilespmem:$0x13C0] =	vst v0  }
0x25: {  	[tilespmem:$0x13D0] =	vst v0  }
0x26: {  	[tilespmem:$0x13E0] =	vst v0  }
0x27: {  	[tilespmem:$0x13F0] =	vst v0;
	v1 =	vnsel vm0, $0x27FF, v1  }
0x28: {  	s26 =	simm.s32 $0x1400;
	[tilespmem:$0x1380] =	vst v1  }
0x29: {  	[tilespmem:s26], [sflag:$0x9] =	stream.linear.gather [hbm4b:s8+s4], $0x1388, $0x38;
	[tilespmem:$0x12400] =	vst v63  }
0x2a: {  	_ =	swait.ge [sflag:s15], $0x1388  }
0x2b: {  	[sflag:s15] =	ssyncset.done $0x0  }
0x2c: {  	[sflag:s15] =	ssyncadd.s32 $0xFFFFEC78  }
0x2d: {  	[tilespmem:$0x2790] =	vst v0  }
0x2e: {  	v1 =	vld [tilespmem:$0x2780];
	[tilespmem:$0x27A0] =	vst v0  }
0x2f: {  	[tilespmem:$0x27B0] =	vst v0  }
0x30: {  	[tilespmem:$0x27C0] =	vst v0  }
0x31: {  	[tilespmem:$0x27D0] =	vst v0  }
0x32: {  	[tilespmem:$0x27E0] =	vst v0  }
0x33: {  	[tilespmem:$0x27F0] =	vst v0;
	v1 =	vnsel vm0, $0x27FF, v1  }
0x34: {  	s0 =	simm.s32 $0x0;
	[tilespmem:$0x2780] =	vst v1  }
0x35: {  	v4 =	vld [tilespmem:s0+$0x1470]  }
0x36: {  	v5 =	vld [tilespmem:s0+$0x1400]  }
0x37: {  	v6 =	vld [tilespmem:s0+$0x1410]  }
0x38: {  	v3 =	vld [tilespmem:s0+$0x1420]  }
0x39: {  	v1 =	vld [tilespmem:s0+$0x1430]  }
0x3a: {  	v2 =	vld [tilespmem:s0+$0x1440];
	[tilespmem:s0+$0x2870] =	vst v4  }
0x3b: {  	[tilespmem:s0+$0x2800] =	vst v5;
	v4 =	vld [tilespmem:s0+$0x1450]  }
0x3c: {  	s5 =	simm.s32 $0x400;
	s26 =	simm.s32 $0x80;
	[tilespmem:s0+$0x2810] =	vst v6;
	v5 =	vld [tilespmem:s0+$0x1460]  }
.LBB2_2:
0x3d: {  	p1 =	sne.s32 s5, $0x4E00;
	v6 =	vld [tilespmem:s26+$0x1470];
	[tilespmem:s0+$0x2820] =	vst v3  }
0x3e: {  	v7 =	vld [tilespmem:s26+$0x1400];
	[tilespmem:s0+$0x2830] =	vst v1  }
0x3f: {  	v8 =	vld [tilespmem:s26+$0x1410];
	[tilespmem:s0+$0x2840] =	vst v2  }
.Ltmp0:
0x40: {  	v3 =	vld [tilespmem:s26+$0x1420];
	[tilespmem:s0+$0x2850] =	vst v4;
	(pc) =	sbr.rel @p1 .LBB2_2-.Ltmp0, $4  }
0x41: {  	v1 =	vld [tilespmem:s26+$0x1430];
	[tilespmem:s0+$0x2860] =	vst v5;
	s0 =	smov.u32 s26  }
0x42: {  	v2 =	vld [tilespmem:s0+$0x1440];
	[tilespmem:s0+$0x2870] =	vst v6  }
0x43: {  	[tilespmem:s0+$0x2800] =	vst v7;
	v4 =	vld [tilespmem:s0+$0x1450]  }
0x44: {  	s26 =	sshra.s32 s5, $0x2;
	s5 =	sadd.s32 $0x200, s5;
	[tilespmem:s0+$0x2810] =	vst v8;
	v5 =	vld [tilespmem:s0+$0x1460]  }
0x45: {  	v6 =	vld [tilespmem:s26+$0x1470];
	[tilespmem:s0+$0x2820] =	vst v3  }
0x46: {  	v3 =	vld [tilespmem:s26+$0x1400];
	[tilespmem:s0+$0x2830] =	vst v1  }
0x47: {  	v1 =	vld [tilespmem:s26+$0x1410];
	[tilespmem:s0+$0x2840] =	vst v2  }
0x48: {  	v2 =	vld [tilespmem:s26+$0x1420];
	[tilespmem:s0+$0x2850] =	vst v4  }
0x49: {  	v4 =	vld [tilespmem:s26+$0x1430];
	[tilespmem:s0+$0x2860] =	vst v5  }
0x4a: {  	v5 =	vld [tilespmem:s26+$0x1440];
	[tilespmem:s26+$0x2870] =	vst v6  }
0x4b: {  	[tilespmem:s26+$0x2800] =	vst v3;
	v3 =	vld [tilespmem:s26+$0x1450]  }
0x4c: {  	[tilespmem:s26+$0x2810] =	vst v1;
	v1 =	vld [tilespmem:s26+$0x1460]  }
0x4d: {  	[tilespmem:s26+$0x2820] =	vst v2  }
0x4e: {  	[tilespmem:s26+$0x2830] =	vst v4  }
0x4f: {  	[tilespmem:s26+$0x2840] =	vst v5  }
0x50: {  	[tilespmem:s26+$0x2850] =	vst v3  }
0x51: {  	s0 =	simm.s32 $0x0;
	[tilespmem:s26+$0x2860] =	vst v1  }
0x52: {  	v1 =	vld [tilespmem:s0+$0xAC00]  }
0x53: {  	s5 =	simm.s32 $0x40;
	v2 =	vld [tilespmem:s0+$0x5C00]  }
.LBB2_4:
0x54: {  	_ = 	snop  }
0x55: {  	p1 =	sne.s32 s5, $0x9FC0  }
.Ltmp1:
0x56: {  	_ = 	snop;
	(pc) =	sbr.rel @p1 .LBB2_4-.Ltmp1, $4  }
0x57: {  	_ = 	snop  }
0x58: {  	s26 =	sshra.s32 s5, $0x2;
	v3 =	vmul.f32 v2, v1  }
0x59: {  	v1 =	vld [tilespmem:s26+$0xAC00]  }
0x5a: {  	s5 =	sadd.s32 $0x40, s5;
	v2 =	vld [tilespmem:s26+$0x5C00];
	[tilespmem:s0+$0x8400] =	vst v3;
	s0 =	smov.u32 s26  }
0x5b: {  	_ =	sdelay $0x3  }
0x5c: {  	v1 =	vmul.f32 v2, v1;
	_ =	sdelay $0x1  }
0x5d: {  	s26 =	simm.s32 $0x8400;
	[tilespmem:s0+$0x8400] =	vst v1  }
0x5e: {  	[spmem:s9] =	stream.linear.scatter [tilespmem:s26], [sflag:$0x9], $0x2800, $0x38;
	[tilespmem:$0x12400] =	vst v63  }
0x5f: {  	_ =	swait.ge [sflag:s15], $0x2800  }
0x60: {  	[sflag:s15] =	ssyncset.done $0x0  }
0x61: {  	s0 =	simm.s32 @p0 $0x9;
	[sflag:s15] =	ssyncadd.s32 $0xFFFFD800  }
0x62: {  	[spmem:s20], [sflag:s19] =	dma.local @p0 [hbm:s11], $0x500  }
0x63: {  	_ =	swait.ge @p0 [sflag:s0], $0x500  }
0x64: {  	[sflag:s0] =	ssyncset.done @p0 $0x0  }
0x65: {  	[sflag:s0] =	ssyncadd.s32 @p0 $0xFFFFFB00;
	s0 =	simm.s32 @!p0 $0x8400  }
0x66: {  	[spmem:s10] =	stream.linear.scatter @!p0 [tilespmem:s0], [sflag:$0x9], $0x2800, $0x38;
	[tilespmem:$0x12400] =	vst v63  }
0x67: {  	s0 =	simm.s32 @!p0 $0x9  }
0x68: {  	_ =	swait.ge @!p0 [sflag:s0], $0x2800  }
0x69: {  	[sflag:s0] =	ssyncset.done @!p0 $0x0  }
0x6a: {  	[sflag:s0] =	ssyncadd.s32 @!p0 $0xFFFFD800  }
0x6b: {  	s5 =	simm.s32 $0x0;
	[bflag:$0x0] =	sbarrier.arrive $0xFFFF  }
0x6c: {  	[tilespmem:s22], [sflag:$0x1] =	stream.indirect.gather [spmem:s2], $0x10, s5, s21, $0xb8;
	[tilespmem:$0x12400] =	vst v63  }
0x6d: {  	_ = 	snop  }
0x6e: {  	[tilespmem:s23], [sflag:$0x2] =	stream.indirect.gather [spmem:s2], $0x10, s21, s21, $0xb8;
	[tilespmem:$0x12400] =	vst v63  }
0x6f: {  	s26 =	simm.s32 $0x100  }
0x70: {  	[tilespmem:s25], [sflag:$0x3] =	stream.indirect.gather [spmem:s2], $0x10, s26, s21, $0xb8;
	[tilespmem:$0x12400] =	vst v63  }
0x71: {  	s5 =	simm.s32 $0x180  }
0x72: {  	[tilespmem:s28], [sflag:$0x4] =	stream.indirect.gather [spmem:s2], $0x10, s5, s21, $0xb8;
	[tilespmem:$0x12400] =	vst v63  }
0x73: {  	_ =	swait.ge [sflag:s29], $0x800  }
0x74: {  	[sflag:s29] =	ssyncset.done $0x0  }
0x75: {  	s26 =	simm.s32 $0x2800;
	[sflag:s29] =	ssyncadd.s32 $0xFFFFF800  }
0x76: {  	[spmem:s3] =	stream.indirect.scatter.add.f32 [tilespmem:s22], [sflag:$0x5], $0x10, s26, s21, $0xb8;
	[tilespmem:$0x12400] =	vst v63  }
0x77: {  	_ =	swait.ge [sflag:s30], $0x800  }
0x78: {  	[sflag:s30] =	ssyncset.done $0x0  }
0x79: {  	s5 =	simm.s32 $0x2880;
	[sflag:s30] =	ssyncadd.s32 $0xFFFFF800  }
0x7a: {  	[spmem:s3] =	stream.indirect.scatter.add.f32 [tilespmem:s23], [sflag:$0x6], $0x10, s5, s21, $0xb8;
	[tilespmem:$0x12400] =	vst v63  }
0x7b: {  	_ =	swait.ge [sflag:s31], $0x800  }
0x7c: {  	[sflag:s31] =	ssyncset.done $0x0  }
0x7d: {  	s26 =	simm.s32 $0x2900;
	[sflag:s31] =	ssyncadd.s32 $0xFFFFF800  }
0x7e: {  	[spmem:s3] =	stream.indirect.scatter.add.f32 [tilespmem:s25], [sflag:$0x7], $0x10, s26, s21, $0xb8;
	[tilespmem:$0x12400] =	vst v63  }
0x7f: {  	_ =	swait.ge [sflag:s1], $0x800  }
0x80: {  	[sflag:s1] =	ssyncset.done $0x0  }
0x81: {  	s5 =	simm.s32 $0x2980;
	[sflag:s1] =	ssyncadd.s32 $0xFFFFF800  }
0x82: {  	[spmem:s3] =	stream.indirect.scatter.add.f32 [tilespmem:s28], [sflag:$0x8], $0x10, s5, s21, $0xb8;
	[tilespmem:$0x12400] =	vst v63  }
0x83: {  	_ =	swait.ge [sflag:s14], $0x800  }
0x84: {  	[sflag:s14] =	ssyncset.done $0x0  }
0x85: {  	s26 =	simm.s32 $0x200;
	[sflag:s14] =	ssyncadd.s32 $0xFFFFF800  }
0x86: {  	[tilespmem:s22], [sflag:$0x1] =	stream.indirect.gather [spmem:s2], $0x10, s26, s21, $0xb8;
	[tilespmem:$0x12400] =	vst v63  }
0x87: {  	_ =	swait.ge [sflag:s16], $0x800  }
0x88: {  	[sflag:s16] =	ssyncset.done $0x0  }
0x89: {  	s5 =	simm.s32 $0x280;
	[sflag:s16] =	ssyncadd.s32 $0xFFFFF800  }
0x8a: {  	[tilespmem:s23], [sflag:$0x2] =	stream.indirect.gather [spmem:s2], $0x10, s5, s21, $0xb8;
	[tilespmem:$0x12400] =	vst v63  }
0x8b: {  	_ =	swait.ge [sflag:s17], $0x800  }
0x8c: {  	[sflag:s17] =	ssyncset.done $0x0  }
0x8d: {  	s26 =	simm.s32 $0x300;
	[sflag:s17] =	ssyncadd.s32 $0xFFFFF800  }
0x8e: {  	[tilespmem:s25], [sflag:$0x3] =	stream.indirect.gather [spmem:s2], $0x10, s26, s21, $0xb8;
	[tilespmem:$0x12400] =	vst v63  }
0x8f: {  	_ =	swait.ge [sflag:s18], $0x800  }
0x90: {  	[sflag:s18] =	ssyncset.done $0x0  }
0x91: {  	s0 =	simm.s32 $0x380;
	s26 =	simm.s32 $0x800;
	[sflag:s18] =	ssyncadd.s32 $0xFFFFF800  }
.LBB2_6:
0x92: {  	[tilespmem:s28], [sflag:$0x4] =	stream.indirect.gather [spmem:s2], $0x10, s0, s21, $0xb8;
	[tilespmem:$0x12400] =	vst v63  }
0x93: {  	s0 =	smov.u32 s26  }
0x94: {  	p1 =	sne.s32 s26, $0x4000;
	s26 =	sadd.s32 $0x800, s26;
	_ =	swait.ge [sflag:s29], $0x800  }
0x95: {  	s0 =	sshra.s32 s0, $0x2;
	[sflag:s29] =	ssyncset.done $0x0  }
0x96: {  	s5 =	sadd.s32 $0x2800, s0;
	[sflag:s29] =	ssyncadd.s32 $0xFFFFF800  }
0x97: {  	[spmem:s3] =	stream.indirect.scatter.add.f32 [tilespmem:s22], [sflag:$0x5], $0x10, s5, s21, $0xb8;
	[tilespmem:$0x12400] =	vst v63  }
0x98: {  	_ =	swait.ge [sflag:s30], $0x800  }
0x99: {  	[sflag:s30] =	ssyncset.done $0x0  }
0x9a: {  	s5 =	sadd.s32 $0x2880, s0;
	[sflag:s30] =	ssyncadd.s32 $0xFFFFF800  }
0x9b: {  	[spmem:s3] =	stream.indirect.scatter.add.f32 [tilespmem:s23], [sflag:$0x6], $0x10, s5, s21, $0xb8;
	[tilespmem:$0x12400] =	vst v63  }
0x9c: {  	_ =	swait.ge [sflag:s31], $0x800  }
0x9d: {  	[sflag:s31] =	ssyncset.done $0x0  }
0x9e: {  	s5 =	sadd.s32 $0x2900, s0;
	[sflag:s31] =	ssyncadd.s32 $0xFFFFF800  }
0x9f: {  	[spmem:s3] =	stream.indirect.scatter.add.f32 [tilespmem:s25], [sflag:$0x7], $0x10, s5, s21, $0xb8;
	[tilespmem:$0x12400] =	vst v63  }
0xa0: {  	_ =	swait.ge [sflag:s1], $0x800  }
0xa1: {  	[sflag:s1] =	ssyncset.done $0x0  }
0xa2: {  	s5 =	sadd.s32 $0x2980, s0;
	[sflag:s1] =	ssyncadd.s32 $0xFFFFF800  }
0xa3: {  	[spmem:s3] =	stream.indirect.scatter.add.f32 [tilespmem:s28], [sflag:$0x8], $0x10, s5, s21, $0xb8;
	[tilespmem:$0x12400] =	vst v63  }
0xa4: {  	_ =	swait.ge [sflag:s14], $0x800  }
0xa5: {  	[sflag:s14] =	ssyncset.done $0x0  }
0xa6: {  	s5 =	sadd.s32 $0x200, s0;
	[sflag:s14] =	ssyncadd.s32 $0xFFFFF800  }
0xa7: {  	[tilespmem:s22], [sflag:$0x1] =	stream.indirect.gather [spmem:s2], $0x10, s5, s21, $0xb8;
	[tilespmem:$0x12400] =	vst v63  }
0xa8: {  	_ =	swait.ge [sflag:s16], $0x800  }
0xa9: {  	[sflag:s16] =	ssyncset.done $0x0  }
0xaa: {  	s5 =	sadd.s32 $0x280, s0;
	[sflag:s16] =	ssyncadd.s32 $0xFFFFF800  }
0xab: {  	[tilespmem:s23], [sflag:$0x2] =	stream.indirect.gather [spmem:s2], $0x10, s5, s21, $0xb8;
	[tilespmem:$0x12400] =	vst v63  }
0xac: {  	_ =	swait.ge [sflag:s17], $0x800  }
0xad: {  	[sflag:s17] =	ssyncset.done $0x0  }
.Ltmp2:
0xae: {  	s5 =	sadd.s32 $0x300, s0;
	[sflag:s17] =	ssyncadd.s32 $0xFFFFF800;
	(pc) =	sbr.rel @p1 .LBB2_6-.Ltmp2, $4  }
0xaf: {  	[tilespmem:s25], [sflag:$0x3] =	stream.indirect.gather [spmem:s2], $0x10, s5, s21, $0xb8;
	[tilespmem:$0x12400] =	vst v63  }
0xb0: {  	_ =	swait.ge [sflag:s18], $0x800  }
0xb1: {  	[sflag:s18] =	ssyncset.done $0x0  }
0xb2: {  	s0 =	sadd.s32 $0x380, s0;
	[sflag:s18] =	ssyncadd.s32 $0xFFFFF800  }
0xb3: {  	[tilespmem:s28], [sflag:$0x4] =	stream.indirect.gather [spmem:s2], $0x10, s0, s21, $0xb8;
	[tilespmem:$0x12400] =	vst v63  }
0xb4: {  	_ =	swait.ge [sflag:s29], $0x800  }
0xb5: {  	[sflag:s29] =	ssyncset.done $0x0  }
0xb6: {  	s26 =	simm.s32 $0x3A00;
	[sflag:s29] =	ssyncadd.s32 $0xFFFFF800  }
0xb7: {  	[spmem:s3] =	stream.indirect.scatter.add.f32 [tilespmem:s22], [sflag:$0x5], $0x10, s26, s21, $0xb8;
	[tilespmem:$0x12400] =	vst v63  }
0xb8: {  	_ =	swait.ge [sflag:s30], $0x800  }
0xb9: {  	[sflag:s30] =	ssyncset.done $0x0  }
0xba: {  	s5 =	simm.s32 $0x3A80;
	[sflag:s30] =	ssyncadd.s32 $0xFFFFF800  }
0xbb: {  	[spmem:s3] =	stream.indirect.scatter.add.f32 [tilespmem:s23], [sflag:$0x6], $0x10, s5, s21, $0xb8;
	[tilespmem:$0x12400] =	vst v63  }
0xbc: {  	_ =	swait.ge [sflag:s31], $0x800  }
0xbd: {  	[sflag:s31] =	ssyncset.done $0x0  }
0xbe: {  	s26 =	simm.s32 $0x3B00;
	[sflag:s31] =	ssyncadd.s32 $0xFFFFF800  }
0xbf: {  	[spmem:s3] =	stream.indirect.scatter.add.f32 [tilespmem:s25], [sflag:$0x7], $0x10, s26, s21, $0xb8;
	[tilespmem:$0x12400] =	vst v63  }
0xc0: {  	_ =	swait.ge [sflag:s1], $0x800  }
0xc1: {  	[sflag:s1] =	ssyncset.done $0x0  }
0xc2: {  	s5 =	simm.s32 $0x3B80;
	[sflag:s1] =	ssyncadd.s32 $0xFFFFF800  }
0xc3: {  	[spmem:s3] =	stream.indirect.scatter.add.f32 [tilespmem:s28], [sflag:$0x8], $0x10, s5, s21, $0xb8;
	[tilespmem:$0x12400] =	vst v63  }
0xc4: {  	_ =	swait.ge [sflag:s14], $0x800  }
0xc5: {  	[sflag:s14] =	ssyncset.done $0x0  }
0xc6: {  	[sflag:s14] =	ssyncadd.s32 $0xFFFFF800  }
0xc7: {  	_ =	swait.ge [sflag:s16], $0x800  }
0xc8: {  	[sflag:s16] =	ssyncset.done $0x0  }
0xc9: {  	[sflag:s16] =	ssyncadd.s32 $0xFFFFF800  }
0xca: {  	_ =	swait.ge [sflag:s17], $0x800  }
0xcb: {  	[sflag:s17] =	ssyncset.done $0x0  }
0xcc: {  	[sflag:s17] =	ssyncadd.s32 $0xFFFFF800  }
0xcd: {  	s26 =	stileid.u32;
	_ =	swait.ge [sflag:s18], $0x800  }
0xce: {  	s24 =	sadd.s32 $0x1, s24;
	s0 =	sshll.u32 s26, $0x6;
	[sflag:s18] =	ssyncset.done $0x0  }
0xcf: {  	p1 =	sne.s32 s24, s13;
	s0 =	sor.u32 $0x1C09, s0;
	[sflag:s18] =	ssyncadd.s32 $0xFFFFF800  }
.Ltmp3:
0xd0: {  	s5 =	sshrl.u32 s10, $0x3;
	[bflag:$0x0] =	sbarrier.arrive $0xFFFF;
	(pc) =	sbr.rel @p1 .LBB2_1-.Ltmp3, $4  }
0xd1: {  	[hbm:s12], [sflag:s0] =	dma.local [spmem:s5], $0x500  }
0xd2: {  	_ =	swait.ge [sflag:s15], $0x500  }
0xd3: {  	[sflag:s15] =	ssyncset.done $0x0  }
0xd4: {  	[sflag:s15] =	ssyncadd.s32 $0xFFFFFB00  }
0xd5: {  	_ =	sfence.sel $0x180000  }
0xd6: {  	[bflag:$0x0] =	sbarrier.arrive $0xFFFF  }
0xd7: {  	_ =	strace $0x9000004A  }
0xd8: {  	s0 =	stileid.u32;
	[bflag:$0x2] =	sbarrier.arrive $0xFFFF  }
0xd9: {  	p0 =	sne.s32 s0, $0x0;
	s0 =	rddreg [dreg:$0x3]  }
0xda: {  	s0 =	sadd.s32 @!p0 $0x100000, s0  }
0xdb: {  	[sflag:s0] =	ssyncadd.tile.s32 @!p0 $0x1;
	_ =	shalt  }
.Lfunc_end2:
_tile_overlayer_lowered:
.L_overlay_start_2:
0xdc: {  	(tag) =	ssettag $0x2  }
0xdd: {  	s0 =	rddreg [dreg:$0x0];
	s2 =	stileid.u32  }
0xde: {  	s1 =	rddreg [dreg:$0x1];
	p0 =	sne.s32 s2, $0x0  }
0xdf: {  	s3 =	rddreg [dreg:$0x2];
	[bflag:$0x3] =	sbarrier.arrive $0xFFFF;
	s2 =	simm.s32 @!p0 $0x1C09  }
0xe0: {  	[timem:s3], [sflag:s2] =	dma.local @!p0 [hbm:s0], s1  }
0xe1: {  	s0 =	simm.s32 @!p0 $0x9  }
0xe2: {  	_ =	swait.ge @!p0 [sflag:s0], s1  }
0xe3: {  	s1 =	ssub.s32 @!p0 $0x0, s1;
	[sflag:s0] =	ssyncset.done @!p0 $0x0  }
0xe4: {  	[sflag:s0] =	ssyncadd.s32 @!p0 s1  }
0xe5: {  	[bflag:$0x3] =	sbarrier.arrive $0xFFFF  }
0xe6: {  	_ =	shalt  }

// kernel: kernel.13.cloned.1.call-start
scs
__scs_entry_jumppad:
0x0: {  	(pc) =	sbr.rel $0x88, $3  }
0x1: {  	(tag) =	ssettag $0x0;
	lr =	simm.s32 $0x1  }
0x2: {  	[smem:$0x3F9B] =	sst lr;
	_ =	strace $0xD0000000  }
0x3: {  	_ = 	snop  }
0x4: {  	_ = 	snop  }
0x5: {  	_ = 	snop  }
0x6: {  	_ = 	snop  }
0x7: {  	_ = 	snop  }
__scs_overlays_trampoline_lowered:
0x8: {  	[smem:$0x3FAA] =	sst s0  }
0x9: {  	[smem:$0x3FAB] =	sst s1  }
0xa: {  	[smem:$0x3FAC] =	sst s2  }
0xb: {  	[smem:$0x3FAD] =	sst s3  }
0xc: {  	[smem:$0x3FAE] =	sst s4  }
0xd: {  	[smem:$0x3FAF] =	sst s5  }
0xe: {  	[smem:$0x3FB0] =	sst s6  }
0xf: {  	[smem:$0x3FB1] =	sst s7  }
0x10: {  	[smem:$0x3FB2] =	sst s8  }
0x11: {  	[smem:$0x3FB3] =	sst s9;
	s0 =	simm.s32 @!p0 $0x0  }
0x12: {  	s1 =	sld [smem:$0x3F99];
	s0 =	simm.s32 @p0 $0x1  }
0x13: {  	[smem:$0x3FB4] =	sst s0;
	s0 =	simm.s32 @!p1 $0x0  }
0x14: {  	s2 =	sld [smem:$0x3F98];
	s0 =	simm.s32 @p1 $0x1  }
0x15: {  	[smem:$0x3FB5] =	sst s0;
	s0 =	simm.s32 @!p2 $0x0  }
0x16: {  	s3 =	sld [smem:$0x3FDB];
	s0 =	simm.s32 @p2 $0x1  }
0x17: {  	s4 =	simm.s32 $0x1BF5;
	[smem:$0x3FB7] =	sst s0  }
0x18: {  	s0 =	sld [smem:$0x3F9A];
	_ =	swait.ge [sflag:s4], $0x0  }
0x19: {  	s7 =	sld [smem:$0x3F9B]  }
0x1a: {  	s8 =	sadd.s32 $0xFFFFE003, lr  }
0x1b: {  	s9 =	sadd.s32 $0xFFFFFEF7, lr;
	s5 =	simm.s32 $0xFFFFFFFF;
	p2 =	slt.u32 s8, $0xFFFFF086  }
0x1c: {  	p1 =	slt.u32 s9, $0xF7A;
	s5 =	simm.s32 @!p2 $0x0  }
0x1d: {  	s5 =	simm.s32 @p1 $0x1;
	p0 =	seq.s32 s7, s2  }
0x1e: {  	s7 =	smul.u32 @!p0 $0xF7A, s2;
	p2 =	seq.s32 @!p0 s5, $0x0  }
0x1f: {  	s9 =	smul.u32 $0xF7A, s1;
	s8 =	simm.s32 @!p0 $0x1BF5;
	p2 =	por !p2, p0  }
0x20: {  	[sflag:s8] =	ssyncset.s32 @!p0 $0xFFFFF086;
	s6 =	sadd.s32 @!p0 s3, s7;
	s7 =	simm.s32 @!p0 $0x108  }
0x21: {  	s3 =	sadd.s32 s3, s9;
	s6 =	sadd.s32 @!p0 $0x88, s6;
	s7 =	simm.s32 @p2 $0x1082  }
0x22: {  	[simem:s7], [sflag:s8] =	dma.local @!p0 [hbm:s6], $0xF7A  }
0x23: {  	s9 =	sor.u32 $0xD0000000, s2;
	s6 =	simm.s32 $0x108;
	_ =	swait.ge @!p0 [sflag:s8], $0x0  }
0x24: {  	s3 =	sadd.s32 $0x88, s3;
	s6 =	simm.s32 @!p1 $0x1082;
	[sflag:s4] =	ssyncset.s32 $0xFFFFF086  }
0x25: {  	[simem:s6], [sflag:s4] =	dma.local [hbm:s3], $0xF7A  }
0x26: {  	[smem:$0x3F9B] =	sst s1;
	(tag) =	ssettag s2;
	_ =	strace s9  }
0x27: {  	s1 =	sld [smem:$0x3FAB]  }
0x28: {  	s2 =	sld [smem:$0x3FAC]  }
0x29: {  	s4 =	sld [smem:$0x3FAE]  }
0x2a: {  	p0 =	seq.s32 s5, $0x0;
	s5 =	sld [smem:$0x3FAF]  }
0x2b: {  	s6 =	sld [smem:$0x3FB0]  }
0x2c: {  	s7 =	sld [smem:$0x3FB1]  }
0x2d: {  	s3 =	simm.s32 $0x108;
	s8 =	sld [smem:$0x3FB2]  }
0x2e: {  	s3 =	simm.s32 @!p0 $0x1082;
	s9 =	sld [smem:$0x3FB3]  }
0x2f: {  	lr =	sadd.s32 s0, s3;
	s0 =	sld [smem:$0x3FAA]  }
0x30: {  	s3 =	sld [smem:$0x3FAD]  }
0x31: {  	[smem:$0x3FB6] =	sst s10  }
0x32: {  	s10 =	sld [smem:$0x3FB4];
	_ =	sdelay $0x3  }
0x33: {  	p0 =	seq.s32 s10, $0x1;
	s10 =	sld [smem:$0x3FB6];
	_ =	sdelay $0x3  }
0x34: {  	[smem:$0x3FB6] =	sst s10  }
0x35: {  	s10 =	sld [smem:$0x3FB5];
	_ =	sdelay $0x3  }
0x36: {  	p1 =	seq.s32 s10, $0x1;
	s10 =	sld [smem:$0x3FB6];
	_ =	sdelay $0x3  }
0x37: {  	[smem:$0x3FB6] =	sst s10  }
0x38: {  	s10 =	sld [smem:$0x3FB7]  }
0x39: {  	_ = 	snop;
	(pc) =	sbr.ind lr, $3  }
0x3a: {  	_ = 	snop  }
0x3b: {  	_ = 	snop  }
0x3c: {  	p2 =	seq.s32 s10, $0x1;
	s10 =	sld [smem:$0x3FB6]  }
0x3d: {  	_ =	shalt  }
0x3e: {  	_ =	shalt  }
0x3f: {  	_ =	shalt  }
0x40: {  	_ =	shalt  }
0x41: {  	_ =	shalt  }
0x42: {  	_ =	shalt  }
0x43: {  	_ =	shalt  }
0x44: {  	_ =	shalt  }
0x45: {  	_ =	shalt  }
0x46: {  	_ =	shalt  }
0x47: {  	_ =	shalt  }
0x48: {  	_ =	shalt  }
0x49: {  	_ =	shalt  }
0x4a: {  	_ =	shalt  }
0x4b: {  	_ =	shalt  }
0x4c: {  	_ =	shalt  }
0x4d: {  	_ =	shalt  }
0x4e: {  	_ =	shalt  }
0x4f: {  	_ =	shalt  }
0x50: {  	_ =	shalt  }
0x51: {  	_ =	shalt  }
0x52: {  	_ =	shalt  }
0x53: {  	_ =	shalt  }
0x54: {  	_ =	shalt  }
0x55: {  	_ =	shalt  }
0x56: {  	_ =	shalt  }
0x57: {  	_ =	shalt  }
0x58: {  	_ =	shalt  }
0x59: {  	_ =	shalt  }
0x5a: {  	_ =	shalt  }
0x5b: {  	_ =	shalt  }
0x5c: {  	_ =	shalt  }
0x5d: {  	_ =	shalt  }
0x5e: {  	_ =	shalt  }
0x5f: {  	_ =	shalt  }
0x60: {  	_ =	shalt  }
0x61: {  	_ =	shalt  }
0x62: {  	_ =	shalt  }
0x63: {  	_ =	shalt  }
0x64: {  	_ =	shalt  }
0x65: {  	_ =	shalt  }
0x66: {  	_ =	shalt  }
0x67: {  	_ =	shalt  }
0x68: {  	_ =	shalt  }
0x69: {  	_ =	shalt  }
0x6a: {  	_ =	shalt  }
0x6b: {  	_ =	shalt  }
0x6c: {  	_ =	shalt  }
0x6d: {  	_ =	shalt  }
0x6e: {  	_ =	shalt  }
0x6f: {  	_ =	shalt  }
0x70: {  	_ =	shalt  }
0x71: {  	_ =	shalt  }
0x72: {  	_ =	shalt  }
0x73: {  	_ =	shalt  }
0x74: {  	_ =	shalt  }
0x75: {  	_ =	shalt  }
0x76: {  	_ =	shalt  }
0x77: {  	_ =	shalt  }
0x78: {  	_ =	shalt  }
0x79: {  	_ =	shalt  }
0x7a: {  	_ =	shalt  }
0x7b: {  	_ =	shalt  }
0x7c: {  	_ =	shalt  }
0x7d: {  	_ =	shalt  }
0x7e: {  	_ =	shalt  }
0x7f: {  	_ =	shalt  }
0x80: {  	_ =	shalt  }
0x81: {  	_ =	shalt  }
0x82: {  	_ =	shalt  }
0x83: {  	_ =	shalt  }
0x84: {  	_ =	shalt  }
0x85: {  	_ =	shalt  }
0x86: {  	_ =	shalt  }
0x87: {  	_ =	shalt  }
.Lfunc_end0:
.L_simem_size_0:
called_computation.2_lowered:
.L_overlay_start_0:
0x88: {  	s2 =	sld [smem:$0x3FD9]  }
0x89: {  	s3 =	sld [smem:$0x3FFE];
	_ =	sdelay $0x1  }
0x8a: {  	s1 =	srdreg.scid  }
0x8b: {  	s0 =	sand.u32 $0x1, s1  }
0x8c: {  	s17 =	sshll.u32 s0, $0xA;
	s2 =	sadd.s32 s3, s2  }
0x8d: {  	s2 =	sadd.s32 s2, s17  }
0x8e: {  	[smem:$0x3FC2] =	sst s2  }
0x8f: {  	_ = 	snop  }
0x90: {  	s2 =	sld [smem:$0x3FC6];
	(tm) =	ssettm $0x1  }
0x91: {  	s18 =	sld [smem:$0x3FFB];
	_ =	sdelay $0x3  }
0x92: {  	_ =	strace s18  }
0x93: {  	s3 =	sld [smem:$0x3FFC];
	_ =	sdelay $0x3  }
0x94: {  	_ =	strace s3  }
0x95: {  	s3 =	sld [smem:$0x3FFD];
	_ =	sdelay $0x3  }
0x96: {  	_ =	strace s3  }
0x97: {  	_ =	strace $0x8FFFFFFF  }
0x98: {  	s19 =	sld [smem:$0x3FDB];
	_ =	sdelay $0x1  }
0x99: {  	s4 =	simm.s32 $_scs_section_size  }
0x9a: {  	s5 =	simm.s32 $_size__tile_overlayer_lowered;
	s6 =	simm.s32 $_tile_overlayer_lowered  }
0x9b: {  	s22 =	simm.s32 $0x1BFF;
	s21 =	sshll.u32 s6, $0x1;
	s3 =	sadd.s32 s4, s19  }
0x9c: {  	s7 =	simm.s32 $0x0;
	s20 =	sshll.u32 s5, $0x1;
	s5 =	sadd.s32 s21, s3  }
0x9d: {  	[timem:s7], [sflag:s22] =	dma.local [hbm:s5], s20  }
0x9e: {  	_ =	swait.ge [sflag:s22], s20  }
0x9f: {  	s4 =	ssub.s32 $0x0, s20;
	[sflag:s22] =	ssyncset.done $0x0  }
0xa0: {  	[sflag:s22] =	ssyncadd.s32 s4;
	_ =	sdelay $0x1  }
0xa1: {  	s23 =	simm.s32 $0x1B8B  }
0xa2: {  	_ =	swait.ge [sflag:s23], $0x1  }
0xa3: {  	[sflag:s23] =	ssyncset.done $0x0  }
0xa4: {  	s25 =	simm.s32 $0x1B8E;
	s24 =	sld [smem:$0x3FFE];
	[sflag:s23] =	ssyncadd.s32 $0xFFFFFFFF  }
0xa5: {  	s26 =	simm.s32 $execute0_lowered;
	[smem:$0x3FD2] =	sst s25  }
0xa6: {  	s5 =	sshll.u32 s26, $0x1;
	_ =	strace $0x8000004C;
	[dreg:$0x1] =	wrdreg $0xFFFFFFFF  }
0xa7: {  	s28 =	simm.s32 $_size_execute0_lowered;
	s3 =	sadd.s32 s3, s5;
	[dreg:$0x0] =	wrdreg $0x0  }
0xa8: {  	s5 =	sshll.u32 s28, $0x1;
	[dreg:$0x2] =	wrdreg s3  }
0xa9: {  	[dreg:$0x3] =	wrdreg s5  }
0xaa: {  	[dreg:$0x4] =	wrdreg $0xC0  }
0xab: {  	_ =	task [dreg:s7], $0x5FFFF  }
0xac: {  	[dreg:$0x1] =	wrdreg $0xFFFFFFFF  }
0xad: {  	[dreg:$0x0] =	wrdreg $0x60  }
0xae: {  	[dreg:$0x2] =	wrdreg s24  }
0xaf: {  	[dreg:$0x3] =	wrdreg s2  }
0xb0: {  	[dreg:$0x4] =	wrdreg $0xD4100  }
0xb1: {  	[dreg:$0x5] =	wrdreg $0xFC100  }
0xb2: {  	[dreg:$0x6] =	wrdreg $0x9  }
0xb3: {  	_ =	task.clear_ibuf [dreg:s7], $0x7FFFF;
	_ =	strace $0x9000004C  }
0xb4: {  	s29 =	simm.s32 $0x9;
	_ =	strace $0x8000004E  }
0xb5: {  	_ =	swait.ge [sflag:s29], $0x1  }
0xb6: {  	[sflag:s29] =	ssyncadd.s32 $0xFFFFFFFF  }
0xb7: {  	_ =	strace $0x9000004E  }
0xb8: {  	_ =	sfence  }
0xb9: {  	s30 =	sld [smem:$0x0];
	_ =	sdelay $0x2  }
0xba: {  	s31 =	sshll.u32 s1, $0xD;
	s1 =	sshrl.u32 s1, $0x2  }
0xbb: {  	s3 =	sand.u32 $0x4000, s31;
	s1 =	sadd.s32 s1, s30  }
0xbc: {  	s0 =	sor.u32 s3, s0;
	s1 =	sshll.u32 s1, $0x11  }
0xbd: {  	s0 =	sor.u32 s1, s0  }
0xbe: {  	s0 =	sadd.s32 $0x8F2B, s0  }
0xbf: {  	[sflag:s0] =	ssyncadd.remote.s32 $0x1  }
0xc0: {  	_ =	sfence.sel $0xFFFF  }
0xc1: {  	[dreg:$0x0] =	wrdreg $0xFFFFFFFF;
	(pc) =	sbr.abs _section_cstart, $3  }
0xc2: {  	[dreg:$0x1] =	wrdreg $0xFFFFFFFF  }
0xc3: {  	_ =	task.clear_ibuf [dreg:s7], $0x2FFFF;
	_ =	strace $0x9FFFFFFF  }
0xc4: {  	(tm) =	ssettm $0x7FFFFFFF  }
0xc5: {  	_ =	shalt  }
tec
execute0_lowered:
.L_overlay_start_1:
0x0: {  	(tag) =	ssettag $0x1  }
0x1: {  	s1 =	rddreg [dreg:$0x0]  }
0x2: {  	s0 =	srdreg.scid;
	s3 =	rddreg [dreg:$0x2]  }
0x3: {  	s19 =	stileid.u32;
	s4 =	rddreg [dreg:$0x3]  }
0x4: {  	s5 =	simm.s32 $0x0;
	s16 =	simm.s32 $0x5C00;
	s17 =	simm.s32 $0x9  }
0x5: {  	s18 =	simm.s32 $0x8400;
	s29 =	simm.s32 $0x4C00;
	s31 =	simm.s32 $0x5400  }
0x6: {  	s20 =	simm.s32 $0x5;
	s21 =	simm.s32 $0x6;
	s28 =	simm.s32 $0x7  }
0x7: {  	s30 =	simm.s32 $0x8;
	s0 =	sand.u32 $0x1, s0;
	s6 =	smul.u32 $0x2800, s19  }
0x8: {  	[smem:$0x7FF] =	sst s5;
	s2 =	sshll.u32 s0, $0x4;
	s7 =	smul.u32 $0x28000, s0  }
0x9: {  	_ =	strace $0x8000004D;
	s9 =	ssub.s32 $0x2, s0;
	p0 =	sne.s32 s0, $0x0  }
0xa: {  	s2 =	sor.u32 s19, s2;
	s8 =	sshrl.u32 s6, $0x3;
	s10 =	sshrl.u32 s9, $0x1  }
0xb: {  	s11 =	sadd.s32 s6, s3;
	s12 =	sadd.s32 s6, s4;
	s0 =	sshll.u32 @p0 s19, $0x6  }
0xc: {  	s19 =	simm.s32 $0x4;
	s2 =	smul.u32 $0x1388, s2;
	s7 =	sadd.s32 s6, s7  }
0xd: {  	s8 =	sadd.s32 s8, s1;
	s22 =	ssub.s32 s9, s10;
	s6 =	simm.s32 $0x0  }
0xe: {  	s7 =	sshrl.u32 s7, $0x3;
	s23 =	sadd.s32 $0x1A200, s8;
	s24 =	sadd.s32 $0x1F200, s8  }
0xf: {  	s25 =	sadd.s32 $0xB200, s8;
	s13 =	sadd.s32 $0x15200, s8;
	[dreg:$0x5] =	wrdreg s23  }
0x10: {  	s15 =	smax.u32 s22, $0x1;
	s22 =	sor.u32 @p0 $0x1C09, s0;
	[dreg:$0x6] =	wrdreg s24  }
0x11: {  	s0 =	simm.s32 $0x2;
	s2 =	sshrl.u32 s2, $0x3;
	[dreg:$0x7] =	wrdreg s25  }
0x12: {  	s23 =	sshrl.u32 @p0 s12, $0x3;
	s24 =	simm.s32 $0x80;
	s2 =	sadd.s32 s2, s1  }
0x13: {  	s25 =	simm.s32 $0x3C00;
	s1 =	sadd.s32 s7, s1;
	s26 =	sadd.s32 $0x1400, s2  }
0x14: {  	s10 =	sadd.s32 $0x6220, s2;
	s14 =	sadd.s32 $0x24200, s1;
	s2 =	simm.s32 $0x1  }
0x15: {  	vm0 =	vmmov $0xff;
	v0 =	vimm.s32 $0x27FF;
	s1 =	simm.s32 $0x3;
	[dreg:$0x8] =	wrdreg s26;
	s26 =	simm.s32 $0x4400  }
.LBB2_1:
0x16: {  	s7 =	rddreg [dreg:$0x5]  }
0x17: {  	[tilespmem:s16], [sflag:$0x9] =	stream.linear.gather [hbm4b:s7+s5], $0x2800, $0x38;
	[tilespmem:$0x12410] =	vst v63  }
0x18: {  	_ =	swait.ge [sflag:s17], $0x2800  }
0x19: {  	[sflag:s17] =	ssyncset.done $0x0  }
0x1a: {  	s8 =	rddreg [dreg:$0x6];
	[sflag:s17] =	ssyncadd.s32 $0xFFFFD800  }
0x1b: {  	[tilespmem:s18], [sflag:$0x9] =	stream.linear.gather [hbm4b:s8+s5], $0x2800, $0x38;
	[tilespmem:$0x12410] =	vst v63  }
0x1c: {  	_ =	swait.ge [sflag:s17], $0x2800  }
0x1d: {  	[sflag:s17] =	ssyncset.done $0x0  }
0x1e: {  	s8 =	simm.s32 $0xAC00;
	s9 =	rddreg [dreg:$0x7];
	[sflag:s17] =	ssyncadd.s32 $0xFFFFD800  }
0x1f: {  	[tilespmem:s8], [sflag:$0x9] =	stream.linear.gather [hbm4b:s9+s5], $0x2800, $0x38;
	[tilespmem:$0x12410] =	vst v63  }
0x20: {  	_ =	swait.ge [sflag:s17], $0x2800  }
0x21: {  	[sflag:s17] =	ssyncset.done $0x0  }
0x22: {  	[sflag:s17] =	ssyncadd.s32 $0xFFFFD800  }
0x23: {  	s9 =	simm.s32 $0xD400;
	s8 =	rddreg [dreg:$0x1]  }
0x24: {  	[tilespmem:s9], [sflag:$0x9] =	stream.linear.gather [hbm4b:s8+s5], $0x10, $0x38;
	[tilespmem:$0x12410] =	vst v63  }
0x25: {  	_ =	swait.ge [sflag:s17], $0x10  }
0x26: {  	[sflag:s17] =	ssyncset.done $0x0  }
0x27: {  	s8 =	rddreg [dreg:$0x8];
	[sflag:s17] =	ssyncadd.s32 $0xFFFFFFF0  }
0x28: {  	[tilespmem:s5], [sflag:$0x9] =	stream.linear.gather [hbm4b:s8+s5], $0x1388, $0x38;
	[tilespmem:$0x12410] =	vst v63  }
0x29: {  	_ =	swait.ge [sflag:s17], $0x1388  }
0x2a: {  	[sflag:s17] =	ssyncset.done $0x0  }
0x2b: {  	[sflag:s17] =	ssyncadd.s32 $0xFFFFEC78  }
0x2c: {  	[tilespmem:$0x1390] =	vst v0  }
0x2d: {  	v1 =	vld [tilespmem:$0x1380];
	[tilespmem:$0x13A0] =	vst v0  }
0x2e: {  	[tilespmem:$0x13B0] =	vst v0  }
0x2f: {  	[tilespmem:$0x13C0] =	vst v0  }
0x30: {  	[tilespmem:$0x13D0] =	vst v0  }
0x31: {  	[tilespmem:$0x13E0] =	vst v0  }
0x32: {  	[tilespmem:$0x13F0] =	vst v0;
	v1 =	vnsel vm0, $0x27FF, v1  }
0x33: {  	s9 =	simm.s32 $0x1400;
	[tilespmem:$0x1380] =	vst v1  }
0x34: {  	[tilespmem:s9], [sflag:$0x9] =	stream.linear.gather [hbm4b:s10+s5], $0x1388, $0x38;
	[tilespmem:$0x12410] =	vst v63  }
0x35: {  	_ =	swait.ge [sflag:s17], $0x1388  }
0x36: {  	[sflag:s17] =	ssyncset.done $0x0  }
0x37: {  	[sflag:s17] =	ssyncadd.s32 $0xFFFFEC78  }
0x38: {  	[tilespmem:$0x2790] =	vst v0  }
0x39: {  	v1 =	vld [tilespmem:$0x2780];
	[tilespmem:$0x27A0] =	vst v0  }
0x3a: {  	[tilespmem:$0x27B0] =	vst v0  }
0x3b: {  	[tilespmem:$0x27C0] =	vst v0  }
0x3c: {  	[tilespmem:$0x27D0] =	vst v0  }
0x3d: {  	[tilespmem:$0x27E0] =	vst v0  }
0x3e: {  	[tilespmem:$0x27F0] =	vst v0;
	v1 =	vnsel vm0, $0x27FF, v1  }
0x3f: {  	s7 =	simm.s32 $0x0;
	[tilespmem:$0x2780] =	vst v1  }
0x40: {  	v4 =	vld [tilespmem:s7+$0x1470]  }
0x41: {  	v5 =	vld [tilespmem:s7+$0x1400]  }
0x42: {  	v6 =	vld [tilespmem:s7+$0x1410]  }
0x43: {  	v3 =	vld [tilespmem:s7+$0x1420]  }
0x44: {  	v1 =	vld [tilespmem:s7+$0x1430]  }
0x45: {  	v2 =	vld [tilespmem:s7+$0x1440];
	[tilespmem:s7+$0x2870] =	vst v4  }
0x46: {  	[tilespmem:s7+$0x2800] =	vst v5;
	v4 =	vld [tilespmem:s7+$0x1450]  }
0x47: {  	s8 =	simm.s32 $0x80;
	s9 =	simm.s32 $0x400;
	[tilespmem:s7+$0x2810] =	vst v6;
	v5 =	vld [tilespmem:s7+$0x1460]  }
.LBB2_2:
0x48: {  	p1 =	sne.s32 s9, $0x4E00;
	v6 =	vld [tilespmem:s8+$0x1470];
	[tilespmem:s7+$0x2820] =	vst v3  }
0x49: {  	v7 =	vld [tilespmem:s8+$0x1400];
	[tilespmem:s7+$0x2830] =	vst v1  }
0x4a: {  	v8 =	vld [tilespmem:s8+$0x1410];
	[tilespmem:s7+$0x2840] =	vst v2  }
.Ltmp0:
0x4b: {  	v3 =	vld [tilespmem:s8+$0x1420];
	[tilespmem:s7+$0x2850] =	vst v4;
	(pc) =	sbr.rel @p1 .LBB2_2-.Ltmp0, $4  }
0x4c: {  	v1 =	vld [tilespmem:s8+$0x1430];
	[tilespmem:s7+$0x2860] =	vst v5;
	s7 =	smov.u32 s8  }
0x4d: {  	v2 =	vld [tilespmem:s7+$0x1440];
	[tilespmem:s7+$0x2870] =	vst v6  }
0x4e: {  	[tilespmem:s7+$0x2800] =	vst v7;
	v4 =	vld [tilespmem:s7+$0x1450]  }
0x4f: {  	s8 =	sshra.s32 s9, $0x2;
	s9 =	sadd.s32 $0x200, s9;
	[tilespmem:s7+$0x2810] =	vst v8;
	v5 =	vld [tilespmem:s7+$0x1460]  }
0x50: {  	v6 =	vld [tilespmem:s8+$0x1470];
	[tilespmem:s7+$0x2820] =	vst v3  }
0x51: {  	v3 =	vld [tilespmem:s8+$0x1400];
	[tilespmem:s7+$0x2830] =	vst v1  }
0x52: {  	v1 =	vld [tilespmem:s8+$0x1410];
	[tilespmem:s7+$0x2840] =	vst v2  }
0x53: {  	v2 =	vld [tilespmem:s8+$0x1420];
	[tilespmem:s7+$0x2850] =	vst v4  }
0x54: {  	v4 =	vld [tilespmem:s8+$0x1430];
	[tilespmem:s7+$0x2860] =	vst v5  }
0x55: {  	v5 =	vld [tilespmem:s8+$0x1440];
	[tilespmem:s8+$0x2870] =	vst v6  }
0x56: {  	[tilespmem:s8+$0x2800] =	vst v3;
	v3 =	vld [tilespmem:s8+$0x1450]  }
0x57: {  	[tilespmem:s8+$0x2810] =	vst v1;
	v1 =	vld [tilespmem:s8+$0x1460]  }
0x58: {  	[tilespmem:s8+$0x2820] =	vst v2  }
0x59: {  	[tilespmem:s8+$0x2830] =	vst v4  }
0x5a: {  	[tilespmem:s8+$0x2840] =	vst v5  }
0x5b: {  	[tilespmem:s8+$0x2850] =	vst v3  }
0x5c: {  	[tilespmem:s8+$0x2860] =	vst v1  }
0x5d: {  	s7 =	simm.s32 $0x0;
	v1 =	vld [tilespmem:$0xD400]  }
0x5e: {  	s8 =	simm.s32 $0x40;
	v2 =	vld [tilespmem:s7+$0x8400]  }
.LBB2_4:
0x5f: {  	p1 =	sne.s32 s8, $0x9FC0;
	v3 =	vld [tilespmem:s7+$0x5C00];
	_ =	sdelay $0x1  }
0x60: {  	v4 =	vld [tilespmem:s7+$0xAC00];
	_ =	sdelay $0x2  }
0x61: {  	v2 =	vadd.f32 v2, v3;
	_ =	sdelay $0x1  }
0x62: {  	v2 =	vmul.f32 v2, v4;
	_ =	sdelay $0x1  }
0x63: {  	v2 =	vadd.f32 v2, v1  }
.Ltmp1:
0x64: {  	(pc) =	sbr.rel @p1 .LBB2_4-.Ltmp1, $4  }
0x65: {  	v2 =	vmax.f32 v2, $0.0e+00  }
0x66: {  	v3 =	vmul.f32 v2, v4  }
0x67: {  	s9 =	sshra.s32 s8, $0x2  }
0x68: {  	s8 =	sadd.s32 $0x40, s8;
	v2 =	vld [tilespmem:s9+$0x8400];
	[tilespmem:s7+$0x5C00] =	vst v3;
	s7 =	smov.u32 s9  }
0x69: {  	v3 =	vld [tilespmem:s7+$0x5C00];
	_ =	sdelay $0x1  }
0x6a: {  	v4 =	vld [tilespmem:s7+$0xAC00];
	_ =	sdelay $0x2  }
0x6b: {  	v2 =	vadd.f32 v2, v3;
	_ =	sdelay $0x1  }
0x6c: {  	v2 =	vmul.f32 v2, v4;
	_ =	sdelay $0x1  }
0x6d: {  	v1 =	vadd.f32 v2, v1;
	_ =	sdelay $0x1  }
0x6e: {  	v1 =	vmax.f32 v1, $0.0e+00  }
0x6f: {  	v1 =	vmul.f32 v1, v4;
	_ =	sdelay $0x1  }
0x70: {  	[tilespmem:s7+$0x5C00] =	vst v1  }
0x71: {  	[spmem:s11] =	stream.linear.scatter [tilespmem:s16], [sflag:$0x9], $0x2800, $0x38;
	[tilespmem:$0x12410] =	vst v63  }
0x72: {  	_ =	swait.ge [sflag:s17], $0x2800  }
0x73: {  	[sflag:s17] =	ssyncset.done $0x0  }
0x74: {  	s7 =	simm.s32 @p0 $0x9;
	[sflag:s17] =	ssyncadd.s32 $0xFFFFD800  }
0x75: {  	[spmem:s23], [sflag:s22] =	dma.local @p0 [hbm:s13], $0x500  }
0x76: {  	_ =	swait.ge @p0 [sflag:s7], $0x500  }
0x77: {  	[sflag:s7] =	ssyncset.done @p0 $0x0  }
0x78: {  	[sflag:s7] =	ssyncadd.s32 @p0 $0xFFFFFB00;
	s7 =	simm.s32 @!p0 $0x5C00  }
0x79: {  	[spmem:s12] =	stream.linear.scatter @!p0 [tilespmem:s7], [sflag:$0x9], $0x2800, $0x38;
	[tilespmem:$0x12410] =	vst v63  }
0x7a: {  	s7 =	simm.s32 @!p0 $0x9  }
0x7b: {  	_ =	swait.ge @!p0 [sflag:s7], $0x2800  }
0x7c: {  	[sflag:s7] =	ssyncset.done @!p0 $0x0  }
0x7d: {  	[sflag:s7] =	ssyncadd.s32 @!p0 $0xFFFFD800  }
0x7e: {  	s8 =	simm.s32 $0x0;
	[bflag:$0x0] =	sbarrier.arrive $0xFFFF  }
0x7f: {  	[tilespmem:s25], [sflag:$0x1] =	stream.indirect.gather [spmem:s3], $0x10, s8, s24, $0xb8;
	[tilespmem:$0x12410] =	vst v63  }
0x80: {  	_ = 	snop  }
0x81: {  	[tilespmem:s26], [sflag:$0x2] =	stream.indirect.gather [spmem:s3], $0x10, s24, s24, $0xb8;
	[tilespmem:$0x12410] =	vst v63  }
0x82: {  	s9 =	simm.s32 $0x100  }
0x83: {  	[tilespmem:s29], [sflag:$0x3] =	stream.indirect.gather [spmem:s3], $0x10, s9, s24, $0xb8;
	[tilespmem:$0x12410] =	vst v63  }
0x84: {  	s8 =	simm.s32 $0x180  }
0x85: {  	[tilespmem:s31], [sflag:$0x4] =	stream.indirect.gather [spmem:s3], $0x10, s8, s24, $0xb8;
	[tilespmem:$0x12410] =	vst v63  }
0x86: {  	_ =	swait.ge [sflag:s2], $0x800  }
0x87: {  	[sflag:s2] =	ssyncset.done $0x0  }
0x88: {  	s9 =	simm.s32 $0x2800;
	[sflag:s2] =	ssyncadd.s32 $0xFFFFF800  }
0x89: {  	[spmem:s4] =	stream.indirect.scatter.add.f32 [tilespmem:s25], [sflag:$0x5], $0x10, s9, s24, $0xb8;
	[tilespmem:$0x12410] =	vst v63  }
0x8a: {  	_ =	swait.ge [sflag:s0], $0x800  }
0x8b: {  	[sflag:s0] =	ssyncset.done $0x0  }
0x8c: {  	s8 =	simm.s32 $0x2880;
	[sflag:s0] =	ssyncadd.s32 $0xFFFFF800  }
0x8d: {  	[spmem:s4] =	stream.indirect.scatter.add.f32 [tilespmem:s26], [sflag:$0x6], $0x10, s8, s24, $0xb8;
	[tilespmem:$0x12410] =	vst v63  }
0x8e: {  	_ =	swait.ge [sflag:s1], $0x800  }
0x8f: {  	[sflag:s1] =	ssyncset.done $0x0  }
0x90: {  	s9 =	simm.s32 $0x2900;
	[sflag:s1] =	ssyncadd.s32 $0xFFFFF800  }
0x91: {  	[spmem:s4] =	stream.indirect.scatter.add.f32 [tilespmem:s29], [sflag:$0x7], $0x10, s9, s24, $0xb8;
	[tilespmem:$0x12410] =	vst v63  }
0x92: {  	_ =	swait.ge [sflag:s19], $0x800  }
0x93: {  	[sflag:s19] =	ssyncset.done $0x0  }
0x94: {  	s8 =	simm.s32 $0x2980;
	[sflag:s19] =	ssyncadd.s32 $0xFFFFF800  }
0x95: {  	[spmem:s4] =	stream.indirect.scatter.add.f32 [tilespmem:s31], [sflag:$0x8], $0x10, s8, s24, $0xb8;
	[tilespmem:$0x12410] =	vst v63  }
0x96: {  	_ =	swait.ge [sflag:s20], $0x800  }
0x97: {  	[sflag:s20] =	ssyncset.done $0x0  }
0x98: {  	s9 =	simm.s32 $0x200;
	[sflag:s20] =	ssyncadd.s32 $0xFFFFF800  }
0x99: {  	[tilespmem:s25], [sflag:$0x1] =	stream.indirect.gather [spmem:s3], $0x10, s9, s24, $0xb8;
	[tilespmem:$0x12410] =	vst v63  }
0x9a: {  	_ =	swait.ge [sflag:s21], $0x800  }
0x9b: {  	[sflag:s21] =	ssyncset.done $0x0  }
0x9c: {  	s8 =	simm.s32 $0x280;
	[sflag:s21] =	ssyncadd.s32 $0xFFFFF800  }
0x9d: {  	[tilespmem:s26], [sflag:$0x2] =	stream.indirect.gather [spmem:s3], $0x10, s8, s24, $0xb8;
	[tilespmem:$0x12410] =	vst v63  }
0x9e: {  	_ =	swait.ge [sflag:s28], $0x800  }
0x9f: {  	[sflag:s28] =	ssyncset.done $0x0  }
0xa0: {  	s9 =	simm.s32 $0x300;
	[sflag:s28] =	ssyncadd.s32 $0xFFFFF800  }
0xa1: {  	[tilespmem:s29], [sflag:$0x3] =	stream.indirect.gather [spmem:s3], $0x10, s9, s24, $0xb8;
	[tilespmem:$0x12410] =	vst v63  }
0xa2: {  	_ =	swait.ge [sflag:s30], $0x800  }
0xa3: {  	[sflag:s30] =	ssyncset.done $0x0  }
0xa4: {  	s7 =	simm.s32 $0x800;
	s8 =	simm.s32 $0x380;
	[sflag:s30] =	ssyncadd.s32 $0xFFFFF800  }
.LBB2_6:
0xa5: {  	[tilespmem:s31], [sflag:$0x4] =	stream.indirect.gather [spmem:s3], $0x10, s8, s24, $0xb8;
	[tilespmem:$0x12410] =	vst v63  }
0xa6: {  	s8 =	smov.u32 s7  }
0xa7: {  	p1 =	sne.s32 s7, $0x4000;
	s7 =	sadd.s32 $0x800, s7;
	_ =	swait.ge [sflag:s2], $0x800  }
0xa8: {  	s8 =	sshra.s32 s8, $0x2;
	[sflag:s2] =	ssyncset.done $0x0  }
0xa9: {  	s9 =	sadd.s32 $0x2800, s8;
	[sflag:s2] =	ssyncadd.s32 $0xFFFFF800  }
0xaa: {  	[spmem:s4] =	stream.indirect.scatter.add.f32 [tilespmem:s25], [sflag:$0x5], $0x10, s9, s24, $0xb8;
	[tilespmem:$0x12410] =	vst v63  }
0xab: {  	_ =	swait.ge [sflag:s0], $0x800  }
0xac: {  	[sflag:s0] =	ssyncset.done $0x0  }
0xad: {  	s9 =	sadd.s32 $0x2880, s8;
	[sflag:s0] =	ssyncadd.s32 $0xFFFFF800  }
0xae: {  	[spmem:s4] =	stream.indirect.scatter.add.f32 [tilespmem:s26], [sflag:$0x6], $0x10, s9, s24, $0xb8;
	[tilespmem:$0x12410] =	vst v63  }
0xaf: {  	_ =	swait.ge [sflag:s1], $0x800  }
0xb0: {  	[sflag:s1] =	ssyncset.done $0x0  }
0xb1: {  	s9 =	sadd.s32 $0x2900, s8;
	[sflag:s1] =	ssyncadd.s32 $0xFFFFF800  }
0xb2: {  	[spmem:s4] =	stream.indirect.scatter.add.f32 [tilespmem:s29], [sflag:$0x7], $0x10, s9, s24, $0xb8;
	[tilespmem:$0x12410] =	vst v63  }
0xb3: {  	_ =	swait.ge [sflag:s19], $0x800  }
0xb4: {  	[sflag:s19] =	ssyncset.done $0x0  }
0xb5: {  	s9 =	sadd.s32 $0x2980, s8;
	[sflag:s19] =	ssyncadd.s32 $0xFFFFF800  }
0xb6: {  	[spmem:s4] =	stream.indirect.scatter.add.f32 [tilespmem:s31], [sflag:$0x8], $0x10, s9, s24, $0xb8;
	[tilespmem:$0x12410] =	vst v63  }
0xb7: {  	_ =	swait.ge [sflag:s20], $0x800  }
0xb8: {  	[sflag:s20] =	ssyncset.done $0x0  }
0xb9: {  	s9 =	sadd.s32 $0x200, s8;
	[sflag:s20] =	ssyncadd.s32 $0xFFFFF800  }
0xba: {  	[tilespmem:s25], [sflag:$0x1] =	stream.indirect.gather [spmem:s3], $0x10, s9, s24, $0xb8;
	[tilespmem:$0x12410] =	vst v63  }
0xbb: {  	_ =	swait.ge [sflag:s21], $0x800  }
0xbc: {  	[sflag:s21] =	ssyncset.done $0x0  }
0xbd: {  	s9 =	sadd.s32 $0x280, s8;
	[sflag:s21] =	ssyncadd.s32 $0xFFFFF800  }
0xbe: {  	[tilespmem:s26], [sflag:$0x2] =	stream.indirect.gather [spmem:s3], $0x10, s9, s24, $0xb8;
	[tilespmem:$0x12410] =	vst v63  }
0xbf: {  	_ =	swait.ge [sflag:s28], $0x800  }
0xc0: {  	[sflag:s28] =	ssyncset.done $0x0  }
.Ltmp2:
0xc1: {  	s9 =	sadd.s32 $0x300, s8;
	[sflag:s28] =	ssyncadd.s32 $0xFFFFF800;
	(pc) =	sbr.rel @p1 .LBB2_6-.Ltmp2, $4  }
0xc2: {  	[tilespmem:s29], [sflag:$0x3] =	stream.indirect.gather [spmem:s3], $0x10, s9, s24, $0xb8;
	[tilespmem:$0x12410] =	vst v63  }
0xc3: {  	_ =	swait.ge [sflag:s30], $0x800  }
0xc4: {  	[sflag:s30] =	ssyncset.done $0x0  }
0xc5: {  	s8 =	sadd.s32 $0x380, s8;
	[sflag:s30] =	ssyncadd.s32 $0xFFFFF800  }
0xc6: {  	[tilespmem:s31], [sflag:$0x4] =	stream.indirect.gather [spmem:s3], $0x10, s8, s24, $0xb8;
	[tilespmem:$0x12410] =	vst v63  }
0xc7: {  	_ =	swait.ge [sflag:s2], $0x800  }
0xc8: {  	[sflag:s2] =	ssyncset.done $0x0  }
0xc9: {  	s7 =	simm.s32 $0x3A00;
	[sflag:s2] =	ssyncadd.s32 $0xFFFFF800  }
0xca: {  	[spmem:s4] =	stream.indirect.scatter.add.f32 [tilespmem:s25], [sflag:$0x5], $0x10, s7, s24, $0xb8;
	[tilespmem:$0x12410] =	vst v63  }
0xcb: {  	_ =	swait.ge [sflag:s0], $0x800  }
0xcc: {  	[sflag:s0] =	ssyncset.done $0x0  }
0xcd: {  	s9 =	simm.s32 $0x3A80;
	[sflag:s0] =	ssyncadd.s32 $0xFFFFF800  }
0xce: {  	[spmem:s4] =	stream.indirect.scatter.add.f32 [tilespmem:s26], [sflag:$0x6], $0x10, s9, s24, $0xb8;
	[tilespmem:$0x12410] =	vst v63  }
0xcf: {  	_ =	swait.ge [sflag:s1], $0x800  }
0xd0: {  	[sflag:s1] =	ssyncset.done $0x0  }
0xd1: {  	s8 =	simm.s32 $0x3B00;
	[sflag:s1] =	ssyncadd.s32 $0xFFFFF800  }
0xd2: {  	[spmem:s4] =	stream.indirect.scatter.add.f32 [tilespmem:s29], [sflag:$0x7], $0x10, s8, s24, $0xb8;
	[tilespmem:$0x12410] =	vst v63  }
0xd3: {  	_ =	swait.ge [sflag:s19], $0x800  }
0xd4: {  	[sflag:s19] =	ssyncset.done $0x0  }
0xd5: {  	s9 =	simm.s32 $0x3B80;
	[sflag:s19] =	ssyncadd.s32 $0xFFFFF800  }
0xd6: {  	[spmem:s4] =	stream.indirect.scatter.add.f32 [tilespmem:s31], [sflag:$0x8], $0x10, s9, s24, $0xb8;
	[tilespmem:$0x12410] =	vst v63  }
0xd7: {  	_ =	swait.ge [sflag:s20], $0x800  }
0xd8: {  	[sflag:s20] =	ssyncset.done $0x0  }
0xd9: {  	[sflag:s20] =	ssyncadd.s32 $0xFFFFF800  }
0xda: {  	_ =	swait.ge [sflag:s21], $0x800  }
0xdb: {  	[sflag:s21] =	ssyncset.done $0x0  }
0xdc: {  	[sflag:s21] =	ssyncadd.s32 $0xFFFFF800  }
0xdd: {  	_ =	swait.ge [sflag:s28], $0x800  }
0xde: {  	[sflag:s28] =	ssyncset.done $0x0  }
0xdf: {  	[sflag:s28] =	ssyncadd.s32 $0xFFFFF800  }
0xe0: {  	_ =	swait.ge [sflag:s30], $0x800  }
0xe1: {  	[sflag:s30] =	ssyncset.done $0x0  }
0xe2: {  	[sflag:s30] =	ssyncadd.s32 $0xFFFFF800  }
0xe3: {  	[bflag:$0x0] =	sbarrier.arrive $0xFFFF  }
0xe4: {  	[tilespmem:s18], [sflag:$0x9] =	stream.linear.gather [spmem:s12], $0x2800, $0x38;
	[tilespmem:$0x12410] =	vst v63  }
0xe5: {  	_ =	swait.ge [sflag:s17], $0x2800  }
0xe6: {  	[sflag:s17] =	ssyncset.done $0x0  }
0xe7: {  	s7 =	simm.s32 $0x0;
	[sflag:s17] =	ssyncadd.s32 $0xFFFFD800  }
0xe8: {  	s8 =	simm.s32 $0x40;
	v1 =	vld [tilespmem:s7+$0xAC00]  }
.LBB2_8:
0xe9: {  	p1 =	sne.s32 s8, $0x9FC0;
	v2 =	vld [tilespmem:s7+$0x8400];
	_ =	sdelay $0x2  }
.Ltmp3:
0xea: {  	(pc) =	sbr.rel @p1 .LBB2_8-.Ltmp3, $4  }
0xeb: {  	_ = 	snop  }
0xec: {  	v2 =	vmul.f32 v1, v2  }
0xed: {  	s9 =	sshra.s32 s8, $0x2  }
0xee: {  	s8 =	sadd.s32 $0x40, s8;
	v1 =	vld [tilespmem:s9+$0xAC00];
	[tilespmem:s7+$0x8400] =	vst v2;
	s7 =	smov.u32 s9  }
0xef: {  	v2 =	vld [tilespmem:s7+$0x8400];
	_ =	sdelay $0x4  }
0xf0: {  	s6 =	sadd.s32 $0x1, s6;
	v1 =	vmul.f32 v1, v2  }
0xf1: {  	p1 =	sne.s32 s6, s15  }
.Ltmp4:
0xf2: {  	[tilespmem:s7+$0x8400] =	vst v1;
	(pc) =	sbr.rel @p1 .LBB2_1-.Ltmp4, $4  }
0xf3: {  	[hbm4b:s14+s5] =	stream.linear.scatter [tilespmem:s18], [sflag:$0x9], $0x2800, $0x38;
	[tilespmem:$0x12410] =	vst v63  }
0xf4: {  	_ =	swait.ge [sflag:s17], $0x2800  }
0xf5: {  	[sflag:s17] =	ssyncset.done $0x0  }
0xf6: {  	[sflag:s17] =	ssyncadd.s32 $0xFFFFD800  }
0xf7: {  	_ =	sfence.sel $0x180000  }
0xf8: {  	[bflag:$0x0] =	sbarrier.arrive $0xFFFF  }
0xf9: {  	_ =	strace $0x9000004D  }
0xfa: {  	s0 =	stileid.u32;
	[bflag:$0x2] =	sbarrier.arrive $0xFFFF  }
0xfb: {  	p0 =	sne.s32 s0, $0x0;
	s0 =	rddreg [dreg:$0x4]  }
0xfc: {  	s0 =	sadd.s32 @!p0 $0x100000, s0  }
0xfd: {  	[sflag:s0] =	ssyncadd.tile.s32 @!p0 $0x1;
	_ =	shalt  }
.Lfunc_end2:
_tile_overlayer_lowered:
.L_overlay_start_2:
0xfe: {  	(tag) =	ssettag $0x2  }
0xff: {  	s0 =	rddreg [dreg:$0x0];
	s2 =	stileid.u32  }
0x100: {  	s1 =	rddreg [dreg:$0x1];
	p0 =	sne.s32 s2, $0x0  }
0x101: {  	s3 =	rddreg [dreg:$0x2];
	[bflag:$0x3] =	sbarrier.arrive $0xFFFF;
	s2 =	simm.s32 @!p0 $0x1C09  }
0x102: {  	[timem:s3], [sflag:s2] =	dma.local @!p0 [hbm:s0], s1  }
0x103: {  	s0 =	simm.s32 @!p0 $0x9  }
0x104: {  	_ =	swait.ge @!p0 [sflag:s0], s1  }
0x105: {  	s1 =	ssub.s32 @!p0 $0x0, s1;
	[sflag:s0] =	ssyncset.done @!p0 $0x0  }
0x106: {  	[sflag:s0] =	ssyncadd.s32 @!p0 s1  }
0x107: {  	[bflag:$0x3] =	sbarrier.arrive $0xFFFF  }
0x108: {  	_ =	shalt  }

// kernel: kernel.7.cloned.1.call-start
scs
__scs_entry_jumppad:
0x0: {  	(pc) =	sbr.rel $0x88, $3  }
0x1: {  	(tag) =	ssettag $0x0;
	lr =	simm.s32 $0x1  }
0x2: {  	[smem:$0x3F9B] =	sst lr;
	_ =	strace $0xD0000000  }
0x3: {  	_ = 	snop  }
0x4: {  	_ = 	snop  }
0x5: {  	_ = 	snop  }
0x6: {  	_ = 	snop  }
0x7: {  	_ = 	snop  }
__scs_overlays_trampoline_lowered:
0x8: {  	[smem:$0x3FAA] =	sst s0  }
0x9: {  	[smem:$0x3FAB] =	sst s1  }
0xa: {  	[smem:$0x3FAC] =	sst s2  }
0xb: {  	[smem:$0x3FAD] =	sst s3  }
0xc: {  	[smem:$0x3FAE] =	sst s4  }
0xd: {  	[smem:$0x3FAF] =	sst s5  }
0xe: {  	[smem:$0x3FB0] =	sst s6  }
0xf: {  	[smem:$0x3FB1] =	sst s7  }
0x10: {  	[smem:$0x3FB2] =	sst s8  }
0x11: {  	[smem:$0x3FB3] =	sst s9;
	s0 =	simm.s32 @!p0 $0x0  }
0x12: {  	s1 =	sld [smem:$0x3F99];
	s0 =	simm.s32 @p0 $0x1  }
0x13: {  	[smem:$0x3FB4] =	sst s0;
	s0 =	simm.s32 @!p1 $0x0  }
0x14: {  	s2 =	sld [smem:$0x3F98];
	s0 =	simm.s32 @p1 $0x1  }
0x15: {  	[smem:$0x3FB5] =	sst s0;
	s0 =	simm.s32 @!p2 $0x0  }
0x16: {  	s3 =	sld [smem:$0x3FDB];
	s0 =	simm.s32 @p2 $0x1  }
0x17: {  	s4 =	simm.s32 $0x1BF5;
	[smem:$0x3FB7] =	sst s0  }
0x18: {  	s0 =	sld [smem:$0x3F9A];
	_ =	swait.ge [sflag:s4], $0x0  }
0x19: {  	s7 =	sld [smem:$0x3F9B]  }
0x1a: {  	s8 =	sadd.s32 $0xFFFFE003, lr  }
0x1b: {  	s9 =	sadd.s32 $0xFFFFFEF7, lr;
	s5 =	simm.s32 $0xFFFFFFFF;
	p2 =	slt.u32 s8, $0xFFFFF086  }
0x1c: {  	p1 =	slt.u32 s9, $0xF7A;
	s5 =	simm.s32 @!p2 $0x0  }
0x1d: {  	s5 =	simm.s32 @p1 $0x1;
	p0 =	seq.s32 s7, s2  }
0x1e: {  	s7 =	smul.u32 @!p0 $0xF7A, s2;
	p2 =	seq.s32 @!p0 s5, $0x0  }
0x1f: {  	s9 =	smul.u32 $0xF7A, s1;
	s8 =	simm.s32 @!p0 $0x1BF5;
	p2 =	por !p2, p0  }
0x20: {  	[sflag:s8] =	ssyncset.s32 @!p0 $0xFFFFF086;
	s6 =	sadd.s32 @!p0 s3, s7;
	s7 =	simm.s32 @!p0 $0x108  }
0x21: {  	s3 =	sadd.s32 s3, s9;
	s6 =	sadd.s32 @!p0 $0x88, s6;
	s7 =	simm.s32 @p2 $0x1082  }
0x22: {  	[simem:s7], [sflag:s8] =	dma.local @!p0 [hbm:s6], $0xF7A  }
0x23: {  	s9 =	sor.u32 $0xD0000000, s2;
	s6 =	simm.s32 $0x108;
	_ =	swait.ge @!p0 [sflag:s8], $0x0  }
0x24: {  	s3 =	sadd.s32 $0x88, s3;
	s6 =	simm.s32 @!p1 $0x1082;
	[sflag:s4] =	ssyncset.s32 $0xFFFFF086  }
0x25: {  	[simem:s6], [sflag:s4] =	dma.local [hbm:s3], $0xF7A  }
0x26: {  	[smem:$0x3F9B] =	sst s1;
	(tag) =	ssettag s2;
	_ =	strace s9  }
0x27: {  	s1 =	sld [smem:$0x3FAB]  }
0x28: {  	s2 =	sld [smem:$0x3FAC]  }
0x29: {  	s4 =	sld [smem:$0x3FAE]  }
0x2a: {  	p0 =	seq.s32 s5, $0x0;
	s5 =	sld [smem:$0x3FAF]  }
0x2b: {  	s6 =	sld [smem:$0x3FB0]  }
0x2c: {  	s7 =	sld [smem:$0x3FB1]  }
0x2d: {  	s3 =	simm.s32 $0x108;
	s8 =	sld [smem:$0x3FB2]  }
0x2e: {  	s3 =	simm.s32 @!p0 $0x1082;
	s9 =	sld [smem:$0x3FB3]  }
0x2f: {  	lr =	sadd.s32 s0, s3;
	s0 =	sld [smem:$0x3FAA]  }
0x30: {  	s3 =	sld [smem:$0x3FAD]  }
0x31: {  	[smem:$0x3FB6] =	sst s10  }
0x32: {  	s10 =	sld [smem:$0x3FB4];
	_ =	sdelay $0x3  }
0x33: {  	p0 =	seq.s32 s10, $0x1;
	s10 =	sld [smem:$0x3FB6];
	_ =	sdelay $0x3  }
0x34: {  	[smem:$0x3FB6] =	sst s10  }
0x35: {  	s10 =	sld [smem:$0x3FB5];
	_ =	sdelay $0x3  }
0x36: {  	p1 =	seq.s32 s10, $0x1;
	s10 =	sld [smem:$0x3FB6];
	_ =	sdelay $0x3  }
0x37: {  	[smem:$0x3FB6] =	sst s10  }
0x38: {  	s10 =	sld [smem:$0x3FB7]  }
0x39: {  	_ = 	snop;
	(pc) =	sbr.ind lr, $3  }
0x3a: {  	_ = 	snop  }
0x3b: {  	_ = 	snop  }
0x3c: {  	p2 =	seq.s32 s10, $0x1;
	s10 =	sld [smem:$0x3FB6]  }
0x3d: {  	_ =	shalt  }
0x3e: {  	_ =	shalt  }
0x3f: {  	_ =	shalt  }
0x40: {  	_ =	shalt  }
0x41: {  	_ =	shalt  }
0x42: {  	_ =	shalt  }
0x43: {  	_ =	shalt  }
0x44: {  	_ =	shalt  }
0x45: {  	_ =	shalt  }
0x46: {  	_ =	shalt  }
0x47: {  	_ =	shalt  }
0x48: {  	_ =	shalt  }
0x49: {  	_ =	shalt  }
0x4a: {  	_ =	shalt  }
0x4b: {  	_ =	shalt  }
0x4c: {  	_ =	shalt  }
0x4d: {  	_ =	shalt  }
0x4e: {  	_ =	shalt  }
0x4f: {  	_ =	shalt  }
0x50: {  	_ =	shalt  }
0x51: {  	_ =	shalt  }
0x52: {  	_ =	shalt  }
0x53: {  	_ =	shalt  }
0x54: {  	_ =	shalt  }
0x55: {  	_ =	shalt  }
0x56: {  	_ =	shalt  }
0x57: {  	_ =	shalt  }
0x58: {  	_ =	shalt  }
0x59: {  	_ =	shalt  }
0x5a: {  	_ =	shalt  }
0x5b: {  	_ =	shalt  }
0x5c: {  	_ =	shalt  }
0x5d: {  	_ =	shalt  }
0x5e: {  	_ =	shalt  }
0x5f: {  	_ =	shalt  }
0x60: {  	_ =	shalt  }
0x61: {  	_ =	shalt  }
0x62: {  	_ =	shalt  }
0x63: {  	_ =	shalt  }
0x64: {  	_ =	shalt  }
0x65: {  	_ =	shalt  }
0x66: {  	_ =	shalt  }
0x67: {  	_ =	shalt  }
0x68: {  	_ =	shalt  }
0x69: {  	_ =	shalt  }
0x6a: {  	_ =	shalt  }
0x6b: {  	_ =	shalt  }
0x6c: {  	_ =	shalt  }
0x6d: {  	_ =	shalt  }
0x6e: {  	_ =	shalt  }
0x6f: {  	_ =	shalt  }
0x70: {  	_ =	shalt  }
0x71: {  	_ =	shalt  }
0x72: {  	_ =	shalt  }
0x73: {  	_ =	shalt  }
0x74: {  	_ =	shalt  }
0x75: {  	_ =	shalt  }
0x76: {  	_ =	shalt  }
0x77: {  	_ =	shalt  }
0x78: {  	_ =	shalt  }
0x79: {  	_ =	shalt  }
0x7a: {  	_ =	shalt  }
0x7b: {  	_ =	shalt  }
0x7c: {  	_ =	shalt  }
0x7d: {  	_ =	shalt  }
0x7e: {  	_ =	shalt  }
0x7f: {  	_ =	shalt  }
0x80: {  	_ =	shalt  }
0x81: {  	_ =	shalt  }
0x82: {  	_ =	shalt  }
0x83: {  	_ =	shalt  }
0x84: {  	_ =	shalt  }
0x85: {  	_ =	shalt  }
0x86: {  	_ =	shalt  }
0x87: {  	_ =	shalt  }
.Lfunc_end0:
.L_simem_size_0:
called_computation_lowered:
.L_overlay_start_0:
0x88: {  	s2 =	sld [smem:$0x3FD9]  }
0x89: {  	s3 =	sld [smem:$0x3FFE];
	_ =	sdelay $0x1  }
0x8a: {  	s1 =	srdreg.scid  }
0x8b: {  	s0 =	sand.u32 $0x1, s1  }
0x8c: {  	s16 =	sshll.u32 s0, $0xA;
	s2 =	sadd.s32 s3, s2  }
0x8d: {  	s2 =	sadd.s32 s2, s16  }
0x8e: {  	[smem:$0x3FC2] =	sst s2  }
0x8f: {  	_ = 	snop  }
0x90: {  	(tm) =	ssettm $0x1  }
0x91: {  	s17 =	sld [smem:$0x3FFB];
	_ =	sdelay $0x3  }
0x92: {  	_ =	strace s17  }
0x93: {  	s2 =	sld [smem:$0x3FFC];
	_ =	sdelay $0x3  }
0x94: {  	_ =	strace s2  }
0x95: {  	s2 =	sld [smem:$0x3FFD];
	_ =	sdelay $0x3  }
0x96: {  	_ =	strace s2  }
0x97: {  	_ =	strace $0x8FFFFFFF  }
0x98: {  	s18 =	sld [smem:$0x3FDB];
	_ =	sdelay $0x1  }
0x99: {  	s19 =	simm.s32 $_scs_section_size  }
0x9a: {  	s4 =	simm.s32 $_size__tile_overlayer_lowered;
	s5 =	simm.s32 $_tile_overlayer_lowered  }
0x9b: {  	s22 =	simm.s32 $0x1BFF;
	s21 =	sshll.u32 s5, $0x1;
	s2 =	sadd.s32 s19, s18  }
0x9c: {  	s6 =	simm.s32 $0x0;
	s20 =	sshll.u32 s4, $0x1;
	s4 =	sadd.s32 s21, s2  }
0x9d: {  	[timem:s6], [sflag:s22] =	dma.local [hbm:s4], s20  }
0x9e: {  	_ =	swait.ge [sflag:s22], s20  }
0x9f: {  	s3 =	ssub.s32 $0x0, s20;
	[sflag:s22] =	ssyncset.done $0x0  }
0xa0: {  	[sflag:s22] =	ssyncadd.s32 s3;
	_ =	sdelay $0x1  }
0xa1: {  	s23 =	simm.s32 $0x1B8B  }
0xa2: {  	_ =	swait.ge [sflag:s23], $0x1  }
0xa3: {  	[sflag:s23] =	ssyncset.done $0x0  }
0xa4: {  	s25 =	simm.s32 $0x1B8E;
	s24 =	sld [smem:$0x3FFE];
	[sflag:s23] =	ssyncadd.s32 $0xFFFFFFFF  }
0xa5: {  	s26 =	simm.s32 $execute0_lowered;
	[smem:$0x3FD2] =	sst s25  }
0xa6: {  	s4 =	sshll.u32 s26, $0x1;
	_ =	strace $0x80000046;
	[dreg:$0x1] =	wrdreg $0xFFFFFFFF  }
0xa7: {  	s28 =	simm.s32 $_size_execute0_lowered;
	s2 =	sadd.s32 s2, s4;
	[dreg:$0x0] =	wrdreg $0x0  }
0xa8: {  	s4 =	sshll.u32 s28, $0x1;
	[dreg:$0x2] =	wrdreg s2  }
0xa9: {  	[dreg:$0x3] =	wrdreg s4  }
0xaa: {  	[dreg:$0x4] =	wrdreg $0xC0  }
0xab: {  	_ =	task [dreg:s6], $0x5FFFF  }
0xac: {  	[dreg:$0x1] =	wrdreg $0xFFFFFFFF  }
0xad: {  	[dreg:$0x0] =	wrdreg $0x60  }
0xae: {  	[dreg:$0x2] =	wrdreg s24  }
0xaf: {  	[dreg:$0x3] =	wrdreg $0x9F100  }
0xb0: {  	[dreg:$0x4] =	wrdreg $0x9  }
0xb1: {  	_ =	task.clear_ibuf [dreg:s6], $0x5FFFF;
	_ =	strace $0x90000046  }
0xb2: {  	s29 =	simm.s32 $0x9;
	_ =	strace $0x80000048  }
0xb3: {  	_ =	swait.ge [sflag:s29], $0x1  }
0xb4: {  	[sflag:s29] =	ssyncadd.s32 $0xFFFFFFFF  }
0xb5: {  	_ =	strace $0x90000048  }
0xb6: {  	_ =	sfence  }
0xb7: {  	s30 =	sld [smem:$0x0];
	_ =	sdelay $0x2  }
0xb8: {  	s31 =	sshll.u32 s1, $0xD;
	s1 =	sshrl.u32 s1, $0x2  }
0xb9: {  	s3 =	sand.u32 $0x4000, s31;
	s1 =	sadd.s32 s1, s30  }
0xba: {  	s0 =	sor.u32 s3, s0;
	s1 =	sshll.u32 s1, $0x11  }
0xbb: {  	s0 =	sor.u32 s1, s0  }
0xbc: {  	s0 =	sadd.s32 $0x8F2B, s0  }
0xbd: {  	[sflag:s0] =	ssyncadd.remote.s32 $0x1  }
0xbe: {  	_ =	sfence.sel $0xFFFF  }
0xbf: {  	[dreg:$0x0] =	wrdreg $0xFFFFFFFF;
	(pc) =	sbr.abs _section_cstart, $3  }
0xc0: {  	[dreg:$0x1] =	wrdreg $0xFFFFFFFF  }
0xc1: {  	_ =	task.clear_ibuf [dreg:s6], $0x2FFFF;
	_ =	strace $0x9FFFFFFF  }
0xc2: {  	(tm) =	ssettm $0x7FFFFFFF  }
0xc3: {  	_ =	shalt  }
tec
execute0_lowered:
.L_overlay_start_1:
0x0: {  	(tag) =	ssettag $0x1  }
0x1: {  	s3 =	rddreg [dreg:$0x0]  }
0x2: {  	s5 =	rddreg [dreg:$0x1];
	s1 =	stileid.u32  }
0x3: {  	s0 =	rddreg [dreg:$0x2];
	s2 =	simm.s32 $0x0;
	s4 =	smul.u32 $0x500, s1  }
0x4: {  	s6 =	srdreg.scid;
	s11 =	simm.s32 $0x2800;
	s7 =	smul.u32 $0x2710, s1  }
0x5: {  	s12 =	simm.s32 $0x4F10;
	s13 =	simm.s32 $0x0;
	s9 =	smul.u32 $0xA000, s1  }
0x6: {  	[smem:$0x7FF] =	sst s2;
	s6 =	sand.u32 $0x1, s6;
	s30 =	smul.u32 $0xA00, s1  }
0x7: {  	p2 =	slt.u32 s1, $0x8;
	_ =	strace $0x80000047;
	s29 =	ssub.s32 $0x2, s6  }
0x8: {  	v0 =	vimm.f32 $0.0e+00;
	v1 =	vimm.f32 $1.000000000e+00;
	v2 =	vimm.s32 $0x1;
	p1 =	seq.s32 s6, $0x1;
	s8 =	sadd.s32 s4, s3;
	s7 =	sshrl.u32 s7, $0x3  }
0x9: {  	v3 =	vimm.s32 $0x0;
	v4 =	vimm.s32 $0x2;
	v5 =	vimm.s32 $0x3;
	s10 =	sshrl.u32 s29, $0x1;
	s31 =	sshrl.u32 s9, $0x2;
	p0 =	por !p1, !p1  }
0xa: {  	v6 =	vimm.s32 $0x4;
	v7 =	vimm.s32 $0x5;
	v8 =	vimm.s32 $0x6;
	s9 =	simm.s32 $0x2710;
	s3 =	sadd.s32 s3, s7;
	s10 =	ssub.s32 s29, s10  }
0xb: {  	v9 =	vimm.s32 $0x7;
	v10 =	vimm.s32 $0x8;
	v11 =	vimm.s32 $0x9;
	s4 =	sadd.s32 s31, s5;
	s7 =	sshrl.u32 s30, $0x2;
	p0 =	por @!p2 p1, p1  }
0xc: {  	v12 =	vimm.s32 $0xA;
	v13 =	vimm.s32 $0xB;
	v14 =	vimm.s32 $0xC;
	s6 =	sadd.s32 $0xB200, s8;
	s8 =	simm.s32 $0x1;
	s3 =	sadd.s32 $0x6220, s3  }
0xd: {  	v15 =	vimm.s32 $0xD;
	v16 =	vimm.s32 $0xE;
	v17 =	vimm.s32 $0xF;
	s5 =	sadd.s32 s7, s5;
	s7 =	smax.u32 s10, $0x1;
	s10 =	simm.s32 $0x280  }
.LBB2_1:
0xe: {  	[tilespmem:s2], [sflag:$0x1] =	stream.linear.gather [hbm4b:s3+s2], $0x2710, $0x38;
	[tilespmem:$0xC710] =	vst v63  }
0xf: {  	_ =	swait.ge [sflag:s8], $0x2710  }
0x10: {  	[sflag:s8] =	ssyncset.done $0x0  }
0x11: {  	s14 =	simm.s32 $0x0;
	[sflag:s8] =	ssyncadd.s32 $0xFFFFD8F0  }
.LBB2_2:
0x12: {  	p1 =	sne.s32 s14, $0x9FC0  }
.Ltmp0:
0x13: {  	_ = 	snop;
	(pc) =	sbr.rel @p1 .LBB2_2-.Ltmp0, $3  }
0x14: {  	_ =	sdelay $0x1  }
0x15: {  	s15 =	sshra.s32 s14, $0x2  }
0x16: {  	s14 =	sadd.s32 $0x40, s14;
	[tilespmem:s15+$0x2710] =	vst v0  }
0x17: {  	s15 =	simm.s32 $0x0;
	s14 =	simm.s32 $0x40  }
.LBB2_4:
0x18: {  	p1 =	sne.s32 s14, $0x9C00;
	v18 =	vld [tilespmem:s15+$0x0];
	_ =	sdelay $0x3  }
.Ltmp1:
0x19: {  	(pc) =	sbr.rel @p1 .LBB2_4-.Ltmp1, $2  }
0x1a: {  	_ =	sdelay $0x2  }
0x1b: {  	s15 =	sshra.s32 s14, $0x2;
	s14 =	sadd.s32 $0x40, s14;
	[tilespmem:v18+s9+$0x0] =	vst.idx.add.f32.msk $0xffff, v1  }
0x1c: {  	v18 =	vld [tilespmem:s15+$0x0];
	_ =	sdelay $0x7  }
0x1d: {  	[tilespmem:v18+s9+$0x0] =	vst.idx.add.f32.msk $0xffff, v1  }
0x1e: {  	[spmem:s4] =	stream.linear.scatter [tilespmem:s9], [sflag:$0x1], $0x2800, $0x38;
	[tilespmem:$0xC710] =	vst v63  }
0x1f: {  	_ =	swait.ge [sflag:s8], $0x2800  }
0x20: {  	[sflag:s8] =	ssyncset.done $0x0  }
0x21: {  	[sflag:s8] =	ssyncadd.s32 $0xFFFFD800  }
0x22: {  	[bflag:$0x0] =	sbarrier.arrive $0xFFFF  }
0x23: {  	[tilespmem:s12], [sflag:$0x1] =	stream.strided.gather [spmem:s5], $0x2800, s11, s10, $0x38;
	[tilespmem:$0xC710] =	vst v63  }
0x24: {  	_ =	swait.ge [sflag:s8], $0x2800  }
0x25: {  	[sflag:s8] =	ssyncset.done $0x0  }
0x26: {  	s14 =	simm.s32 $0x1180;
	[sflag:s8] =	ssyncadd.s32 $0xFFFFD800  }
0x27: {  	v18 =	vld [tilespmem:s14+$0x4010]  }
0x28: {  	v19 =	vld [tilespmem:s14+$0x3D90];
	_ =	sdelay $0x1  }
0x29: {  	v20 =	vld [tilespmem:s14+$0x4290];
	_ =	sdelay $0x1  }
0x2a: {  	v21 =	vld [tilespmem:s14+$0x4510]  }
0x2b: {  	v18 =	vadd.f32 v18, v19  }
0x2c: {  	v19 =	vld [tilespmem:s14+$0x4790]  }
0x2d: {  	v18 =	vadd.f32 v20, v18  }
0x2e: {  	v20 =	vld [tilespmem:s14+$0x4A10]  }
0x2f: {  	v18 =	vadd.f32 v21, v18  }
0x30: {  	v55 =	vld [tilespmem:s14+$0x4C90]  }
0x31: {  	v18 =	vadd.f32 v19, v18  }
0x32: {  	v19 =	vld [tilespmem:s14+$0x4F10]  }
0x33: {  	v18 =	vadd.f32 v20, v18  }
0x34: {  	v20 =	vld [tilespmem:s14+$0x5190]  }
0x35: {  	v18 =	vadd.f32 v55, v18  }
0x36: {  	v56 =	vld [tilespmem:s14+$0x5410]  }
0x37: {  	v18 =	vadd.f32 v19, v18  }
0x38: {  	v19 =	vld [tilespmem:s14+$0x5690]  }
0x39: {  	v18 =	vadd.f32 v20, v18  }
0x3a: {  	v20 =	vld [tilespmem:s14+$0x5910]  }
0x3b: {  	v18 =	vadd.f32 v56, v18  }
0x3c: {  	v57 =	vld [tilespmem:s14+$0x5B90]  }
0x3d: {  	v18 =	vadd.f32 v19, v18  }
0x3e: {  	v19 =	vld [tilespmem:s14+$0x5E10]  }
0x3f: {  	v18 =	vadd.f32 v20, v18  }
0x40: {  	v20 =	vld [tilespmem:s14+$0x6090]  }
0x41: {  	v18 =	vadd.f32 v57, v18  }
0x42: {  	v58 =	vld [tilespmem:s14+$0x6310]  }
0x43: {  	v18 =	vadd.f32 v19, v18;
	_ =	sdelay $0x1  }
0x44: {  	v18 =	vadd.f32 v20, v18;
	_ =	sdelay $0x1  }
0x45: {  	v18 =	vadd.f32 v58, v18;
	_ =	sdelay $0x1  }
0x46: {  	v18 =	vadd.f32 $1.000000000e+00, v18;
	_ =	sdelay $0x1  }
0x47: {  	v19 =	vshrl.u32 v18, $0x1;
	v18 =	vmul.f32 $5.000000000e-01, v18  }
0x48: {  	v19 =	vsub.s32 $0x5F3759DF, v19  }
0x49: {  	v20 =	vmul.f32 v19, v18;
	_ =	sdelay $0x1  }
0x4a: {  	v20 =	vmul.f32 v19, v20;
	_ =	sdelay $0x1  }
0x4b: {  	v20 =	vsub.f32 $1.500000000e+00, v20;
	_ =	sdelay $0x1  }
0x4c: {  	v19 =	vmul.f32 v19, v20;
	_ =	sdelay $0x1  }
0x4d: {  	v20 =	vmul.f32 v19, v18;
	_ =	sdelay $0x1  }
0x4e: {  	v20 =	vmul.f32 v20, v19;
	_ =	sdelay $0x1  }
0x4f: {  	v20 =	vsub.f32 $1.500000000e+00, v20;
	_ =	sdelay $0x1  }
0x50: {  	v19 =	vmul.f32 v20, v19;
	_ =	sdelay $0x1  }
0x51: {  	v18 =	vmul.f32 v19, v18;
	_ =	sdelay $0x1  }
0x52: {  	v18 =	vmul.f32 v18, v19;
	_ =	sdelay $0x1  }
0x53: {  	v18 =	vsub.f32 $1.500000000e+00, v18;
	_ =	sdelay $0x1  }
0x54: {  	v18 =	vmul.f32 v18, v19;
	_ =	sdelay $0x1  }
0x55: {  	v19 =	vperm.xlane v18, v17  }
0x56: {  	s14 =	simm.s32 $0x7790;
	v20 =	vperm.xlane v18, v16  }
0x57: {  	v59 =	vperm.xlane v18, v15;
	[tilespmem:s14+$0x70] =	vst v19  }
0x58: {  	v60 =	vperm.xlane v18, v12;
	[tilespmem:s14+$0x60] =	vst v20  }
0x59: {  	v61 =	vperm.xlane v18, v9;
	[tilespmem:s14+$0x50] =	vst v59  }
0x5a: {  	v62 =	vperm.xlane v18, v6;
	[tilespmem:s14+$0x20] =	vst v60  }
0x5b: {  	v63 =	vperm.xlane v18, v2;
	[tilespmem:s14+$0xFFFFFFF0] =	vst v61  }
0x5c: {  	v19 =	vperm.xlane v18, v14;
	[tilespmem:s14+$0xFFFFFFC0] =	vst v62  }
0x5d: {  	v20 =	vperm.xlane v18, v13;
	[tilespmem:s14+$0xFFFFFF90] =	vst v63  }
0x5e: {  	[tilespmem:s14+$0x40] =	vst v19;
	v19 =	vperm.xlane v18, v11  }
0x5f: {  	[tilespmem:s14+$0x30] =	vst v20;
	v20 =	vperm.xlane v18, v10  }
0x60: {  	[tilespmem:s14+$0x10] =	vst v19;
	v19 =	vperm.xlane v18, v8  }
0x61: {  	[tilespmem:s14+$0x0] =	vst v20;
	v20 =	vperm.xlane v18, v7  }
0x62: {  	[tilespmem:s14+$0xFFFFFFE0] =	vst v19;
	v19 =	vperm.xlane v18, v5  }
0x63: {  	[tilespmem:s14+$0xFFFFFFD0] =	vst v20;
	v20 =	vperm.xlane v18, v4  }
0x64: {  	v18 =	vperm.xlane v18, v3;
	[tilespmem:s14+$0xFFFFFFB0] =	vst v19  }
0x65: {  	[tilespmem:s14+$0xFFFFFFA0] =	vst v20  }
0x66: {  	s16 =	simm.s32 $0x1190;
	[tilespmem:s14+$0xFFFFFF80] =	vst v18  }
0x67: {  	s15 =	simm.s32 $0x4680;
	v18 =	vld [tilespmem:s16+$0x4010]  }
.LBB2_6:
0x68: {  	p1 =	sne.s32 s15, $0x4FC0;
	v19 =	vld [tilespmem:s16+$0x3D90]  }
0x69: {  	v20 =	vld [tilespmem:s16+$0x4290]  }
0x6a: {  	v21 =	vld [tilespmem:s16+$0x4510]  }
0x6b: {  	v22 =	vld [tilespmem:s16+$0x4790]  }
0x6c: {  	v23 =	vld [tilespmem:s16+$0x4A10]  }
0x6d: {  	v18 =	vadd.f32 v18, v19;
	v19 =	vld [tilespmem:s16+$0x4C90]  }
0x6e: {  	v24 =	vld [tilespmem:s16+$0x4F10]  }
0x6f: {  	v18 =	vadd.f32 v20, v18;
	v20 =	vld [tilespmem:s16+$0x5190]  }
0x70: {  	v25 =	vld [tilespmem:s16+$0x5410]  }
0x71: {  	v18 =	vadd.f32 v21, v18;
	v21 =	vld [tilespmem:s16+$0x5690]  }
0x72: {  	v26 =	vld [tilespmem:s16+$0x5910]  }
0x73: {  	v18 =	vadd.f32 v22, v18;
	v22 =	vld [tilespmem:s16+$0x5B90]  }
0x74: {  	v27 =	vld [tilespmem:s16+$0x5E10]  }
0x75: {  	v18 =	vadd.f32 v23, v18;
	v23 =	vld [tilespmem:s16+$0x6090]  }
0x76: {  	v28 =	vld [tilespmem:s16+$0x6310]  }
0x77: {  	v18 =	vadd.f32 v19, v18;
	_ =	sdelay $0x1  }
0x78: {  	v18 =	vadd.f32 v24, v18;
	_ =	sdelay $0x1  }
0x79: {  	v18 =	vadd.f32 v20, v18;
	_ =	sdelay $0x1  }
0x7a: {  	v18 =	vadd.f32 v25, v18;
	_ =	sdelay $0x1  }
0x7b: {  	v18 =	vadd.f32 v21, v18;
	_ =	sdelay $0x1  }
0x7c: {  	v18 =	vadd.f32 v26, v18;
	_ =	sdelay $0x1  }
0x7d: {  	v18 =	vadd.f32 v22, v18;
	_ =	sdelay $0x1  }
0x7e: {  	v18 =	vadd.f32 v27, v18;
	_ =	sdelay $0x1  }
0x7f: {  	v18 =	vadd.f32 v23, v18;
	_ =	sdelay $0x1  }
0x80: {  	v18 =	vadd.f32 v28, v18;
	_ =	sdelay $0x1  }
0x81: {  	v18 =	vadd.f32 $1.000000000e+00, v18;
	_ =	sdelay $0x1  }
0x82: {  	v19 =	vshrl.u32 v18, $0x1;
	v18 =	vmul.f32 $5.000000000e-01, v18  }
0x83: {  	v19 =	vsub.s32 $0x5F3759DF, v19  }
0x84: {  	v20 =	vmul.f32 v19, v18;
	_ =	sdelay $0x1  }
0x85: {  	v20 =	vmul.f32 v19, v20;
	_ =	sdelay $0x1  }
0x86: {  	v20 =	vsub.f32 $1.500000000e+00, v20;
	_ =	sdelay $0x1  }
0x87: {  	v19 =	vmul.f32 v19, v20;
	_ =	sdelay $0x1  }
0x88: {  	v20 =	vmul.f32 v19, v18;
	_ =	sdelay $0x1  }
0x89: {  	v20 =	vmul.f32 v20, v19;
	_ =	sdelay $0x1  }
0x8a: {  	v20 =	vsub.f32 $1.500000000e+00, v20;
	_ =	sdelay $0x1  }
0x8b: {  	v19 =	vmul.f32 v20, v19;
	_ =	sdelay $0x1  }
0x8c: {  	v18 =	vmul.f32 v19, v18;
	_ =	sdelay $0x1  }
0x8d: {  	v18 =	vmul.f32 v18, v19;
	_ =	sdelay $0x1  }
0x8e: {  	v18 =	vsub.f32 $1.500000000e+00, v18;
	_ =	sdelay $0x1  }
0x8f: {  	v18 =	vmul.f32 v18, v19;
	_ =	sdelay $0x1  }
0x90: {  	v19 =	vperm.xlane v18, v16;
	v20 =	vperm.xlane v18, v17  }
0x91: {  	s14 =	sadd.s32 $0x100, s14;
	v21 =	vperm.xlane v18, v14;
	v22 =	vperm.xlane v18, v15  }
0x92: {  	v23 =	vperm.xlane v18, v12;
	v24 =	vperm.xlane v18, v13;
	[tilespmem:s14+$0x70] =	vst v20  }
0x93: {  	v25 =	vperm.xlane v18, v11;
	v20 =	vperm.xlane v18, v10;
	[tilespmem:s14+$0x60] =	vst v19  }
0x94: {  	v26 =	vperm.xlane v18, v9;
	v19 =	vperm.xlane v18, v8;
	[tilespmem:s14+$0x50] =	vst v22  }
0x95: {  	v27 =	vperm.xlane v18, v7;
	v22 =	vperm.xlane v18, v6;
	[tilespmem:s14+$0x40] =	vst v21  }
0x96: {  	v28 =	vperm.xlane v18, v5;
	v21 =	vperm.xlane v18, v4;
	[tilespmem:s14+$0x30] =	vst v24  }
0x97: {  	v24 =	vperm.xlane v18, v3;
	v18 =	vperm.xlane v18, v2;
	[tilespmem:s14+$0x20] =	vst v23  }
0x98: {  	[tilespmem:s14+$0x10] =	vst v25  }
0x99: {  	[tilespmem:s14+$0x0] =	vst v20  }
0x9a: {  	[tilespmem:s14+$0xFFFFFFF0] =	vst v26  }
0x9b: {  	[tilespmem:s14+$0xFFFFFFE0] =	vst v19  }
0x9c: {  	[tilespmem:s14+$0xFFFFFFD0] =	vst v27  }
0x9d: {  	[tilespmem:s14+$0xFFFFFFC0] =	vst v22  }
.Ltmp2:
0x9e: {  	[tilespmem:s14+$0xFFFFFFB0] =	vst v28;
	(pc) =	sbr.rel @p1 .LBB2_6-.Ltmp2, $4  }
0x9f: {  	[tilespmem:s14+$0xFFFFFFA0] =	vst v21  }
0xa0: {  	[tilespmem:s14+$0xFFFFFF90] =	vst v18  }
0xa1: {  	s16 =	sshra.s32 s15, $0x2;
	[tilespmem:s14+$0xFFFFFF80] =	vst v24  }
0xa2: {  	s15 =	sadd.s32 $0x40, s15;
	v18 =	vld [tilespmem:s16+$0x4010]  }
0xa3: {  	v19 =	vld [tilespmem:s16+$0x3D90];
	_ =	sdelay $0x1  }
0xa4: {  	v20 =	vld [tilespmem:s16+$0x4290];
	_ =	sdelay $0x1  }
0xa5: {  	v21 =	vld [tilespmem:s16+$0x4510]  }
0xa6: {  	v18 =	vadd.f32 v18, v19  }
0xa7: {  	v19 =	vld [tilespmem:s16+$0x4790]  }
0xa8: {  	v18 =	vadd.f32 v20, v18  }
0xa9: {  	v45 =	vld [tilespmem:s16+$0x4A10]  }
0xaa: {  	v18 =	vadd.f32 v21, v18  }
0xab: {  	v46 =	vld [tilespmem:s16+$0x4C90]  }
0xac: {  	v18 =	vadd.f32 v19, v18  }
0xad: {  	v19 =	vld [tilespmem:s16+$0x4F10]  }
0xae: {  	v18 =	vadd.f32 v45, v18  }
0xaf: {  	v47 =	vld [tilespmem:s16+$0x5190]  }
0xb0: {  	v18 =	vadd.f32 v46, v18  }
0xb1: {  	v48 =	vld [tilespmem:s16+$0x5410]  }
0xb2: {  	v18 =	vadd.f32 v19, v18  }
0xb3: {  	v19 =	vld [tilespmem:s16+$0x5690]  }
0xb4: {  	v18 =	vadd.f32 v47, v18  }
0xb5: {  	v49 =	vld [tilespmem:s16+$0x5910]  }
0xb6: {  	v18 =	vadd.f32 v48, v18  }
0xb7: {  	v50 =	vld [tilespmem:s16+$0x5B90]  }
0xb8: {  	v18 =	vadd.f32 v19, v18  }
0xb9: {  	v19 =	vld [tilespmem:s16+$0x5E10]  }
0xba: {  	v18 =	vadd.f32 v49, v18  }
0xbb: {  	v51 =	vld [tilespmem:s16+$0x6090]  }
0xbc: {  	v18 =	vadd.f32 v50, v18  }
0xbd: {  	v52 =	vld [tilespmem:s16+$0x6310]  }
0xbe: {  	v18 =	vadd.f32 v19, v18;
	_ =	sdelay $0x1  }
0xbf: {  	v18 =	vadd.f32 v51, v18;
	_ =	sdelay $0x1  }
0xc0: {  	v18 =	vadd.f32 v52, v18;
	_ =	sdelay $0x1  }
0xc1: {  	v18 =	vadd.f32 $1.000000000e+00, v18;
	_ =	sdelay $0x1  }
0xc2: {  	v19 =	vshrl.u32 v18, $0x1;
	v18 =	vmul.f32 $5.000000000e-01, v18  }
0xc3: {  	v19 =	vsub.s32 $0x5F3759DF, v19  }
0xc4: {  	v53 =	vmul.f32 v19, v18;
	_ =	sdelay $0x1  }
0xc5: {  	v20 =	vmul.f32 v19, v53;
	_ =	sdelay $0x1  }
0xc6: {  	v20 =	vsub.f32 $1.500000000e+00, v20;
	_ =	sdelay $0x1  }
0xc7: {  	v19 =	vmul.f32 v19, v20;
	_ =	sdelay $0x1  }
0xc8: {  	v20 =	vmul.f32 v19, v18;
	_ =	sdelay $0x1  }
0xc9: {  	v20 =	vmul.f32 v20, v19;
	_ =	sdelay $0x1  }
0xca: {  	v20 =	vsub.f32 $1.500000000e+00, v20;
	_ =	sdelay $0x1  }
0xcb: {  	v19 =	vmul.f32 v20, v19;
	_ =	sdelay $0x1  }
0xcc: {  	v18 =	vmul.f32 v19, v18;
	_ =	sdelay $0x1  }
0xcd: {  	v18 =	vmul.f32 v18, v19;
	_ =	sdelay $0x1  }
0xce: {  	v18 =	vsub.f32 $1.500000000e+00, v18;
	_ =	sdelay $0x1  }
0xcf: {  	v18 =	vmul.f32 v18, v19;
	_ =	sdelay $0x1  }
0xd0: {  	v19 =	vperm.xlane v18, v17  }
0xd1: {  	s14 =	sadd.s32 $0x100, s14;
	v54 =	vperm.xlane v18, v16  }
0xd2: {  	v55 =	vperm.xlane v18, v15;
	[tilespmem:s14+$0x70] =	vst v19  }
0xd3: {  	v56 =	vperm.xlane v18, v13;
	[tilespmem:s14+$0x60] =	vst v54  }
0xd4: {  	v57 =	vperm.xlane v18, v12;
	[tilespmem:s14+$0x50] =	vst v55  }
0xd5: {  	v58 =	vperm.xlane v18, v10;
	[tilespmem:s14+$0x30] =	vst v56  }
0xd6: {  	v59 =	vperm.xlane v18, v9;
	[tilespmem:s14+$0x20] =	vst v57  }
0xd7: {  	v60 =	vperm.xlane v18, v7;
	[tilespmem:s14+$0x0] =	vst v58  }
0xd8: {  	v19 =	vperm.xlane v18, v14;
	[tilespmem:s14+$0xFFFFFFF0] =	vst v59  }
0xd9: {  	v61 =	vperm.xlane v18, v6;
	[tilespmem:s14+$0xFFFFFFD0] =	vst v60  }
0xda: {  	[tilespmem:s14+$0x40] =	vst v19;
	v19 =	vperm.xlane v18, v11  }
0xdb: {  	v62 =	vperm.xlane v18, v4;
	[tilespmem:s14+$0xFFFFFFC0] =	vst v61  }
0xdc: {  	[tilespmem:s14+$0x10] =	vst v19;
	v19 =	vperm.xlane v18, v8  }
0xdd: {  	v63 =	vperm.xlane v18, v2;
	[tilespmem:s14+$0xFFFFFFA0] =	vst v62  }
0xde: {  	[tilespmem:s14+$0xFFFFFFE0] =	vst v19;
	v19 =	vperm.xlane v18, v5  }
0xdf: {  	[tilespmem:s14+$0xFFFFFF90] =	vst v63;
	v18 =	vperm.xlane v18, v3  }
0xe0: {  	s13 =	sadd.s32 $0x1, s13;
	[tilespmem:s14+$0xFFFFFFB0] =	vst v19  }
0xe1: {  	s15 =	simm.s32 @p0 $0x7710;
	p1 =	sne.s32 s13, s7;
	[tilespmem:s14+$0xFFFFFF80] =	vst v18;
	s14 =	simm.s32 @p0 $0x0  }
0xe2: {  	[hbm4b:s6+s14] =	stream.linear.scatter @p0 [tilespmem:s15], [sflag:$0x1], $0x2800, $0x38;
	[tilespmem:$0xC710] =	vst v63  }
.Ltmp3:
0xe3: {  	_ = 	snop;
	(pc) =	sbr.rel @p1 .LBB2_1-.Ltmp3, $4  }
0xe4: {  	s14 =	simm.s32 @p0 $0x1  }
0xe5: {  	_ =	swait.ge @p0 [sflag:s14], $0x2800  }
0xe6: {  	[sflag:s14] =	ssyncset.done @p0 $0x0  }
0xe7: {  	[sflag:s14] =	ssyncadd.s32 @p0 $0xFFFFD800  }
0xe8: {  	_ =	sfence.sel $0x180000  }
0xe9: {  	[bflag:$0x0] =	sbarrier.arrive $0xFFFF  }
0xea: {  	p0 =	sne.s32 s1, $0x0;
	_ =	strace $0x90000047  }
0xeb: {  	s0 =	sadd.s32 @!p0 $0x100000, s0;
	[bflag:$0x2] =	sbarrier.arrive $0xFFFF  }
0xec: {  	[sflag:s0] =	ssyncadd.tile.s32 @!p0 $0x1;
	_ =	shalt  }
.Lfunc_end2:
_tile_overlayer_lowered:
.L_overlay_start_2:
0xed: {  	(tag) =	ssettag $0x2  }
0xee: {  	s0 =	rddreg [dreg:$0x0];
	s2 =	stileid.u32  }
0xef: {  	s1 =	rddreg [dreg:$0x1];
	p0 =	sne.s32 s2, $0x0  }
0xf0: {  	s3 =	rddreg [dreg:$0x2];
	[bflag:$0x3] =	sbarrier.arrive $0xFFFF;
	s2 =	simm.s32 @!p0 $0x1C01  }
0xf1: {  	[timem:s3], [sflag:s2] =	dma.local @!p0 [hbm:s0], s1  }
0xf2: {  	s0 =	simm.s32 @!p0 $0x1  }
0xf3: {  	_ =	swait.ge @!p0 [sflag:s0], s1  }
0xf4: {  	s1 =	ssub.s32 @!p0 $0x0, s1;
	[sflag:s0] =	ssyncset.done @!p0 $0x0  }
0xf5: {  	[sflag:s0] =	ssyncadd.s32 @!p0 s1  }
0xf6: {  	[bflag:$0x3] =	sbarrier.arrive $0xFFFF  }
0xf7: {  	_ =	shalt  }

</sc_bundles>
